<compile_context>
chip_gen: v7x
topology: tpu7x:2x2x1
jax: 0.10.2.dev20260603
libtpu: 0.0.44.dev20260713+nightly
codegen_flags: <defaults>
</compile_context>

<pallas_src>
import functools

import jax
import jax.numpy as jnp
from jax import lax
from jax.experimental import pallas as pl
from jax.experimental.pallas import tpu as pltpu
from jax.experimental.pallas import tpu_sc as plsc

_B, _H, _W, _C = 32, 512, 512, 3
_BLK_H = 64
_NBLK = _H // _BLK_H


def _sc_body(in_hbm, out_hbm, buf, insem, outsem0, outsem1, outsem2):
    cid = lax.axis_index("c")
    sid = lax.axis_index("s")
    wid = sid * 2 + cid

    n = _C * _NBLK

    def src(i):
        c, hb = divmod(i, _NBLK)
        return in_hbm.at[wid, 2 - c, pl.ds(hb * _BLK_H, _BLK_H)]

    def dst(i):
        c, hb = divmod(i, _NBLK)
        return out_hbm.at[wid, c, pl.ds(hb * _BLK_H, _BLK_H)]

    outsems = (outsem0, outsem1, outsem2)
    reads = [None] * n
    writes = [None, None, None]
    reads[0] = pltpu.async_copy(src(0), buf.at[0], insem)
    reads[1] = pltpu.async_copy(src(1), buf.at[1], insem)
    for i in range(n):
        s = i % 3
        reads[i].wait()
        writes[s] = pltpu.async_copy(buf.at[s], dst(i), outsems[s])
        if i + 2 < n:
            s2 = (i + 2) % 3
            if writes[s2] is not None:
                writes[s2].wait()
                writes[s2] = None
            reads[i + 2] = pltpu.async_copy(src(i + 2), buf.at[s2], insem)
    for cp in writes:
        if cp is not None:
            cp.wait()


def kernel(inputs):
    x = jnp.transpose(inputs, (0, 3, 1, 2))
    mesh = plsc.VectorSubcoreMesh(core_axis_name="c", subcore_axis_name="s")
    run = functools.partial(
        pl.kernel,
        mesh=mesh,
        out_type=jax.ShapeDtypeStruct((_B, _C, _H, _W), jnp.float32),
        scratch_types=[
            pltpu.VMEM((3, _BLK_H, _W), jnp.float32),
            pltpu.SemaphoreType.DMA,
            pltpu.SemaphoreType.DMA,
            pltpu.SemaphoreType.DMA,
            pltpu.SemaphoreType.DMA,
        ],
        compiler_params=pltpu.CompilerParams(
            needs_layout_passes=False, use_tc_tiling_on_sc=True
        ),
    )(_sc_body)
    out = run(x)
    return jnp.transpose(out, (0, 2, 3, 1))

# --- scband reference (transcript-rebuilt; emitter-appended) ---
"""Pipeline reference for scband-random-permutation-77068893160418 (READ-ONLY COPY).

The authoritative reference and input builder live on the scoring server;
editing this copy changes nothing except your own understanding.
"""

import jax, jax.numpy as jnp
import numpy as np

# Deterministic stand-in for the layer's stochastic behavior:
# fix np RNG seed so the permutation branch and permutation itself are reproducible.
_rng = np.random.RandomState(0)
_AXIS = [0, 1, 2]
_idx = _rng.permutation(np.array(_AXIS))
_C = 3  # last-dim size of inputs
_final_idx = []
_last_used = 0
for _i in range(_C):
    if _i in _idx:
        _final_idx.append(int(_idx[_last_used]))
        _last_used += 1
    else:
        _final_idx.append(_i)
FINAL_IDX = jnp.array(_final_idx, dtype=jnp.int32)


def setup_inputs(seed: int = 0) -> dict:
    key = jax.random.key(seed)
    inputs = jax.random.normal(key, (32, 512, 512, 3), dtype=jnp.float32)
    return {"inputs": inputs}


def reference(inputs):
    # training=True path with the permutation branch taken (prob branch made deterministic)
    return jnp.take(inputs, FINAL_IDX, axis=-1)

if __name__ == "__main__":
    import jax
    _d = setup_inputs()
    print(jax.jit(kernel)(*tuple(_d.values())))

</pallas_src>

<mosaic_0001>
#map = affine_map<(d0, d1) -> (0, 0, 0, 0)>
module attributes {stable_mosaic.version = 14 : i64} {
  func.func @_sc_body(%arg0: i32, %arg1: i32, %arg2: memref<32x3x512x512xf32, #tpu.memory_space<hbm>>, %arg3: memref<32x3x512x512xf32, #tpu.memory_space<hbm>>, %arg4: memref<3x64x512xf32, #tpu.memory_space<vmem>>, %arg5: memref<!tpu.dma_semaphore, #tpu.memory_space<semaphore_mem>>, %arg6: memref<!tpu.dma_semaphore, #tpu.memory_space<semaphore_mem>>, %arg7: memref<!tpu.dma_semaphore, #tpu.memory_space<semaphore_mem>>, %arg8: memref<!tpu.dma_semaphore, #tpu.memory_space<semaphore_mem>>) attributes {dimension_semantics = [#tpu.dimension_semantics<core_parallel>, #tpu.dimension_semantics<subcore_parallel>], iteration_bounds = array<i64: 2, 16>, scalar_prefetch = 0 : i64, scratch_operands = 5 : i64, tpu.core_type = #tpu.core_type<sc_vector_subcore>, window_params = [{transform_indices = #map}, {transform_indices = #map}]} {
    %mul3A = arith.constant 2 : i32
    %mul3A_0 = arith.muli %arg1, %mul3A : i32
    %add3A = arith.addi %mul3A_0, %arg0 : i32
    %dma_start3A = arith.constant 2 : i32
    %dma_start3A_1 = arith.constant 0 : i32
    %dma_start3A_2 = arith.constant 0 : i32
    %dma_start3A_3 = arith.constant 0 : i32
    %dma_start3A_4 = tpu.memref_slice %arg4[%dma_start3A_1, %dma_start3A_2, %dma_start3A_3] : memref<3x64x512xf32, #tpu.memory_space<vmem>> -> memref<1x64x512xf32, #tpu.memory_space<vmem>>
    %dma_start3A_5 = tpu.memref_squeeze %dma_start3A_4 : memref<1x64x512xf32, #tpu.memory_space<vmem>> -> memref<64x512xf32, #tpu.memory_space<vmem>>
    %dma_start3A_6 = arith.constant 0 : i32
    %dma_start3A_7 = arith.constant 0 : i32
    %dma_start3A_8 = tpu.memref_slice %arg2[%add3A, %dma_start3A, %dma_start3A_6, %dma_start3A_7] : memref<32x3x512x512xf32, #tpu.memory_space<hbm>> -> memref<1x1x64x512xf32, #tpu.memory_space<hbm>>
    %dma_start3A_9 = tpu.memref_squeeze %dma_start3A_8 : memref<1x1x64x512xf32, #tpu.memory_space<hbm>> -> memref<64x512xf32, #tpu.memory_space<hbm>>
    %dma_start3A_10 = arith.constant 0 : i32
    %dma_start3A_11 = arith.constant 0 : i32
    %dma_start3A_12 = tpu.memref_slice %arg4[%dma_start3A_1, %dma_start3A_10, %dma_start3A_11] : memref<3x64x512xf32, #tpu.memory_space<vmem>> -> memref<1x64x512xf32, #tpu.memory_space<vmem>>
    %dma_start3A_13 = tpu.memref_squeeze %dma_start3A_12 : memref<1x64x512xf32, #tpu.memory_space<vmem>> -> memref<64x512xf32, #tpu.memory_space<vmem>>
    %dma_start3A_14 = arith.constant 0 : i32
    %dma_start3A_15 = arith.constant 0 : i32
    %dma_start3A_16 = tpu.memref_slice %arg2[%add3A, %dma_start3A, %dma_start3A_14, %dma_start3A_15] : memref<32x3x512x512xf32, #tpu.memory_space<hbm>> -> memref<1x1x64x512xf32, #tpu.memory_space<hbm>>
    %dma_start3A_17 = tpu.memref_squeeze %dma_start3A_16 : memref<1x1x64x512xf32, #tpu.memory_space<hbm>> -> memref<64x512xf32, #tpu.memory_space<hbm>>
    tpu.enqueue_dma source(%dma_start3A_17 : memref<64x512xf32, #tpu.memory_space<hbm>>) target(%dma_start3A_13 : memref<64x512xf32, #tpu.memory_space<vmem>>) target_semaphore(%arg5 : memref<!tpu.dma_semaphore, #tpu.memory_space<semaphore_mem>>)
    %dma_start3A_18 = arith.constant 2 : i32
    %dma_start3A_19 = arith.constant 1 : i32
    %dma_start3A_20 = arith.constant 0 : i32
    %dma_start3A_21 = arith.constant 0 : i32
    %dma_start3A_22 = tpu.memref_slice %arg4[%dma_start3A_19, %dma_start3A_20, %dma_start3A_21] : memref<3x64x512xf32, #tpu.memory_space<vmem>> -> memref<1x64x512xf32, #tpu.memory_space<vmem>>
    %dma_start3A_23 = tpu.memref_squeeze %dma_start3A_22 : memref<1x64x512xf32, #tpu.memory_space<vmem>> -> memref<64x512xf32, #tpu.memory_space<vmem>>
    %dma_start3A_24 = arith.constant 64 : i32
    %dma_start3A_25 = arith.constant 0 : i32
    %dma_start3A_26 = tpu.memref_slice %arg2[%add3A, %dma_start3A_18, %dma_start3A_24, %dma_start3A_25] : memref<32x3x512x512xf32, #tpu.memory_space<hbm>> -> memref<1x1x64x512xf32, #tpu.memory_space<hbm>>
    %dma_start3A_27 = tpu.memref_squeeze %dma_start3A_26 : memref<1x1x64x512xf32, #tpu.memory_space<hbm>> -> memref<64x512xf32, #tpu.memory_space<hbm>>
    %dma_start3A_28 = arith.constant 0 : i32
    %dma_start3A_29 = arith.constant 0 : i32
    %dma_start3A_30 = tpu.memref_slice %arg4[%dma_start3A_19, %dma_start3A_28, %dma_start3A_29] : memref<3x64x512xf32, #tpu.memory_space<vmem>> -> memref<1x64x512xf32, #tpu.memory_space<vmem>>
    %dma_start3A_31 = tpu.memref_squeeze %dma_start3A_30 : memref<1x64x512xf32, #tpu.memory_space<vmem>> -> memref<64x512xf32, #tpu.memory_space<vmem>>
    %dma_start3A_32 = arith.constant 64 : i32
    %dma_start3A_33 = arith.constant 0 : i32
    %dma_start3A_34 = tpu.memref_slice %arg2[%add3A, %dma_start3A_18, %dma_start3A_32, %dma_start3A_33] : memref<32x3x512x512xf32, #tpu.memory_space<hbm>> -> memref<1x1x64x512xf32, #tpu.memory_space<hbm>>
    %dma_start3A_35 = tpu.memref_squeeze %dma_start3A_34 : memref<1x1x64x512xf32, #tpu.memory_space<hbm>> -> memref<64x512xf32, #tpu.memory_space<hbm>>
    tpu.enqueue_dma source(%dma_start3A_35 : memref<64x512xf32, #tpu.memory_space<hbm>>) target(%dma_start3A_31 : memref<64x512xf32, #tpu.memory_space<vmem>>) target_semaphore(%arg5 : memref<!tpu.dma_semaphore, #tpu.memory_space<semaphore_mem>>)
    %dma_wait3A = arith.constant 2 : i32
    %dma_wait3A_36 = arith.constant 0 : i32
    %dma_wait3A_37 = arith.constant 0 : i32
    %dma_wait3A_38 = arith.constant 0 : i32
    %dma_wait3A_39 = tpu.memref_slice %arg4[%dma_wait3A_36, %dma_wait3A_37, %dma_wait3A_38] : memref<3x64x512xf32, #tpu.memory_space<vmem>> -> memref<1x64x512xf32, #tpu.memory_space<vmem>>
    %dma_wait3A_40 = tpu.memref_squeeze %dma_wait3A_39 : memref<1x64x512xf32, #tpu.memory_space<vmem>> -> memref<64x512xf32, #tpu.memory_space<vmem>>
    %dma_wait3A_41 = arith.constant 0 : i32
    %dma_wait3A_42 = arith.constant 0 : i32
    %dma_wait3A_43 = tpu.memref_slice %arg2[%add3A, %dma_wait3A, %dma_wait3A_41, %dma_wait3A_42] : memref<32x3x512x512xf32, #tpu.memory_space<hbm>> -> memref<1x1x64x512xf32, #tpu.memory_space<hbm>>
    %dma_wait3A_44 = tpu.memref_squeeze %dma_wait3A_43 : memref<1x1x64x512xf32, #tpu.memory_space<hbm>> -> memref<64x512xf32, #tpu.memory_space<hbm>>
    %dma_wait3A_45 = arith.constant 0 : i32
    %dma_wait3A_46 = arith.constant 0 : i32
    %dma_wait3A_47 = tpu.memref_slice %arg4[%dma_wait3A_36, %dma_wait3A_45, %dma_wait3A_46] : memref<3x64x512xf32, #tpu.memory_space<vmem>> -> memref<1x64x512xf32, #tpu.memory_space<vmem>>
    %dma_wait3A_48 = tpu.memref_squeeze %dma_wait3A_47 : memref<1x64x512xf32, #tpu.memory_space<vmem>> -> memref<64x512xf32, #tpu.memory_space<vmem>>
    %dma_wait3A_49 = arith.constant 0 : i32
    %dma_wait3A_50 = arith.constant 0 : i32
    %dma_wait3A_51 = tpu.memref_slice %arg2[%add3A, %dma_wait3A, %dma_wait3A_49, %dma_wait3A_50] : memref<32x3x512x512xf32, #tpu.memory_space<hbm>> -> memref<1x1x64x512xf32, #tpu.memory_space<hbm>>
    %dma_wait3A_52 = tpu.memref_squeeze %dma_wait3A_51 : memref<1x1x64x512xf32, #tpu.memory_space<hbm>> -> memref<64x512xf32, #tpu.memory_space<hbm>>
    tpu.wait_dma2 semaphore(%arg5 : memref<!tpu.dma_semaphore, #tpu.memory_space<semaphore_mem>>) src(%dma_wait3A_52 : memref<64x512xf32, #tpu.memory_space<hbm>>) dst(%dma_wait3A_48 : memref<64x512xf32, #tpu.memory_space<vmem>>)
    %dma_start3A_53 = arith.constant 0 : i32
    %dma_start3A_54 = arith.constant 0 : i32
    %dma_start3A_55 = arith.constant 0 : i32
    %dma_start3A_56 = arith.constant 0 : i32
    %dma_start3A_57 = tpu.memref_slice %arg4[%dma_start3A_53, %dma_start3A_55, %dma_start3A_56] : memref<3x64x512xf32, #tpu.memory_space<vmem>> -> memref<1x64x512xf32, #tpu.memory_space<vmem>>
    %dma_start3A_58 = tpu.memref_squeeze %dma_start3A_57 : memref<1x64x512xf32, #tpu.memory_space<vmem>> -> memref<64x512xf32, #tpu.memory_space<vmem>>
    %dma_start3A_59 = arith.constant 0 : i32
    %dma_start3A_60 = arith.constant 0 : i32
    %dma_start3A_61 = tpu.memref_slice %arg3[%add3A, %dma_start3A_54, %dma_start3A_59, %dma_start3A_60] : memref<32x3x512x512xf32, #tpu.memory_space<hbm>> -> memref<1x1x64x512xf32, #tpu.memory_space<hbm>>
    %dma_start3A_62 = tpu.memref_squeeze %dma_start3A_61 : memref<1x1x64x512xf32, #tpu.memory_space<hbm>> -> memref<64x512xf32, #tpu.memory_space<hbm>>
    %dma_start3A_63 = arith.constant 0 : i32
    %dma_start3A_64 = arith.constant 0 : i32
    %dma_start3A_65 = tpu.memref_slice %arg3[%add3A, %dma_start3A_54, %dma_start3A_63, %dma_start3A_64] : memref<32x3x512x512xf32, #tpu.memory_space<hbm>> -> memref<1x1x64x512xf32, #tpu.memory_space<hbm>>
    %dma_start3A_66 = tpu.memref_squeeze %dma_start3A_65 : memref<1x1x64x512xf32, #tpu.memory_space<hbm>> -> memref<64x512xf32, #tpu.memory_space<hbm>>
    %dma_start3A_67 = arith.constant 0 : i32
    %dma_start3A_68 = arith.constant 0 : i32
    %dma_start3A_69 = tpu.memref_slice %arg4[%dma_start3A_53, %dma_start3A_67, %dma_start3A_68] : memref<3x64x512xf32, #tpu.memory_space<vmem>> -> memref<1x64x512xf32, #tpu.memory_space<vmem>>
    %dma_start3A_70 = tpu.memref_squeeze %dma_start3A_69 : memref<1x64x512xf32, #tpu.memory_space<vmem>> -> memref<64x512xf32, #tpu.memory_space<vmem>>
    tpu.enqueue_dma source(%dma_start3A_70 : memref<64x512xf32, #tpu.memory_space<vmem>>) target(%dma_start3A_66 : memref<64x512xf32, #tpu.memory_space<hbm>>) target_semaphore(%arg6 : memref<!tpu.dma_semaphore, #tpu.memory_space<semaphore_mem>>)
    %dma_start3A_71 = arith.constant 2 : i32
    %dma_start3A_72 = arith.constant 2 : i32
    %dma_start3A_73 = arith.constant 0 : i32
    %dma_start3A_74 = arith.constant 0 : i32
    %dma_start3A_75 = tpu.memref_slice %arg4[%dma_start3A_72, %dma_start3A_73, %dma_start3A_74] : memref<3x64x512xf32, #tpu.memory_space<vmem>> -> memref<1x64x512xf32, #tpu.memory_space<vmem>>
    %dma_start3A_76 = tpu.memref_squeeze %dma_start3A_75 : memref<1x64x512xf32, #tpu.memory_space<vmem>> -> memref<64x512xf32, #tpu.memory_space<vmem>>
    %dma_start3A_77 = arith.constant 128 : i32
    %dma_start3A_78 = arith.constant 0 : i32
    %dma_start3A_79 = tpu.memref_slice %arg2[%add3A, %dma_start3A_71, %dma_start3A_77, %dma_start3A_78] : memref<32x3x512x512xf32, #tpu.memory_space<hbm>> -> memref<1x1x64x512xf32, #tpu.memory_space<hbm>>
    %dma_start3A_80 = tpu.memref_squeeze %dma_start3A_79 : memref<1x1x64x512xf32, #tpu.memory_space<hbm>> -> memref<64x512xf32, #tpu.memory_space<hbm>>
    %dma_start3A_81 = arith.constant 0 : i32
    %dma_start3A_82 = arith.constant 0 : i32
    %dma_start3A_83 = tpu.memref_slice %arg4[%dma_start3A_72, %dma_start3A_81, %dma_start3A_82] : memref<3x64x512xf32, #tpu.memory_space<vmem>> -> memref<1x64x512xf32, #tpu.memory_space<vmem>>
    %dma_start3A_84 = tpu.memref_squeeze %dma_start3A_83 : memref<1x64x512xf32, #tpu.memory_space<vmem>> -> memref<64x512xf32, #tpu.memory_space<vmem>>
    %dma_start3A_85 = arith.constant 128 : i32
    %dma_start3A_86 = arith.constant 0 : i32
    %dma_start3A_87 = tpu.memref_slice %arg2[%add3A, %dma_start3A_71, %dma_start3A_85, %dma_start3A_86] : memref<32x3x512x512xf32, #tpu.memory_space<hbm>> -> memref<1x1x64x512xf32, #tpu.memory_space<hbm>>
    %dma_start3A_88 = tpu.memref_squeeze %dma_start3A_87 : memref<1x1x64x512xf32, #tpu.memory_space<hbm>> -> memref<64x512xf32, #tpu.memory_space<hbm>>
    tpu.enqueue_dma source(%dma_start3A_88 : memref<64x512xf32, #tpu.memory_space<hbm>>) target(%dma_start3A_84 : memref<64x512xf32, #tpu.memory_space<vmem>>) target_semaphore(%arg5 : memref<!tpu.dma_semaphore, #tpu.memory_space<semaphore_mem>>)
    %dma_wait3A_89 = arith.constant 2 : i32
    %dma_wait3A_90 = arith.constant 1 : i32
    %dma_wait3A_91 = arith.constant 0 : i32
    %dma_wait3A_92 = arith.constant 0 : i32
    %dma_wait3A_93 = tpu.memref_slice %arg4[%dma_wait3A_90, %dma_wait3A_91, %dma_wait3A_92] : memref<3x64x512xf32, #tpu.memory_space<vmem>> -> memref<1x64x512xf32, #tpu.memory_space<vmem>>
    %dma_wait3A_94 = tpu.memref_squeeze %dma_wait3A_93 : memref<1x64x512xf32, #tpu.memory_space<vmem>> -> memref<64x512xf32, #tpu.memory_space<vmem>>
    %dma_wait3A_95 = arith.constant 64 : i32
    %dma_wait3A_96 = arith.constant 0 : i32
    %dma_wait3A_97 = tpu.memref_slice %arg2[%add3A, %dma_wait3A_89, %dma_wait3A_95, %dma_wait3A_96] : memref<32x3x512x512xf32, #tpu.memory_space<hbm>> -> memref<1x1x64x512xf32, #tpu.memory_space<hbm>>
    %dma_wait3A_98 = tpu.memref_squeeze %dma_wait3A_97 : memref<1x1x64x512xf32, #tpu.memory_space<hbm>> -> memref<64x512xf32, #tpu.memory_space<hbm>>
    %dma_wait3A_99 = arith.constant 0 : i32
    %dma_wait3A_100 = arith.constant 0 : i32
    %dma_wait3A_101 = tpu.memref_slice %arg4[%dma_wait3A_90, %dma_wait3A_99, %dma_wait3A_100] : memref<3x64x512xf32, #tpu.memory_space<vmem>> -> memref<1x64x512xf32, #tpu.memory_space<vmem>>
    %dma_wait3A_102 = tpu.memref_squeeze %dma_wait3A_101 : memref<1x64x512xf32, #tpu.memory_space<vmem>> -> memref<64x512xf32, #tpu.memory_space<vmem>>
    %dma_wait3A_103 = arith.constant 64 : i32
    %dma_wait3A_104 = arith.constant 0 : i32
    %dma_wait3A_105 = tpu.memref_slice %arg2[%add3A, %dma_wait3A_89, %dma_wait3A_103, %dma_wait3A_104] : memref<32x3x512x512xf32, #tpu.memory_space<hbm>> -> memref<1x1x64x512xf32, #tpu.memory_space<hbm>>
    %dma_wait3A_106 = tpu.memref_squeeze %dma_wait3A_105 : memref<1x1x64x512xf32, #tpu.memory_space<hbm>> -> memref<64x512xf32, #tpu.memory_space<hbm>>
    tpu.wait_dma2 semaphore(%arg5 : memref<!tpu.dma_semaphore, #tpu.memory_space<semaphore_mem>>) src(%dma_wait3A_106 : memref<64x512xf32, #tpu.memory_space<hbm>>) dst(%dma_wait3A_102 : memref<64x512xf32, #tpu.memory_space<vmem>>)
    %dma_start3A_107 = arith.constant 1 : i32
    %dma_start3A_108 = arith.constant 0 : i32
    %dma_start3A_109 = arith.constant 0 : i32
    %dma_start3A_110 = arith.constant 0 : i32
    %dma_start3A_111 = tpu.memref_slice %arg4[%dma_start3A_107, %dma_start3A_109, %dma_start3A_110] : memref<3x64x512xf32, #tpu.memory_space<vmem>> -> memref<1x64x512xf32, #tpu.memory_space<vmem>>
    %dma_start3A_112 = tpu.memref_squeeze %dma_start3A_111 : memref<1x64x512xf32, #tpu.memory_space<vmem>> -> memref<64x512xf32, #tpu.memory_space<vmem>>
    %dma_start3A_113 = arith.constant 64 : i32
    %dma_start3A_114 = arith.constant 0 : i32
    %dma_start3A_115 = tpu.memref_slice %arg3[%add3A, %dma_start3A_108, %dma_start3A_113, %dma_start3A_114] : memref<32x3x512x512xf32, #tpu.memory_space<hbm>> -> memref<1x1x64x512xf32, #tpu.memory_space<hbm>>
    %dma_start3A_116 = tpu.memref_squeeze %dma_start3A_115 : memref<1x1x64x512xf32, #tpu.memory_space<hbm>> -> memref<64x512xf32, #tpu.memory_space<hbm>>
    %dma_start3A_117 = arith.constant 64 : i32
    %dma_start3A_118 = arith.constant 0 : i32
    %dma_start3A_119 = tpu.memref_slice %arg3[%add3A, %dma_start3A_108, %dma_start3A_117, %dma_start3A_118] : memref<32x3x512x512xf32, #tpu.memory_space<hbm>> -> memref<1x1x64x512xf32, #tpu.memory_space<hbm>>
    %dma_start3A_120 = tpu.memref_squeeze %dma_start3A_119 : memref<1x1x64x512xf32, #tpu.memory_space<hbm>> -> memref<64x512xf32, #tpu.memory_space<hbm>>
    %dma_start3A_121 = arith.constant 0 : i32
    %dma_start3A_122 = arith.constant 0 : i32
    %dma_start3A_123 = tpu.memref_slice %arg4[%dma_start3A_107, %dma_start3A_121, %dma_start3A_122] : memref<3x64x512xf32, #tpu.memory_space<vmem>> -> memref<1x64x512xf32, #tpu.memory_space<vmem>>
    %dma_start3A_124 = tpu.memref_squeeze %dma_start3A_123 : memref<1x64x512xf32, #tpu.memory_space<vmem>> -> memref<64x512xf32, #tpu.memory_space<vmem>>
    tpu.enqueue_dma source(%dma_start3A_124 : memref<64x512xf32, #tpu.memory_space<vmem>>) target(%dma_start3A_120 : memref<64x512xf32, #tpu.memory_space<hbm>>) target_semaphore(%arg7 : memref<!tpu.dma_semaphore, #tpu.memory_space<semaphore_mem>>)
    %dma_wait3A_125 = arith.constant 0 : i32
    %dma_wait3A_126 = arith.constant 0 : i32
    %dma_wait3A_127 = arith.constant 0 : i32
    %dma_wait3A_128 = arith.constant 0 : i32
    %dma_wait3A_129 = tpu.memref_slice %arg4[%dma_wait3A_125, %dma_wait3A_127, %dma_wait3A_128] : memref<3x64x512xf32, #tpu.memory_space<vmem>> -> memref<1x64x512xf32, #tpu.memory_space<vmem>>
    %dma_wait3A_130 = tpu.memref_squeeze %dma_wait3A_129 : memref<1x64x512xf32, #tpu.memory_space<vmem>> -> memref<64x512xf32, #tpu.memory_space<vmem>>
    %dma_wait3A_131 = arith.constant 0 : i32
    %dma_wait3A_132 = arith.constant 0 : i32
    %dma_wait3A_133 = tpu.memref_slice %arg3[%add3A, %dma_wait3A_126, %dma_wait3A_131, %dma_wait3A_132] : memref<32x3x512x512xf32, #tpu.memory_space<hbm>> -> memref<1x1x64x512xf32, #tpu.memory_space<hbm>>
    %dma_wait3A_134 = tpu.memref_squeeze %dma_wait3A_133 : memref<1x1x64x512xf32, #tpu.memory_space<hbm>> -> memref<64x512xf32, #tpu.memory_space<hbm>>
    %dma_wait3A_135 = arith.constant 0 : i32
    %dma_wait3A_136 = arith.constant 0 : i32
    %dma_wait3A_137 = tpu.memref_slice %arg3[%add3A, %dma_wait3A_126, %dma_wait3A_135, %dma_wait3A_136] : memref<32x3x512x512xf32, #tpu.memory_space<hbm>> -> memref<1x1x64x512xf32, #tpu.memory_space<hbm>>
    %dma_wait3A_138 = tpu.memref_squeeze %dma_wait3A_137 : memref<1x1x64x512xf32, #tpu.memory_space<hbm>> -> memref<64x512xf32, #tpu.memory_space<hbm>>
    %dma_wait3A_139 = arith.constant 0 : i32
    %dma_wait3A_140 = arith.constant 0 : i32
    %dma_wait3A_141 = tpu.memref_slice %arg4[%dma_wait3A_125, %dma_wait3A_139, %dma_wait3A_140] : memref<3x64x512xf32, #tpu.memory_space<vmem>> -> memref<1x64x512xf32, #tpu.memory_space<vmem>>
    %dma_wait3A_142 = tpu.memref_squeeze %dma_wait3A_141 : memref<1x64x512xf32, #tpu.memory_space<vmem>> -> memref<64x512xf32, #tpu.memory_space<vmem>>
    tpu.wait_dma2 semaphore(%arg6 : memref<!tpu.dma_semaphore, #tpu.memory_space<semaphore_mem>>) src(%dma_wait3A_142 : memref<64x512xf32, #tpu.memory_space<vmem>>) dst(%dma_wait3A_138 : memref<64x512xf32, #tpu.memory_space<hbm>>)
    %dma_start3A_143 = arith.constant 2 : i32
    %dma_start3A_144 = arith.constant 0 : i32
    %dma_start3A_145 = arith.constant 0 : i32
    %dma_start3A_146 = arith.constant 0 : i32
    %dma_start3A_147 = tpu.memref_slice %arg4[%dma_start3A_144, %dma_start3A_145, %dma_start3A_146] : memref<3x64x512xf32, #tpu.memory_space<vmem>> -> memref<1x64x512xf32, #tpu.memory_space<vmem>>
    %dma_start3A_148 = tpu.memref_squeeze %dma_start3A_147 : memref<1x64x512xf32, #tpu.memory_space<vmem>> -> memref<64x512xf32, #tpu.memory_space<vmem>>
    %dma_start3A_149 = arith.constant 192 : i32
    %dma_start3A_150 = arith.constant 0 : i32
    %dma_start3A_151 = tpu.memref_slice %arg2[%add3A, %dma_start3A_143, %dma_start3A_149, %dma_start3A_150] : memref<32x3x512x512xf32, #tpu.memory_space<hbm>> -> memref<1x1x64x512xf32, #tpu.memory_space<hbm>>
    %dma_start3A_152 = tpu.memref_squeeze %dma_start3A_151 : memref<1x1x64x512xf32, #tpu.memory_space<hbm>> -> memref<64x512xf32, #tpu.memory_space<hbm>>
    %dma_start3A_153 = arith.constant 0 : i32
    %dma_start3A_154 = arith.constant 0 : i32
    %dma_start3A_155 = tpu.memref_slice %arg4[%dma_start3A_144, %dma_start3A_153, %dma_start3A_154] : memref<3x64x512xf32, #tpu.memory_space<vmem>> -> memref<1x64x512xf32, #tpu.memory_space<vmem>>
    %dma_start3A_156 = tpu.memref_squeeze %dma_start3A_155 : memref<1x64x512xf32, #tpu.memory_space<vmem>> -> memref<64x512xf32, #tpu.memory_space<vmem>>
    %dma_start3A_157 = arith.constant 192 : i32
    %dma_start3A_158 = arith.constant 0 : i32
    %dma_start3A_159 = tpu.memref_slice %arg2[%add3A, %dma_start3A_143, %dma_start3A_157, %dma_start3A_158] : memref<32x3x512x512xf32, #tpu.memory_space<hbm>> -> memref<1x1x64x512xf32, #tpu.memory_space<hbm>>
    %dma_start3A_160 = tpu.memref_squeeze %dma_start3A_159 : memref<1x1x64x512xf32, #tpu.memory_space<hbm>> -> memref<64x512xf32, #tpu.memory_space<hbm>>
    tpu.enqueue_dma source(%dma_start3A_160 : memref<64x512xf32, #tpu.memory_space<hbm>>) target(%dma_start3A_156 : memref<64x512xf32, #tpu.memory_space<vmem>>) target_semaphore(%arg5 : memref<!tpu.dma_semaphore, #tpu.memory_space<semaphore_mem>>)
    %dma_wait3A_161 = arith.constant 2 : i32
    %dma_wait3A_162 = arith.constant 2 : i32
    %dma_wait3A_163 = arith.constant 0 : i32
    %dma_wait3A_164 = arith.constant 0 : i32
    %dma_wait3A_165 = tpu.memref_slice %arg4[%dma_wait3A_162, %dma_wait3A_163, %dma_wait3A_164] : memref<3x64x512xf32, #tpu.memory_space<vmem>> -> memref<1x64x512xf32, #tpu.memory_space<vmem>>
    %dma_wait3A_166 = tpu.memref_squeeze %dma_wait3A_165 : memref<1x64x512xf32, #tpu.memory_space<vmem>> -> memref<64x512xf32, #tpu.memory_space<vmem>>
    %dma_wait3A_167 = arith.constant 128 : i32
    %dma_wait3A_168 = arith.constant 0 : i32
    %dma_wait3A_169 = tpu.memref_slice %arg2[%add3A, %dma_wait3A_161, %dma_wait3A_167, %dma_wait3A_168] : memref<32x3x512x512xf32, #tpu.memory_space<hbm>> -> memref<1x1x64x512xf32, #tpu.memory_space<hbm>>
    %dma_wait3A_170 = tpu.memref_squeeze %dma_wait3A_169 : memref<1x1x64x512xf32, #tpu.memory_space<hbm>> -> memref<64x512xf32, #tpu.memory_space<hbm>>
    %dma_wait3A_171 = arith.constant 0 : i32
    %dma_wait3A_172 = arith.constant 0 : i32
    %dma_wait3A_173 = tpu.memref_slice %arg4[%dma_wait3A_162, %dma_wait3A_171, %dma_wait3A_172] : memref<3x64x512xf32, #tpu.memory_space<vmem>> -> memref<1x64x512xf32, #tpu.memory_space<vmem>>
    %dma_wait3A_174 = tpu.memref_squeeze %dma_wait3A_173 : memref<1x64x512xf32, #tpu.memory_space<vmem>> -> memref<64x512xf32, #tpu.memory_space<vmem>>
    %dma_wait3A_175 = arith.constant 128 : i32
    %dma_wait3A_176 = arith.constant 0 : i32
    %dma_wait3A_177 = tpu.memref_slice %arg2[%add3A, %dma_wait3A_161, %dma_wait3A_175, %dma_wait3A_176] : memref<32x3x512x512xf32, #tpu.memory_space<hbm>> -> memref<1x1x64x512xf32, #tpu.memory_space<hbm>>
    %dma_wait3A_178 = tpu.memref_squeeze %dma_wait3A_177 : memref<1x1x64x512xf32, #tpu.memory_space<hbm>> -> memref<64x512xf32, #tpu.memory_space<hbm>>
    tpu.wait_dma2 semaphore(%arg5 : memref<!tpu.dma_semaphore, #tpu.memory_space<semaphore_mem>>) src(%dma_wait3A_178 : memref<64x512xf32, #tpu.memory_space<hbm>>) dst(%dma_wait3A_174 : memref<64x512xf32, #tpu.memory_space<vmem>>)
    %dma_start3A_179 = arith.constant 2 : i32
    %dma_start3A_180 = arith.constant 0 : i32
    %dma_start3A_181 = arith.constant 0 : i32
    %dma_start3A_182 = arith.constant 0 : i32
    %dma_start3A_183 = tpu.memref_slice %arg4[%dma_start3A_179, %dma_start3A_181, %dma_start3A_182] : memref<3x64x512xf32, #tpu.memory_space<vmem>> -> memref<1x64x512xf32, #tpu.memory_space<vmem>>
    %dma_start3A_184 = tpu.memref_squeeze %dma_start3A_183 : memref<1x64x512xf32, #tpu.memory_space<vmem>> -> memref<64x512xf32, #tpu.memory_space<vmem>>
    %dma_start3A_185 = arith.constant 128 : i32
    %dma_start3A_186 = arith.constant 0 : i32
    %dma_start3A_187 = tpu.memref_slice %arg3[%add3A, %dma_start3A_180, %dma_start3A_185, %dma_start3A_186] : memref<32x3x512x512xf32, #tpu.memory_space<hbm>> -> memref<1x1x64x512xf32, #tpu.memory_space<hbm>>
    %dma_start3A_188 = tpu.memref_squeeze %dma_start3A_187 : memref<1x1x64x512xf32, #tpu.memory_space<hbm>> -> memref<64x512xf32, #tpu.memory_space<hbm>>
    %dma_start3A_189 = arith.constant 128 : i32
    %dma_start3A_190 = arith.constant 0 : i32
    %dma_start3A_191 = tpu.memref_slice %arg3[%add3A, %dma_start3A_180, %dma_start3A_189, %dma_start3A_190] : memref<32x3x512x512xf32, #tpu.memory_space<hbm>> -> memref<1x1x64x512xf32, #tpu.memory_space<hbm>>
    %dma_start3A_192 = tpu.memref_squeeze %dma_start3A_191 : memref<1x1x64x512xf32, #tpu.memory_space<hbm>> -> memref<64x512xf32, #tpu.memory_space<hbm>>
    %dma_start3A_193 = arith.constant 0 : i32
    %dma_start3A_194 = arith.constant 0 : i32
    %dma_start3A_195 = tpu.memref_slice %arg4[%dma_start3A_179, %dma_start3A_193, %dma_start3A_194] : memref<3x64x512xf32, #tpu.memory_space<vmem>> -> memref<1x64x512xf32, #tpu.memory_space<vmem>>
    %dma_start3A_196 = tpu.memref_squeeze %dma_start3A_195 : memref<1x64x512xf32, #tpu.memory_space<vmem>> -> memref<64x512xf32, #tpu.memory_space<vmem>>
    tpu.enqueue_dma source(%dma_start3A_196 : memref<64x512xf32, #tpu.memory_space<vmem>>) target(%dma_start3A_192 : memref<64x512xf32, #tpu.memory_space<hbm>>) target_semaphore(%arg8 : memref<!tpu.dma_semaphore, #tpu.memory_space<semaphore_mem>>)
    %dma_wait3A_197 = arith.constant 1 : i32
    %dma_wait3A_198 = arith.constant 0 : i32
    %dma_wait3A_199 = arith.constant 0 : i32
    %dma_wait3A_200 = arith.constant 0 : i32
    %dma_wait3A_201 = tpu.memref_slice %arg4[%dma_wait3A_197, %dma_wait3A_199, %dma_wait3A_200] : memref<3x64x512xf32, #tpu.memory_space<vmem>> -> memref<1x64x512xf32, #tpu.memory_space<vmem>>
    %dma_wait3A_202 = tpu.memref_squeeze %dma_wait3A_201 : memref<1x64x512xf32, #tpu.memory_space<vmem>> -> memref<64x512xf32, #tpu.memory_space<vmem>>
    %dma_wait3A_203 = arith.constant 64 : i32
    %dma_wait3A_204 = arith.constant 0 : i32
    %dma_wait3A_205 = tpu.memref_slice %arg3[%add3A, %dma_wait3A_198, %dma_wait3A_203, %dma_wait3A_204] : memref<32x3x512x512xf32, #tpu.memory_space<hbm>> -> memref<1x1x64x512xf32, #tpu.memory_space<hbm>>
    %dma_wait3A_206 = tpu.memref_squeeze %dma_wait3A_205 : memref<1x1x64x512xf32, #tpu.memory_space<hbm>> -> memref<64x512xf32, #tpu.memory_space<hbm>>
    %dma_wait3A_207 = arith.constant 64 : i32
    %dma_wait3A_208 = arith.constant 0 : i32
    %dma_wait3A_209 = tpu.memref_slice %arg3[%add3A, %dma_wait3A_198, %dma_wait3A_207, %dma_wait3A_208] : memref<32x3x512x512xf32, #tpu.memory_space<hbm>> -> memref<1x1x64x512xf32, #tpu.memory_space<hbm>>
    %dma_wait3A_210 = tpu.memref_squeeze %dma_wait3A_209 : memref<1x1x64x512xf32, #tpu.memory_space<hbm>> -> memref<64x512xf32, #tpu.memory_space<hbm>>
    %dma_wait3A_211 = arith.constant 0 : i32
    %dma_wait3A_212 = arith.constant 0 : i32
    %dma_wait3A_213 = tpu.memref_slice %arg4[%dma_wait3A_197, %dma_wait3A_211, %dma_wait3A_212] : memref<3x64x512xf32, #tpu.memory_space<vmem>> -> memref<1x64x512xf32, #tpu.memory_space<vmem>>
    %dma_wait3A_214 = tpu.memref_squeeze %dma_wait3A_213 : memref<1x64x512xf32, #tpu.memory_space<vmem>> -> memref<64x512xf32, #tpu.memory_space<vmem>>
    tpu.wait_dma2 semaphore(%arg7 : memref<!tpu.dma_semaphore, #tpu.memory_space<semaphore_mem>>) src(%dma_wait3A_214 : memref<64x512xf32, #tpu.memory_space<vmem>>) dst(%dma_wait3A_210 : memref<64x512xf32, #tpu.memory_space<hbm>>)
    %dma_start3A_215 = arith.constant 2 : i32
    %dma_start3A_216 = arith.constant 1 : i32
    %dma_start3A_217 = arith.constant 0 : i32
    %dma_start3A_218 = arith.constant 0 : i32
    %dma_start3A_219 = tpu.memref_slice %arg4[%dma_start3A_216, %dma_start3A_217, %dma_start3A_218] : memref<3x64x512xf32, #tpu.memory_space<vmem>> -> memref<1x64x512xf32, #tpu.memory_space<vmem>>
    %dma_start3A_220 = tpu.memref_squeeze %dma_start3A_219 : memref<1x64x512xf32, #tpu.memory_space<vmem>> -> memref<64x512xf32, #tpu.memory_space<vmem>>
    %dma_start3A_221 = arith.constant 256 : i32
    %dma_start3A_222 = arith.constant 0 : i32
    %dma_start3A_223 = tpu.memref_slice %arg2[%add3A, %dma_start3A_215, %dma_start3A_221, %dma_start3A_222] : memref<32x3x512x512xf32, #tpu.memory_space<hbm>> -> memref<1x1x64x512xf32, #tpu.memory_space<hbm>>
    %dma_start3A_224 = tpu.memref_squeeze %dma_start3A_223 : memref<1x1x64x512xf32, #tpu.memory_space<hbm>> -> memref<64x512xf32, #tpu.memory_space<hbm>>
    %dma_start3A_225 = arith.constant 0 : i32
    %dma_start3A_226 = arith.constant 0 : i32
    %dma_start3A_227 = tpu.memref_slice %arg4[%dma_start3A_216, %dma_start3A_225, %dma_start3A_226] : memref<3x64x512xf32, #tpu.memory_space<vmem>> -> memref<1x64x512xf32, #tpu.memory_space<vmem>>
    %dma_start3A_228 = tpu.memref_squeeze %dma_start3A_227 : memref<1x64x512xf32, #tpu.memory_space<vmem>> -> memref<64x512xf32, #tpu.memory_space<vmem>>
    %dma_start3A_229 = arith.constant 256 : i32
    %dma_start3A_230 = arith.constant 0 : i32
    %dma_start3A_231 = tpu.memref_slice %arg2[%add3A, %dma_start3A_215, %dma_start3A_229, %dma_start3A_230] : memref<32x3x512x512xf32, #tpu.memory_space<hbm>> -> memref<1x1x64x512xf32, #tpu.memory_space<hbm>>
    %dma_start3A_232 = tpu.memref_squeeze %dma_start3A_231 : memref<1x1x64x512xf32, #tpu.memory_space<hbm>> -> memref<64x512xf32, #tpu.memory_space<hbm>>
    tpu.enqueue_dma source(%dma_start3A_232 : memref<64x512xf32, #tpu.memory_space<hbm>>) target(%dma_start3A_228 : memref<64x512xf32, #tpu.memory_space<vmem>>) target_semaphore(%arg5 : memref<!tpu.dma_semaphore, #tpu.memory_space<semaphore_mem>>)
    %dma_wait3A_233 = arith.constant 2 : i32
    %dma_wait3A_234 = arith.constant 0 : i32
    %dma_wait3A_235 = arith.constant 0 : i32
    %dma_wait3A_236 = arith.constant 0 : i32
    %dma_wait3A_237 = tpu.memref_slice %arg4[%dma_wait3A_234, %dma_wait3A_235, %dma_wait3A_236] : memref<3x64x512xf32, #tpu.memory_space<vmem>> -> memref<1x64x512xf32, #tpu.memory_space<vmem>>
    %dma_wait3A_238 = tpu.memref_squeeze %dma_wait3A_237 : memref<1x64x512xf32, #tpu.memory_space<vmem>> -> memref<64x512xf32, #tpu.memory_space<vmem>>
    %dma_wait3A_239 = arith.constant 192 : i32
    %dma_wait3A_240 = arith.constant 0 : i32
    %dma_wait3A_241 = tpu.memref_slice %arg2[%add3A, %dma_wait3A_233, %dma_wait3A_239, %dma_wait3A_240] : memref<32x3x512x512xf32, #tpu.memory_space<hbm>> -> memref<1x1x64x512xf32, #tpu.memory_space<hbm>>
    %dma_wait3A_242 = tpu.memref_squeeze %dma_wait3A_241 : memref<1x1x64x512xf32, #tpu.memory_space<hbm>> -> memref<64x512xf32, #tpu.memory_space<hbm>>
    %dma_wait3A_243 = arith.constant 0 : i32
    %dma_wait3A_244 = arith.constant 0 : i32
    %dma_wait3A_245 = tpu.memref_slice %arg4[%dma_wait3A_234, %dma_wait3A_243, %dma_wait3A_244] : memref<3x64x512xf32, #tpu.memory_space<vmem>> -> memref<1x64x512xf32, #tpu.memory_space<vmem>>
    %dma_wait3A_246 = tpu.memref_squeeze %dma_wait3A_245 : memref<1x64x512xf32, #tpu.memory_space<vmem>> -> memref<64x512xf32, #tpu.memory_space<vmem>>
    %dma_wait3A_247 = arith.constant 192 : i32
    %dma_wait3A_248 = arith.constant 0 : i32
    %dma_wait3A_249 = tpu.memref_slice %arg2[%add3A, %dma_wait3A_233, %dma_wait3A_247, %dma_wait3A_248] : memref<32x3x512x512xf32, #tpu.memory_space<hbm>> -> memref<1x1x64x512xf32, #tpu.memory_space<hbm>>
    %dma_wait3A_250 = tpu.memref_squeeze %dma_wait3A_249 : memref<1x1x64x512xf32, #tpu.memory_space<hbm>> -> memref<64x512xf32, #tpu.memory_space<hbm>>
    tpu.wait_dma2 semaphore(%arg5 : memref<!tpu.dma_semaphore, #tpu.memory_space<semaphore_mem>>) src(%dma_wait3A_250 : memref<64x512xf32, #tpu.memory_space<hbm>>) dst(%dma_wait3A_246 : memref<64x512xf32, #tpu.memory_space<vmem>>)
    %dma_start3A_251 = arith.constant 0 : i32
    %dma_start3A_252 = arith.constant 0 : i32
    %dma_start3A_253 = arith.constant 0 : i32
    %dma_start3A_254 = arith.constant 0 : i32
    %dma_start3A_255 = tpu.memref_slice %arg4[%dma_start3A_251, %dma_start3A_253, %dma_start3A_254] : memref<3x64x512xf32, #tpu.memory_space<vmem>> -> memref<1x64x512xf32, #tpu.memory_space<vmem>>
    %dma_start3A_256 = tpu.memref_squeeze %dma_start3A_255 : memref<1x64x512xf32, #tpu.memory_space<vmem>> -> memref<64x512xf32, #tpu.memory_space<vmem>>
    %dma_start3A_257 = arith.constant 192 : i32
    %dma_start3A_258 = arith.constant 0 : i32
    %dma_start3A_259 = tpu.memref_slice %arg3[%add3A, %dma_start3A_252, %dma_start3A_257, %dma_start3A_258] : memref<32x3x512x512xf32, #tpu.memory_space<hbm>> -> memref<1x1x64x512xf32, #tpu.memory_space<hbm>>
    %dma_start3A_260 = tpu.memref_squeeze %dma_start3A_259 : memref<1x1x64x512xf32, #tpu.memory_space<hbm>> -> memref<64x512xf32, #tpu.memory_space<hbm>>
    %dma_start3A_261 = arith.constant 192 : i32
    %dma_start3A_262 = arith.constant 0 : i32
    %dma_start3A_263 = tpu.memref_slice %arg3[%add3A, %dma_start3A_252, %dma_start3A_261, %dma_start3A_262] : memref<32x3x512x512xf32, #tpu.memory_space<hbm>> -> memref<1x1x64x512xf32, #tpu.memory_space<hbm>>
    %dma_start3A_264 = tpu.memref_squeeze %dma_start3A_263 : memref<1x1x64x512xf32, #tpu.memory_space<hbm>> -> memref<64x512xf32, #tpu.memory_space<hbm>>
    %dma_start3A_265 = arith.constant 0 : i32
    %dma_start3A_266 = arith.constant 0 : i32
    %dma_start3A_267 = tpu.memref_slice %arg4[%dma_start3A_251, %dma_start3A_265, %dma_start3A_266] : memref<3x64x512xf32, #tpu.memory_space<vmem>> -> memref<1x64x512xf32, #tpu.memory_space<vmem>>
    %dma_start3A_268 = tpu.memref_squeeze %dma_start3A_267 : memref<1x64x512xf32, #tpu.memory_space<vmem>> -> memref<64x512xf32, #tpu.memory_space<vmem>>
    tpu.enqueue_dma source(%dma_start3A_268 : memref<64x512xf32, #tpu.memory_space<vmem>>) target(%dma_start3A_264 : memref<64x512xf32, #tpu.memory_space<hbm>>) target_semaphore(%arg6 : memref<!tpu.dma_semaphore, #tpu.memory_space<semaphore_mem>>)
    %dma_wait3A_269 = arith.constant 2 : i32
    %dma_wait3A_270 = arith.constant 0 : i32
    %dma_wait3A_271 = arith.constant 0 : i32
    %dma_wait3A_272 = arith.constant 0 : i32
    %dma_wait3A_273 = tpu.memref_slice %arg4[%dma_wait3A_269, %dma_wait3A_271, %dma_wait3A_272] : memref<3x64x512xf32, #tpu.memory_space<vmem>> -> memref<1x64x512xf32, #tpu.memory_space<vmem>>
    %dma_wait3A_274 = tpu.memref_squeeze %dma_wait3A_273 : memref<1x64x512xf32, #tpu.memory_space<vmem>> -> memref<64x512xf32, #tpu.memory_space<vmem>>
    %dma_wait3A_275 = arith.constant 128 : i32
    %dma_wait3A_276 = arith.constant 0 : i32
    %dma_wait3A_277 = tpu.memref_slice %arg3[%add3A, %dma_wait3A_270, %dma_wait3A_275, %dma_wait3A_276] : memref<32x3x512x512xf32, #tpu.memory_space<hbm>> -> memref<1x1x64x512xf32, #tpu.memory_space<hbm>>
    %dma_wait3A_278 = tpu.memref_squeeze %dma_wait3A_277 : memref<1x1x64x512xf32, #tpu.memory_space<hbm>> -> memref<64x512xf32, #tpu.memory_space<hbm>>
    %dma_wait3A_279 = arith.constant 128 : i32
    %dma_wait3A_280 = arith.constant 0 : i32
    %dma_wait3A_281 = tpu.memref_slice %arg3[%add3A, %dma_wait3A_270, %dma_wait3A_279, %dma_wait3A_280] : memref<32x3x512x512xf32, #tpu.memory_space<hbm>> -> memref<1x1x64x512xf32, #tpu.memory_space<hbm>>
    %dma_wait3A_282 = tpu.memref_squeeze %dma_wait3A_281 : memref<1x1x64x512xf32, #tpu.memory_space<hbm>> -> memref<64x512xf32, #tpu.memory_space<hbm>>
    %dma_wait3A_283 = arith.constant 0 : i32
    %dma_wait3A_284 = arith.constant 0 : i32
    %dma_wait3A_285 = tpu.memref_slice %arg4[%dma_wait3A_269, %dma_wait3A_283, %dma_wait3A_284] : memref<3x64x512xf32, #tpu.memory_space<vmem>> -> memref<1x64x512xf32, #tpu.memory_space<vmem>>
    %dma_wait3A_286 = tpu.memref_squeeze %dma_wait3A_285 : memref<1x64x512xf32, #tpu.memory_space<vmem>> -> memref<64x512xf32, #tpu.memory_space<vmem>>
    tpu.wait_dma2 semaphore(%arg8 : memref<!tpu.dma_semaphore, #tpu.memory_space<semaphore_mem>>) src(%dma_wait3A_286 : memref<64x512xf32, #tpu.memory_space<vmem>>) dst(%dma_wait3A_282 : memref<64x512xf32, #tpu.memory_space<hbm>>)
    %dma_start3A_287 = arith.constant 2 : i32
    %dma_start3A_288 = arith.constant 2 : i32
    %dma_start3A_289 = arith.constant 0 : i32
    %dma_start3A_290 = arith.constant 0 : i32
    %dma_start3A_291 = tpu.memref_slice %arg4[%dma_start3A_288, %dma_start3A_289, %dma_start3A_290] : memref<3x64x512xf32, #tpu.memory_space<vmem>> -> memref<1x64x512xf32, #tpu.memory_space<vmem>>
    %dma_start3A_292 = tpu.memref_squeeze %dma_start3A_291 : memref<1x64x512xf32, #tpu.memory_space<vmem>> -> memref<64x512xf32, #tpu.memory_space<vmem>>
    %dma_start3A_293 = arith.constant 320 : i32
    %dma_start3A_294 = arith.constant 0 : i32
    %dma_start3A_295 = tpu.memref_slice %arg2[%add3A, %dma_start3A_287, %dma_start3A_293, %dma_start3A_294] : memref<32x3x512x512xf32, #tpu.memory_space<hbm>> -> memref<1x1x64x512xf32, #tpu.memory_space<hbm>>
    %dma_start3A_296 = tpu.memref_squeeze %dma_start3A_295 : memref<1x1x64x512xf32, #tpu.memory_space<hbm>> -> memref<64x512xf32, #tpu.memory_space<hbm>>
    %dma_start3A_297 = arith.constant 0 : i32
    %dma_start3A_298 = arith.constant 0 : i32
    %dma_start3A_299 = tpu.memref_slice %arg4[%dma_start3A_288, %dma_start3A_297, %dma_start3A_298] : memref<3x64x512xf32, #tpu.memory_space<vmem>> -> memref<1x64x512xf32, #tpu.memory_space<vmem>>
    %dma_start3A_300 = tpu.memref_squeeze %dma_start3A_299 : memref<1x64x512xf32, #tpu.memory_space<vmem>> -> memref<64x512xf32, #tpu.memory_space<vmem>>
    %dma_start3A_301 = arith.constant 320 : i32
    %dma_start3A_302 = arith.constant 0 : i32
    %dma_start3A_303 = tpu.memref_slice %arg2[%add3A, %dma_start3A_287, %dma_start3A_301, %dma_start3A_302] : memref<32x3x512x512xf32, #tpu.memory_space<hbm>> -> memref<1x1x64x512xf32, #tpu.memory_space<hbm>>
    %dma_start3A_304 = tpu.memref_squeeze %dma_start3A_303 : memref<1x1x64x512xf32, #tpu.memory_space<hbm>> -> memref<64x512xf32, #tpu.memory_space<hbm>>
    tpu.enqueue_dma source(%dma_start3A_304 : memref<64x512xf32, #tpu.memory_space<hbm>>) target(%dma_start3A_300 : memref<64x512xf32, #tpu.memory_space<vmem>>) target_semaphore(%arg5 : memref<!tpu.dma_semaphore, #tpu.memory_space<semaphore_mem>>)
    %dma_wait3A_305 = arith.constant 2 : i32
    %dma_wait3A_306 = arith.constant 1 : i32
    %dma_wait3A_307 = arith.constant 0 : i32
    %dma_wait3A_308 = arith.constant 0 : i32
    %dma_wait3A_309 = tpu.memref_slice %arg4[%dma_wait3A_306, %dma_wait3A_307, %dma_wait3A_308] : memref<3x64x512xf32, #tpu.memory_space<vmem>> -> memref<1x64x512xf32, #tpu.memory_space<vmem>>
    %dma_wait3A_310 = tpu.memref_squeeze %dma_wait3A_309 : memref<1x64x512xf32, #tpu.memory_space<vmem>> -> memref<64x512xf32, #tpu.memory_space<vmem>>
    %dma_wait3A_311 = arith.constant 256 : i32
    %dma_wait3A_312 = arith.constant 0 : i32
    %dma_wait3A_313 = tpu.memref_slice %arg2[%add3A, %dma_wait3A_305, %dma_wait3A_311, %dma_wait3A_312] : memref<32x3x512x512xf32, #tpu.memory_space<hbm>> -> memref<1x1x64x512xf32, #tpu.memory_space<hbm>>
    %dma_wait3A_314 = tpu.memref_squeeze %dma_wait3A_313 : memref<1x1x64x512xf32, #tpu.memory_space<hbm>> -> memref<64x512xf32, #tpu.memory_space<hbm>>
    %dma_wait3A_315 = arith.constant 0 : i32
    %dma_wait3A_316 = arith.constant 0 : i32
    %dma_wait3A_317 = tpu.memref_slice %arg4[%dma_wait3A_306, %dma_wait3A_315, %dma_wait3A_316] : memref<3x64x512xf32, #tpu.memory_space<vmem>> -> memref<1x64x512xf32, #tpu.memory_space<vmem>>
    %dma_wait3A_318 = tpu.memref_squeeze %dma_wait3A_317 : memref<1x64x512xf32, #tpu.memory_space<vmem>> -> memref<64x512xf32, #tpu.memory_space<vmem>>
    %dma_wait3A_319 = arith.constant 256 : i32
    %dma_wait3A_320 = arith.constant 0 : i32
    %dma_wait3A_321 = tpu.memref_slice %arg2[%add3A, %dma_wait3A_305, %dma_wait3A_319, %dma_wait3A_320] : memref<32x3x512x512xf32, #tpu.memory_space<hbm>> -> memref<1x1x64x512xf32, #tpu.memory_space<hbm>>
    %dma_wait3A_322 = tpu.memref_squeeze %dma_wait3A_321 : memref<1x1x64x512xf32, #tpu.memory_space<hbm>> -> memref<64x512xf32, #tpu.memory_space<hbm>>
    tpu.wait_dma2 semaphore(%arg5 : memref<!tpu.dma_semaphore, #tpu.memory_space<semaphore_mem>>) src(%dma_wait3A_322 : memref<64x512xf32, #tpu.memory_space<hbm>>) dst(%dma_wait3A_318 : memref<64x512xf32, #tpu.memory_space<vmem>>)
    %dma_start3A_323 = arith.constant 1 : i32
    %dma_start3A_324 = arith.constant 0 : i32
    %dma_start3A_325 = arith.constant 0 : i32
    %dma_start3A_326 = arith.constant 0 : i32
    %dma_start3A_327 = tpu.memref_slice %arg4[%dma_start3A_323, %dma_start3A_325, %dma_start3A_326] : memref<3x64x512xf32, #tpu.memory_space<vmem>> -> memref<1x64x512xf32, #tpu.memory_space<vmem>>
    %dma_start3A_328 = tpu.memref_squeeze %dma_start3A_327 : memref<1x64x512xf32, #tpu.memory_space<vmem>> -> memref<64x512xf32, #tpu.memory_space<vmem>>
    %dma_start3A_329 = arith.constant 256 : i32
    %dma_start3A_330 = arith.constant 0 : i32
    %dma_start3A_331 = tpu.memref_slice %arg3[%add3A, %dma_start3A_324, %dma_start3A_329, %dma_start3A_330] : memref<32x3x512x512xf32, #tpu.memory_space<hbm>> -> memref<1x1x64x512xf32, #tpu.memory_space<hbm>>
    %dma_start3A_332 = tpu.memref_squeeze %dma_start3A_331 : memref<1x1x64x512xf32, #tpu.memory_space<hbm>> -> memref<64x512xf32, #tpu.memory_space<hbm>>
    %dma_start3A_333 = arith.constant 256 : i32
    %dma_start3A_334 = arith.constant 0 : i32
    %dma_start3A_335 = tpu.memref_slice %arg3[%add3A, %dma_start3A_324, %dma_start3A_333, %dma_start3A_334] : memref<32x3x512x512xf32, #tpu.memory_space<hbm>> -> memref<1x1x64x512xf32, #tpu.memory_space<hbm>>
    %dma_start3A_336 = tpu.memref_squeeze %dma_start3A_335 : memref<1x1x64x512xf32, #tpu.memory_space<hbm>> -> memref<64x512xf32, #tpu.memory_space<hbm>>
    %dma_start3A_337 = arith.constant 0 : i32
    %dma_start3A_338 = arith.constant 0 : i32
    %dma_start3A_339 = tpu.memref_slice %arg4[%dma_start3A_323, %dma_start3A_337, %dma_start3A_338] : memref<3x64x512xf32, #tpu.memory_space<vmem>> -> memref<1x64x512xf32, #tpu.memory_space<vmem>>
    %dma_start3A_340 = tpu.memref_squeeze %dma_start3A_339 : memref<1x64x512xf32, #tpu.memory_space<vmem>> -> memref<64x512xf32, #tpu.memory_space<vmem>>
    tpu.enqueue_dma source(%dma_start3A_340 : memref<64x512xf32, #tpu.memory_space<vmem>>) target(%dma_start3A_336 : memref<64x512xf32, #tpu.memory_space<hbm>>) target_semaphore(%arg7 : memref<!tpu.dma_semaphore, #tpu.memory_space<semaphore_mem>>)
    %dma_wait3A_341 = arith.constant 0 : i32
    %dma_wait3A_342 = arith.constant 0 : i32
    %dma_wait3A_343 = arith.constant 0 : i32
    %dma_wait3A_344 = arith.constant 0 : i32
    %dma_wait3A_345 = tpu.memref_slice %arg4[%dma_wait3A_341, %dma_wait3A_343, %dma_wait3A_344] : memref<3x64x512xf32, #tpu.memory_space<vmem>> -> memref<1x64x512xf32, #tpu.memory_space<vmem>>
    %dma_wait3A_346 = tpu.memref_squeeze %dma_wait3A_345 : memref<1x64x512xf32, #tpu.memory_space<vmem>> -> memref<64x512xf32, #tpu.memory_space<vmem>>
    %dma_wait3A_347 = arith.constant 192 : i32
    %dma_wait3A_348 = arith.constant 0 : i32
    %dma_wait3A_349 = tpu.memref_slice %arg3[%add3A, %dma_wait3A_342, %dma_wait3A_347, %dma_wait3A_348] : memref<32x3x512x512xf32, #tpu.memory_space<hbm>> -> memref<1x1x64x512xf32, #tpu.memory_space<hbm>>
    %dma_wait3A_350 = tpu.memref_squeeze %dma_wait3A_349 : memref<1x1x64x512xf32, #tpu.memory_space<hbm>> -> memref<64x512xf32, #tpu.memory_space<hbm>>
    %dma_wait3A_351 = arith.constant 192 : i32
    %dma_wait3A_352 = arith.constant 0 : i32
    %dma_wait3A_353 = tpu.memref_slice %arg3[%add3A, %dma_wait3A_342, %dma_wait3A_351, %dma_wait3A_352] : memref<32x3x512x512xf32, #tpu.memory_space<hbm>> -> memref<1x1x64x512xf32, #tpu.memory_space<hbm>>
    %dma_wait3A_354 = tpu.memref_squeeze %dma_wait3A_353 : memref<1x1x64x512xf32, #tpu.memory_space<hbm>> -> memref<64x512xf32, #tpu.memory_space<hbm>>
    %dma_wait3A_355 = arith.constant 0 : i32
    %dma_wait3A_356 = arith.constant 0 : i32
    %dma_wait3A_357 = tpu.memref_slice %arg4[%dma_wait3A_341, %dma_wait3A_355, %dma_wait3A_356] : memref<3x64x512xf32, #tpu.memory_space<vmem>> -> memref<1x64x512xf32, #tpu.memory_space<vmem>>
    %dma_wait3A_358 = tpu.memref_squeeze %dma_wait3A_357 : memref<1x64x512xf32, #tpu.memory_space<vmem>> -> memref<64x512xf32, #tpu.memory_space<vmem>>
    tpu.wait_dma2 semaphore(%arg6 : memref<!tpu.dma_semaphore, #tpu.memory_space<semaphore_mem>>) src(%dma_wait3A_358 : memref<64x512xf32, #tpu.memory_space<vmem>>) dst(%dma_wait3A_354 : memref<64x512xf32, #tpu.memory_space<hbm>>)
    %dma_start3A_359 = arith.constant 2 : i32
    %dma_start3A_360 = arith.constant 0 : i32
    %dma_start3A_361 = arith.constant 0 : i32
    %dma_start3A_362 = arith.constant 0 : i32
    %dma_start3A_363 = tpu.memref_slice %arg4[%dma_start3A_360, %dma_start3A_361, %dma_start3A_362] : memref<3x64x512xf32, #tpu.memory_space<vmem>> -> memref<1x64x512xf32, #tpu.memory_space<vmem>>
    %dma_start3A_364 = tpu.memref_squeeze %dma_start3A_363 : memref<1x64x512xf32, #tpu.memory_space<vmem>> -> memref<64x512xf32, #tpu.memory_space<vmem>>
    %dma_start3A_365 = arith.constant 384 : i32
    %dma_start3A_366 = arith.constant 0 : i32
    %dma_start3A_367 = tpu.memref_slice %arg2[%add3A, %dma_start3A_359, %dma_start3A_365, %dma_start3A_366] : memref<32x3x512x512xf32, #tpu.memory_space<hbm>> -> memref<1x1x64x512xf32, #tpu.memory_space<hbm>>
    %dma_start3A_368 = tpu.memref_squeeze %dma_start3A_367 : memref<1x1x64x512xf32, #tpu.memory_space<hbm>> -> memref<64x512xf32, #tpu.memory_space<hbm>>
    %dma_start3A_369 = arith.constant 0 : i32
    %dma_start3A_370 = arith.constant 0 : i32
    %dma_start3A_371 = tpu.memref_slice %arg4[%dma_start3A_360, %dma_start3A_369, %dma_start3A_370] : memref<3x64x512xf32, #tpu.memory_space<vmem>> -> memref<1x64x512xf32, #tpu.memory_space<vmem>>
    %dma_start3A_372 = tpu.memref_squeeze %dma_start3A_371 : memref<1x64x512xf32, #tpu.memory_space<vmem>> -> memref<64x512xf32, #tpu.memory_space<vmem>>
    %dma_start3A_373 = arith.constant 384 : i32
    %dma_start3A_374 = arith.constant 0 : i32
    %dma_start3A_375 = tpu.memref_slice %arg2[%add3A, %dma_start3A_359, %dma_start3A_373, %dma_start3A_374] : memref<32x3x512x512xf32, #tpu.memory_space<hbm>> -> memref<1x1x64x512xf32, #tpu.memory_space<hbm>>
    %dma_start3A_376 = tpu.memref_squeeze %dma_start3A_375 : memref<1x1x64x512xf32, #tpu.memory_space<hbm>> -> memref<64x512xf32, #tpu.memory_space<hbm>>
    tpu.enqueue_dma source(%dma_start3A_376 : memref<64x512xf32, #tpu.memory_space<hbm>>) target(%dma_start3A_372 : memref<64x512xf32, #tpu.memory_space<vmem>>) target_semaphore(%arg5 : memref<!tpu.dma_semaphore, #tpu.memory_space<semaphore_mem>>)
    %dma_wait3A_377 = arith.constant 2 : i32
    %dma_wait3A_378 = arith.constant 2 : i32
    %dma_wait3A_379 = arith.constant 0 : i32
    %dma_wait3A_380 = arith.constant 0 : i32
    %dma_wait3A_381 = tpu.memref_slice %arg4[%dma_wait3A_378, %dma_wait3A_379, %dma_wait3A_380] : memref<3x64x512xf32, #tpu.memory_space<vmem>> -> memref<1x64x512xf32, #tpu.memory_space<vmem>>
    %dma_wait3A_382 = tpu.memref_squeeze %dma_wait3A_381 : memref<1x64x512xf32, #tpu.memory_space<vmem>> -> memref<64x512xf32, #tpu.memory_space<vmem>>
    %dma_wait3A_383 = arith.constant 320 : i32
    %dma_wait3A_384 = arith.constant 0 : i32
    %dma_wait3A_385 = tpu.memref_slice %arg2[%add3A, %dma_wait3A_377, %dma_wait3A_383, %dma_wait3A_384] : memref<32x3x512x512xf32, #tpu.memory_space<hbm>> -> memref<1x1x64x512xf32, #tpu.memory_space<hbm>>
    %dma_wait3A_386 = tpu.memref_squeeze %dma_wait3A_385 : memref<1x1x64x512xf32, #tpu.memory_space<hbm>> -> memref<64x512xf32, #tpu.memory_space<hbm>>
    %dma_wait3A_387 = arith.constant 0 : i32
    %dma_wait3A_388 = arith.constant 0 : i32
    %dma_wait3A_389 = tpu.memref_slice %arg4[%dma_wait3A_378, %dma_wait3A_387, %dma_wait3A_388] : memref<3x64x512xf32, #tpu.memory_space<vmem>> -> memref<1x64x512xf32, #tpu.memory_space<vmem>>
    %dma_wait3A_390 = tpu.memref_squeeze %dma_wait3A_389 : memref<1x64x512xf32, #tpu.memory_space<vmem>> -> memref<64x512xf32, #tpu.memory_space<vmem>>
    %dma_wait3A_391 = arith.constant 320 : i32
    %dma_wait3A_392 = arith.constant 0 : i32
    %dma_wait3A_393 = tpu.memref_slice %arg2[%add3A, %dma_wait3A_377, %dma_wait3A_391, %dma_wait3A_392] : memref<32x3x512x512xf32, #tpu.memory_space<hbm>> -> memref<1x1x64x512xf32, #tpu.memory_space<hbm>>
    %dma_wait3A_394 = tpu.memref_squeeze %dma_wait3A_393 : memref<1x1x64x512xf32, #tpu.memory_space<hbm>> -> memref<64x512xf32, #tpu.memory_space<hbm>>
    tpu.wait_dma2 semaphore(%arg5 : memref<!tpu.dma_semaphore, #tpu.memory_space<semaphore_mem>>) src(%dma_wait3A_394 : memref<64x512xf32, #tpu.memory_space<hbm>>) dst(%dma_wait3A_390 : memref<64x512xf32, #tpu.memory_space<vmem>>)
    %dma_start3A_395 = arith.constant 2 : i32
    %dma_start3A_396 = arith.constant 0 : i32
    %dma_start3A_397 = arith.constant 0 : i32
    %dma_start3A_398 = arith.constant 0 : i32
    %dma_start3A_399 = tpu.memref_slice %arg4[%dma_start3A_395, %dma_start3A_397, %dma_start3A_398] : memref<3x64x512xf32, #tpu.memory_space<vmem>> -> memref<1x64x512xf32, #tpu.memory_space<vmem>>
    %dma_start3A_400 = tpu.memref_squeeze %dma_start3A_399 : memref<1x64x512xf32, #tpu.memory_space<vmem>> -> memref<64x512xf32, #tpu.memory_space<vmem>>
    %dma_start3A_401 = arith.constant 320 : i32
    %dma_start3A_402 = arith.constant 0 : i32
    %dma_start3A_403 = tpu.memref_slice %arg3[%add3A, %dma_start3A_396, %dma_start3A_401, %dma_start3A_402] : memref<32x3x512x512xf32, #tpu.memory_space<hbm>> -> memref<1x1x64x512xf32, #tpu.memory_space<hbm>>
    %dma_start3A_404 = tpu.memref_squeeze %dma_start3A_403 : memref<1x1x64x512xf32, #tpu.memory_space<hbm>> -> memref<64x512xf32, #tpu.memory_space<hbm>>
    %dma_start3A_405 = arith.constant 320 : i32
    %dma_start3A_406 = arith.constant 0 : i32
    %dma_start3A_407 = tpu.memref_slice %arg3[%add3A, %dma_start3A_396, %dma_start3A_405, %dma_start3A_406] : memref<32x3x512x512xf32, #tpu.memory_space<hbm>> -> memref<1x1x64x512xf32, #tpu.memory_space<hbm>>
    %dma_start3A_408 = tpu.memref_squeeze %dma_start3A_407 : memref<1x1x64x512xf32, #tpu.memory_space<hbm>> -> memref<64x512xf32, #tpu.memory_space<hbm>>
    %dma_start3A_409 = arith.constant 0 : i32
    %dma_start3A_410 = arith.constant 0 : i32
    %dma_start3A_411 = tpu.memref_slice %arg4[%dma_start3A_395, %dma_start3A_409, %dma_start3A_410] : memref<3x64x512xf32, #tpu.memory_space<vmem>> -> memref<1x64x512xf32, #tpu.memory_space<vmem>>
    %dma_start3A_412 = tpu.memref_squeeze %dma_start3A_411 : memref<1x64x512xf32, #tpu.memory_space<vmem>> -> memref<64x512xf32, #tpu.memory_space<vmem>>
    tpu.enqueue_dma source(%dma_start3A_412 : memref<64x512xf32, #tpu.memory_space<vmem>>) target(%dma_start3A_408 : memref<64x512xf32, #tpu.memory_space<hbm>>) target_semaphore(%arg8 : memref<!tpu.dma_semaphore, #tpu.memory_space<semaphore_mem>>)
    %dma_wait3A_413 = arith.constant 1 : i32
    %dma_wait3A_414 = arith.constant 0 : i32
    %dma_wait3A_415 = arith.constant 0 : i32
    %dma_wait3A_416 = arith.constant 0 : i32
    %dma_wait3A_417 = tpu.memref_slice %arg4[%dma_wait3A_413, %dma_wait3A_415, %dma_wait3A_416] : memref<3x64x512xf32, #tpu.memory_space<vmem>> -> memref<1x64x512xf32, #tpu.memory_space<vmem>>
    %dma_wait3A_418 = tpu.memref_squeeze %dma_wait3A_417 : memref<1x64x512xf32, #tpu.memory_space<vmem>> -> memref<64x512xf32, #tpu.memory_space<vmem>>
    %dma_wait3A_419 = arith.constant 256 : i32
    %dma_wait3A_420 = arith.constant 0 : i32
    %dma_wait3A_421 = tpu.memref_slice %arg3[%add3A, %dma_wait3A_414, %dma_wait3A_419, %dma_wait3A_420] : memref<32x3x512x512xf32, #tpu.memory_space<hbm>> -> memref<1x1x64x512xf32, #tpu.memory_space<hbm>>
    %dma_wait3A_422 = tpu.memref_squeeze %dma_wait3A_421 : memref<1x1x64x512xf32, #tpu.memory_space<hbm>> -> memref<64x512xf32, #tpu.memory_space<hbm>>
    %dma_wait3A_423 = arith.constant 256 : i32
    %dma_wait3A_424 = arith.constant 0 : i32
    %dma_wait3A_425 = tpu.memref_slice %arg3[%add3A, %dma_wait3A_414, %dma_wait3A_423, %dma_wait3A_424] : memref<32x3x512x512xf32, #tpu.memory_space<hbm>> -> memref<1x1x64x512xf32, #tpu.memory_space<hbm>>
    %dma_wait3A_426 = tpu.memref_squeeze %dma_wait3A_425 : memref<1x1x64x512xf32, #tpu.memory_space<hbm>> -> memref<64x512xf32, #tpu.memory_space<hbm>>
    %dma_wait3A_427 = arith.constant 0 : i32
    %dma_wait3A_428 = arith.constant 0 : i32
    %dma_wait3A_429 = tpu.memref_slice %arg4[%dma_wait3A_413, %dma_wait3A_427, %dma_wait3A_428] : memref<3x64x512xf32, #tpu.memory_space<vmem>> -> memref<1x64x512xf32, #tpu.memory_space<vmem>>
    %dma_wait3A_430 = tpu.memref_squeeze %dma_wait3A_429 : memref<1x64x512xf32, #tpu.memory_space<vmem>> -> memref<64x512xf32, #tpu.memory_space<vmem>>
    tpu.wait_dma2 semaphore(%arg7 : memref<!tpu.dma_semaphore, #tpu.memory_space<semaphore_mem>>) src(%dma_wait3A_430 : memref<64x512xf32, #tpu.memory_space<vmem>>) dst(%dma_wait3A_426 : memref<64x512xf32, #tpu.memory_space<hbm>>)
    %dma_start3A_431 = arith.constant 2 : i32
    %dma_start3A_432 = arith.constant 1 : i32
    %dma_start3A_433 = arith.constant 0 : i32
    %dma_start3A_434 = arith.constant 0 : i32
    %dma_start3A_435 = tpu.memref_slice %arg4[%dma_start3A_432, %dma_start3A_433, %dma_start3A_434] : memref<3x64x512xf32, #tpu.memory_space<vmem>> -> memref<1x64x512xf32, #tpu.memory_space<vmem>>
    %dma_start3A_436 = tpu.memref_squeeze %dma_start3A_435 : memref<1x64x512xf32, #tpu.memory_space<vmem>> -> memref<64x512xf32, #tpu.memory_space<vmem>>
    %dma_start3A_437 = arith.constant 448 : i32
    %dma_start3A_438 = arith.constant 0 : i32
    %dma_start3A_439 = tpu.memref_slice %arg2[%add3A, %dma_start3A_431, %dma_start3A_437, %dma_start3A_438] : memref<32x3x512x512xf32, #tpu.memory_space<hbm>> -> memref<1x1x64x512xf32, #tpu.memory_space<hbm>>
    %dma_start3A_440 = tpu.memref_squeeze %dma_start3A_439 : memref<1x1x64x512xf32, #tpu.memory_space<hbm>> -> memref<64x512xf32, #tpu.memory_space<hbm>>
    %dma_start3A_441 = arith.constant 0 : i32
    %dma_start3A_442 = arith.constant 0 : i32
    %dma_start3A_443 = tpu.memref_slice %arg4[%dma_start3A_432, %dma_start3A_441, %dma_start3A_442] : memref<3x64x512xf32, #tpu.memory_space<vmem>> -> memref<1x64x512xf32, #tpu.memory_space<vmem>>
    %dma_start3A_444 = tpu.memref_squeeze %dma_start3A_443 : memref<1x64x512xf32, #tpu.memory_space<vmem>> -> memref<64x512xf32, #tpu.memory_space<vmem>>
    %dma_start3A_445 = arith.constant 448 : i32
    %dma_start3A_446 = arith.constant 0 : i32
    %dma_start3A_447 = tpu.memref_slice %arg2[%add3A, %dma_start3A_431, %dma_start3A_445, %dma_start3A_446] : memref<32x3x512x512xf32, #tpu.memory_space<hbm>> -> memref<1x1x64x512xf32, #tpu.memory_space<hbm>>
    %dma_start3A_448 = tpu.memref_squeeze %dma_start3A_447 : memref<1x1x64x512xf32, #tpu.memory_space<hbm>> -> memref<64x512xf32, #tpu.memory_space<hbm>>
    tpu.enqueue_dma source(%dma_start3A_448 : memref<64x512xf32, #tpu.memory_space<hbm>>) target(%dma_start3A_444 : memref<64x512xf32, #tpu.memory_space<vmem>>) target_semaphore(%arg5 : memref<!tpu.dma_semaphore, #tpu.memory_space<semaphore_mem>>)
    %dma_wait3A_449 = arith.constant 2 : i32
    %dma_wait3A_450 = arith.constant 0 : i32
    %dma_wait3A_451 = arith.constant 0 : i32
    %dma_wait3A_452 = arith.constant 0 : i32
    %dma_wait3A_453 = tpu.memref_slice %arg4[%dma_wait3A_450, %dma_wait3A_451, %dma_wait3A_452] : memref<3x64x512xf32, #tpu.memory_space<vmem>> -> memref<1x64x512xf32, #tpu.memory_space<vmem>>
    %dma_wait3A_454 = tpu.memref_squeeze %dma_wait3A_453 : memref<1x64x512xf32, #tpu.memory_space<vmem>> -> memref<64x512xf32, #tpu.memory_space<vmem>>
    %dma_wait3A_455 = arith.constant 384 : i32
    %dma_wait3A_456 = arith.constant 0 : i32
    %dma_wait3A_457 = tpu.memref_slice %arg2[%add3A, %dma_wait3A_449, %dma_wait3A_455, %dma_wait3A_456] : memref<32x3x512x512xf32, #tpu.memory_space<hbm>> -> memref<1x1x64x512xf32, #tpu.memory_space<hbm>>
    %dma_wait3A_458 = tpu.memref_squeeze %dma_wait3A_457 : memref<1x1x64x512xf32, #tpu.memory_space<hbm>> -> memref<64x512xf32, #tpu.memory_space<hbm>>
    %dma_wait3A_459 = arith.constant 0 : i32
    %dma_wait3A_460 = arith.constant 0 : i32
    %dma_wait3A_461 = tpu.memref_slice %arg4[%dma_wait3A_450, %dma_wait3A_459, %dma_wait3A_460] : memref<3x64x512xf32, #tpu.memory_space<vmem>> -> memref<1x64x512xf32, #tpu.memory_space<vmem>>
    %dma_wait3A_462 = tpu.memref_squeeze %dma_wait3A_461 : memref<1x64x512xf32, #tpu.memory_space<vmem>> -> memref<64x512xf32, #tpu.memory_space<vmem>>
    %dma_wait3A_463 = arith.constant 384 : i32
    %dma_wait3A_464 = arith.constant 0 : i32
    %dma_wait3A_465 = tpu.memref_slice %arg2[%add3A, %dma_wait3A_449, %dma_wait3A_463, %dma_wait3A_464] : memref<32x3x512x512xf32, #tpu.memory_space<hbm>> -> memref<1x1x64x512xf32, #tpu.memory_space<hbm>>
    %dma_wait3A_466 = tpu.memref_squeeze %dma_wait3A_465 : memref<1x1x64x512xf32, #tpu.memory_space<hbm>> -> memref<64x512xf32, #tpu.memory_space<hbm>>
    tpu.wait_dma2 semaphore(%arg5 : memref<!tpu.dma_semaphore, #tpu.memory_space<semaphore_mem>>) src(%dma_wait3A_466 : memref<64x512xf32, #tpu.memory_space<hbm>>) dst(%dma_wait3A_462 : memref<64x512xf32, #tpu.memory_space<vmem>>)
    %dma_start3A_467 = arith.constant 0 : i32
    %dma_start3A_468 = arith.constant 0 : i32
    %dma_start3A_469 = arith.constant 0 : i32
    %dma_start3A_470 = arith.constant 0 : i32
    %dma_start3A_471 = tpu.memref_slice %arg4[%dma_start3A_467, %dma_start3A_469, %dma_start3A_470] : memref<3x64x512xf32, #tpu.memory_space<vmem>> -> memref<1x64x512xf32, #tpu.memory_space<vmem>>
    %dma_start3A_472 = tpu.memref_squeeze %dma_start3A_471 : memref<1x64x512xf32, #tpu.memory_space<vmem>> -> memref<64x512xf32, #tpu.memory_space<vmem>>
    %dma_start3A_473 = arith.constant 384 : i32
    %dma_start3A_474 = arith.constant 0 : i32
    %dma_start3A_475 = tpu.memref_slice %arg3[%add3A, %dma_start3A_468, %dma_start3A_473, %dma_start3A_474] : memref<32x3x512x512xf32, #tpu.memory_space<hbm>> -> memref<1x1x64x512xf32, #tpu.memory_space<hbm>>
    %dma_start3A_476 = tpu.memref_squeeze %dma_start3A_475 : memref<1x1x64x512xf32, #tpu.memory_space<hbm>> -> memref<64x512xf32, #tpu.memory_space<hbm>>
    %dma_start3A_477 = arith.constant 384 : i32
    %dma_start3A_478 = arith.constant 0 : i32
    %dma_start3A_479 = tpu.memref_slice %arg3[%add3A, %dma_start3A_468, %dma_start3A_477, %dma_start3A_478] : memref<32x3x512x512xf32, #tpu.memory_space<hbm>> -> memref<1x1x64x512xf32, #tpu.memory_space<hbm>>
    %dma_start3A_480 = tpu.memref_squeeze %dma_start3A_479 : memref<1x1x64x512xf32, #tpu.memory_space<hbm>> -> memref<64x512xf32, #tpu.memory_space<hbm>>
    %dma_start3A_481 = arith.constant 0 : i32
    %dma_start3A_482 = arith.constant 0 : i32
    %dma_start3A_483 = tpu.memref_slice %arg4[%dma_start3A_467, %dma_start3A_481, %dma_start3A_482] : memref<3x64x512xf32, #tpu.memory_space<vmem>> -> memref<1x64x512xf32, #tpu.memory_space<vmem>>
    %dma_start3A_484 = tpu.memref_squeeze %dma_start3A_483 : memref<1x64x512xf32, #tpu.memory_space<vmem>> -> memref<64x512xf32, #tpu.memory_space<vmem>>
    tpu.enqueue_dma source(%dma_start3A_484 : memref<64x512xf32, #tpu.memory_space<vmem>>) target(%dma_start3A_480 : memref<64x512xf32, #tpu.memory_space<hbm>>) target_semaphore(%arg6 : memref<!tpu.dma_semaphore, #tpu.memory_space<semaphore_mem>>)
    %dma_wait3A_485 = arith.constant 2 : i32
    %dma_wait3A_486 = arith.constant 0 : i32
    %dma_wait3A_487 = arith.constant 0 : i32
    %dma_wait3A_488 = arith.constant 0 : i32
    %dma_wait3A_489 = tpu.memref_slice %arg4[%dma_wait3A_485, %dma_wait3A_487, %dma_wait3A_488] : memref<3x64x512xf32, #tpu.memory_space<vmem>> -> memref<1x64x512xf32, #tpu.memory_space<vmem>>
    %dma_wait3A_490 = tpu.memref_squeeze %dma_wait3A_489 : memref<1x64x512xf32, #tpu.memory_space<vmem>> -> memref<64x512xf32, #tpu.memory_space<vmem>>
    %dma_wait3A_491 = arith.constant 320 : i32
    %dma_wait3A_492 = arith.constant 0 : i32
    %dma_wait3A_493 = tpu.memref_slice %arg3[%add3A, %dma_wait3A_486, %dma_wait3A_491, %dma_wait3A_492] : memref<32x3x512x512xf32, #tpu.memory_space<hbm>> -> memref<1x1x64x512xf32, #tpu.memory_space<hbm>>
    %dma_wait3A_494 = tpu.memref_squeeze %dma_wait3A_493 : memref<1x1x64x512xf32, #tpu.memory_space<hbm>> -> memref<64x512xf32, #tpu.memory_space<hbm>>
    %dma_wait3A_495 = arith.constant 320 : i32
    %dma_wait3A_496 = arith.constant 0 : i32
    %dma_wait3A_497 = tpu.memref_slice %arg3[%add3A, %dma_wait3A_486, %dma_wait3A_495, %dma_wait3A_496] : memref<32x3x512x512xf32, #tpu.memory_space<hbm>> -> memref<1x1x64x512xf32, #tpu.memory_space<hbm>>
    %dma_wait3A_498 = tpu.memref_squeeze %dma_wait3A_497 : memref<1x1x64x512xf32, #tpu.memory_space<hbm>> -> memref<64x512xf32, #tpu.memory_space<hbm>>
    %dma_wait3A_499 = arith.constant 0 : i32
    %dma_wait3A_500 = arith.constant 0 : i32
    %dma_wait3A_501 = tpu.memref_slice %arg4[%dma_wait3A_485, %dma_wait3A_499, %dma_wait3A_500] : memref<3x64x512xf32, #tpu.memory_space<vmem>> -> memref<1x64x512xf32, #tpu.memory_space<vmem>>
    %dma_wait3A_502 = tpu.memref_squeeze %dma_wait3A_501 : memref<1x64x512xf32, #tpu.memory_space<vmem>> -> memref<64x512xf32, #tpu.memory_space<vmem>>
    tpu.wait_dma2 semaphore(%arg8 : memref<!tpu.dma_semaphore, #tpu.memory_space<semaphore_mem>>) src(%dma_wait3A_502 : memref<64x512xf32, #tpu.memory_space<vmem>>) dst(%dma_wait3A_498 : memref<64x512xf32, #tpu.memory_space<hbm>>)
    %dma_start3A_503 = arith.constant 1 : i32
    %dma_start3A_504 = arith.constant 2 : i32
    %dma_start3A_505 = arith.constant 0 : i32
    %dma_start3A_506 = arith.constant 0 : i32
    %dma_start3A_507 = tpu.memref_slice %arg4[%dma_start3A_504, %dma_start3A_505, %dma_start3A_506] : memref<3x64x512xf32, #tpu.memory_space<vmem>> -> memref<1x64x512xf32, #tpu.memory_space<vmem>>
    %dma_start3A_508 = tpu.memref_squeeze %dma_start3A_507 : memref<1x64x512xf32, #tpu.memory_space<vmem>> -> memref<64x512xf32, #tpu.memory_space<vmem>>
    %dma_start3A_509 = arith.constant 0 : i32
    %dma_start3A_510 = arith.constant 0 : i32
    %dma_start3A_511 = tpu.memref_slice %arg2[%add3A, %dma_start3A_503, %dma_start3A_509, %dma_start3A_510] : memref<32x3x512x512xf32, #tpu.memory_space<hbm>> -> memref<1x1x64x512xf32, #tpu.memory_space<hbm>>
    %dma_start3A_512 = tpu.memref_squeeze %dma_start3A_511 : memref<1x1x64x512xf32, #tpu.memory_space<hbm>> -> memref<64x512xf32, #tpu.memory_space<hbm>>
    %dma_start3A_513 = arith.constant 0 : i32
    %dma_start3A_514 = arith.constant 0 : i32
    %dma_start3A_515 = tpu.memref_slice %arg4[%dma_start3A_504, %dma_start3A_513, %dma_start3A_514] : memref<3x64x512xf32, #tpu.memory_space<vmem>> -> memref<1x64x512xf32, #tpu.memory_space<vmem>>
    %dma_start3A_516 = tpu.memref_squeeze %dma_start3A_515 : memref<1x64x512xf32, #tpu.memory_space<vmem>> -> memref<64x512xf32, #tpu.memory_space<vmem>>
    %dma_start3A_517 = arith.constant 0 : i32
    %dma_start3A_518 = arith.constant 0 : i32
    %dma_start3A_519 = tpu.memref_slice %arg2[%add3A, %dma_start3A_503, %dma_start3A_517, %dma_start3A_518] : memref<32x3x512x512xf32, #tpu.memory_space<hbm>> -> memref<1x1x64x512xf32, #tpu.memory_space<hbm>>
    %dma_start3A_520 = tpu.memref_squeeze %dma_start3A_519 : memref<1x1x64x512xf32, #tpu.memory_space<hbm>> -> memref<64x512xf32, #tpu.memory_space<hbm>>
    tpu.enqueue_dma source(%dma_start3A_520 : memref<64x512xf32, #tpu.memory_space<hbm>>) target(%dma_start3A_516 : memref<64x512xf32, #tpu.memory_space<vmem>>) target_semaphore(%arg5 : memref<!tpu.dma_semaphore, #tpu.memory_space<semaphore_mem>>)
    %dma_wait3A_521 = arith.constant 2 : i32
    %dma_wait3A_522 = arith.constant 1 : i32
    %dma_wait3A_523 = arith.constant 0 : i32
    %dma_wait3A_524 = arith.constant 0 : i32
    %dma_wait3A_525 = tpu.memref_slice %arg4[%dma_wait3A_522, %dma_wait3A_523, %dma_wait3A_524] : memref<3x64x512xf32, #tpu.memory_space<vmem>> -> memref<1x64x512xf32, #tpu.memory_space<vmem>>
    %dma_wait3A_526 = tpu.memref_squeeze %dma_wait3A_525 : memref<1x64x512xf32, #tpu.memory_space<vmem>> -> memref<64x512xf32, #tpu.memory_space<vmem>>
    %dma_wait3A_527 = arith.constant 448 : i32
    %dma_wait3A_528 = arith.constant 0 : i32
    %dma_wait3A_529 = tpu.memref_slice %arg2[%add3A, %dma_wait3A_521, %dma_wait3A_527, %dma_wait3A_528] : memref<32x3x512x512xf32, #tpu.memory_space<hbm>> -> memref<1x1x64x512xf32, #tpu.memory_space<hbm>>
    %dma_wait3A_530 = tpu.memref_squeeze %dma_wait3A_529 : memref<1x1x64x512xf32, #tpu.memory_space<hbm>> -> memref<64x512xf32, #tpu.memory_space<hbm>>
    %dma_wait3A_531 = arith.constant 0 : i32
    %dma_wait3A_532 = arith.constant 0 : i32
    %dma_wait3A_533 = tpu.memref_slice %arg4[%dma_wait3A_522, %dma_wait3A_531, %dma_wait3A_532] : memref<3x64x512xf32, #tpu.memory_space<vmem>> -> memref<1x64x512xf32, #tpu.memory_space<vmem>>
    %dma_wait3A_534 = tpu.memref_squeeze %dma_wait3A_533 : memref<1x64x512xf32, #tpu.memory_space<vmem>> -> memref<64x512xf32, #tpu.memory_space<vmem>>
    %dma_wait3A_535 = arith.constant 448 : i32
    %dma_wait3A_536 = arith.constant 0 : i32
    %dma_wait3A_537 = tpu.memref_slice %arg2[%add3A, %dma_wait3A_521, %dma_wait3A_535, %dma_wait3A_536] : memref<32x3x512x512xf32, #tpu.memory_space<hbm>> -> memref<1x1x64x512xf32, #tpu.memory_space<hbm>>
    %dma_wait3A_538 = tpu.memref_squeeze %dma_wait3A_537 : memref<1x1x64x512xf32, #tpu.memory_space<hbm>> -> memref<64x512xf32, #tpu.memory_space<hbm>>
    tpu.wait_dma2 semaphore(%arg5 : memref<!tpu.dma_semaphore, #tpu.memory_space<semaphore_mem>>) src(%dma_wait3A_538 : memref<64x512xf32, #tpu.memory_space<hbm>>) dst(%dma_wait3A_534 : memref<64x512xf32, #tpu.memory_space<vmem>>)
    %dma_start3A_539 = arith.constant 1 : i32
    %dma_start3A_540 = arith.constant 0 : i32
    %dma_start3A_541 = arith.constant 0 : i32
    %dma_start3A_542 = arith.constant 0 : i32
    %dma_start3A_543 = tpu.memref_slice %arg4[%dma_start3A_539, %dma_start3A_541, %dma_start3A_542] : memref<3x64x512xf32, #tpu.memory_space<vmem>> -> memref<1x64x512xf32, #tpu.memory_space<vmem>>
    %dma_start3A_544 = tpu.memref_squeeze %dma_start3A_543 : memref<1x64x512xf32, #tpu.memory_space<vmem>> -> memref<64x512xf32, #tpu.memory_space<vmem>>
    %dma_start3A_545 = arith.constant 448 : i32
    %dma_start3A_546 = arith.constant 0 : i32
    %dma_start3A_547 = tpu.memref_slice %arg3[%add3A, %dma_start3A_540, %dma_start3A_545, %dma_start3A_546] : memref<32x3x512x512xf32, #tpu.memory_space<hbm>> -> memref<1x1x64x512xf32, #tpu.memory_space<hbm>>
    %dma_start3A_548 = tpu.memref_squeeze %dma_start3A_547 : memref<1x1x64x512xf32, #tpu.memory_space<hbm>> -> memref<64x512xf32, #tpu.memory_space<hbm>>
    %dma_start3A_549 = arith.constant 448 : i32
    %dma_start3A_550 = arith.constant 0 : i32
    %dma_start3A_551 = tpu.memref_slice %arg3[%add3A, %dma_start3A_540, %dma_start3A_549, %dma_start3A_550] : memref<32x3x512x512xf32, #tpu.memory_space<hbm>> -> memref<1x1x64x512xf32, #tpu.memory_space<hbm>>
    %dma_start3A_552 = tpu.memref_squeeze %dma_start3A_551 : memref<1x1x64x512xf32, #tpu.memory_space<hbm>> -> memref<64x512xf32, #tpu.memory_space<hbm>>
    %dma_start3A_553 = arith.constant 0 : i32
    %dma_start3A_554 = arith.constant 0 : i32
    %dma_start3A_555 = tpu.memref_slice %arg4[%dma_start3A_539, %dma_start3A_553, %dma_start3A_554] : memref<3x64x512xf32, #tpu.memory_space<vmem>> -> memref<1x64x512xf32, #tpu.memory_space<vmem>>
    %dma_start3A_556 = tpu.memref_squeeze %dma_start3A_555 : memref<1x64x512xf32, #tpu.memory_space<vmem>> -> memref<64x512xf32, #tpu.memory_space<vmem>>
    tpu.enqueue_dma source(%dma_start3A_556 : memref<64x512xf32, #tpu.memory_space<vmem>>) target(%dma_start3A_552 : memref<64x512xf32, #tpu.memory_space<hbm>>) target_semaphore(%arg7 : memref<!tpu.dma_semaphore, #tpu.memory_space<semaphore_mem>>)
    %dma_wait3A_557 = arith.constant 0 : i32
    %dma_wait3A_558 = arith.constant 0 : i32
    %dma_wait3A_559 = arith.constant 0 : i32
    %dma_wait3A_560 = arith.constant 0 : i32
    %dma_wait3A_561 = tpu.memref_slice %arg4[%dma_wait3A_557, %dma_wait3A_559, %dma_wait3A_560] : memref<3x64x512xf32, #tpu.memory_space<vmem>> -> memref<1x64x512xf32, #tpu.memory_space<vmem>>
    %dma_wait3A_562 = tpu.memref_squeeze %dma_wait3A_561 : memref<1x64x512xf32, #tpu.memory_space<vmem>> -> memref<64x512xf32, #tpu.memory_space<vmem>>
    %dma_wait3A_563 = arith.constant 384 : i32
    %dma_wait3A_564 = arith.constant 0 : i32
    %dma_wait3A_565 = tpu.memref_slice %arg3[%add3A, %dma_wait3A_558, %dma_wait3A_563, %dma_wait3A_564] : memref<32x3x512x512xf32, #tpu.memory_space<hbm>> -> memref<1x1x64x512xf32, #tpu.memory_space<hbm>>
    %dma_wait3A_566 = tpu.memref_squeeze %dma_wait3A_565 : memref<1x1x64x512xf32, #tpu.memory_space<hbm>> -> memref<64x512xf32, #tpu.memory_space<hbm>>
    %dma_wait3A_567 = arith.constant 384 : i32
    %dma_wait3A_568 = arith.constant 0 : i32
    %dma_wait3A_569 = tpu.memref_slice %arg3[%add3A, %dma_wait3A_558, %dma_wait3A_567, %dma_wait3A_568] : memref<32x3x512x512xf32, #tpu.memory_space<hbm>> -> memref<1x1x64x512xf32, #tpu.memory_space<hbm>>
    %dma_wait3A_570 = tpu.memref_squeeze %dma_wait3A_569 : memref<1x1x64x512xf32, #tpu.memory_space<hbm>> -> memref<64x512xf32, #tpu.memory_space<hbm>>
    %dma_wait3A_571 = arith.constant 0 : i32
    %dma_wait3A_572 = arith.constant 0 : i32
    %dma_wait3A_573 = tpu.memref_slice %arg4[%dma_wait3A_557, %dma_wait3A_571, %dma_wait3A_572] : memref<3x64x512xf32, #tpu.memory_space<vmem>> -> memref<1x64x512xf32, #tpu.memory_space<vmem>>
    %dma_wait3A_574 = tpu.memref_squeeze %dma_wait3A_573 : memref<1x64x512xf32, #tpu.memory_space<vmem>> -> memref<64x512xf32, #tpu.memory_space<vmem>>
    tpu.wait_dma2 semaphore(%arg6 : memref<!tpu.dma_semaphore, #tpu.memory_space<semaphore_mem>>) src(%dma_wait3A_574 : memref<64x512xf32, #tpu.memory_space<vmem>>) dst(%dma_wait3A_570 : memref<64x512xf32, #tpu.memory_space<hbm>>)
    %dma_start3A_575 = arith.constant 1 : i32
    %dma_start3A_576 = arith.constant 0 : i32
    %dma_start3A_577 = arith.constant 0 : i32
    %dma_start3A_578 = arith.constant 0 : i32
    %dma_start3A_579 = tpu.memref_slice %arg4[%dma_start3A_576, %dma_start3A_577, %dma_start3A_578] : memref<3x64x512xf32, #tpu.memory_space<vmem>> -> memref<1x64x512xf32, #tpu.memory_space<vmem>>
    %dma_start3A_580 = tpu.memref_squeeze %dma_start3A_579 : memref<1x64x512xf32, #tpu.memory_space<vmem>> -> memref<64x512xf32, #tpu.memory_space<vmem>>
    %dma_start3A_581 = arith.constant 64 : i32
    %dma_start3A_582 = arith.constant 0 : i32
    %dma_start3A_583 = tpu.memref_slice %arg2[%add3A, %dma_start3A_575, %dma_start3A_581, %dma_start3A_582] : memref<32x3x512x512xf32, #tpu.memory_space<hbm>> -> memref<1x1x64x512xf32, #tpu.memory_space<hbm>>
    %dma_start3A_584 = tpu.memref_squeeze %dma_start3A_583 : memref<1x1x64x512xf32, #tpu.memory_space<hbm>> -> memref<64x512xf32, #tpu.memory_space<hbm>>
    %dma_start3A_585 = arith.constant 0 : i32
    %dma_start3A_586 = arith.constant 0 : i32
    %dma_start3A_587 = tpu.memref_slice %arg4[%dma_start3A_576, %dma_start3A_585, %dma_start3A_586] : memref<3x64x512xf32, #tpu.memory_space<vmem>> -> memref<1x64x512xf32, #tpu.memory_space<vmem>>
    %dma_start3A_588 = tpu.memref_squeeze %dma_start3A_587 : memref<1x64x512xf32, #tpu.memory_space<vmem>> -> memref<64x512xf32, #tpu.memory_space<vmem>>
    %dma_start3A_589 = arith.constant 64 : i32
    %dma_start3A_590 = arith.constant 0 : i32
    %dma_start3A_591 = tpu.memref_slice %arg2[%add3A, %dma_start3A_575, %dma_start3A_589, %dma_start3A_590] : memref<32x3x512x512xf32, #tpu.memory_space<hbm>> -> memref<1x1x64x512xf32, #tpu.memory_space<hbm>>
    %dma_start3A_592 = tpu.memref_squeeze %dma_start3A_591 : memref<1x1x64x512xf32, #tpu.memory_space<hbm>> -> memref<64x512xf32, #tpu.memory_space<hbm>>
    tpu.enqueue_dma source(%dma_start3A_592 : memref<64x512xf32, #tpu.memory_space<hbm>>) target(%dma_start3A_588 : memref<64x512xf32, #tpu.memory_space<vmem>>) target_semaphore(%arg5 : memref<!tpu.dma_semaphore, #tpu.memory_space<semaphore_mem>>)
    %dma_wait3A_593 = arith.constant 1 : i32
    %dma_wait3A_594 = arith.constant 2 : i32
    %dma_wait3A_595 = arith.constant 0 : i32
    %dma_wait3A_596 = arith.constant 0 : i32
    %dma_wait3A_597 = tpu.memref_slice %arg4[%dma_wait3A_594, %dma_wait3A_595, %dma_wait3A_596] : memref<3x64x512xf32, #tpu.memory_space<vmem>> -> memref<1x64x512xf32, #tpu.memory_space<vmem>>
    %dma_wait3A_598 = tpu.memref_squeeze %dma_wait3A_597 : memref<1x64x512xf32, #tpu.memory_space<vmem>> -> memref<64x512xf32, #tpu.memory_space<vmem>>
    %dma_wait3A_599 = arith.constant 0 : i32
    %dma_wait3A_600 = arith.constant 0 : i32
    %dma_wait3A_601 = tpu.memref_slice %arg2[%add3A, %dma_wait3A_593, %dma_wait3A_599, %dma_wait3A_600] : memref<32x3x512x512xf32, #tpu.memory_space<hbm>> -> memref<1x1x64x512xf32, #tpu.memory_space<hbm>>
    %dma_wait3A_602 = tpu.memref_squeeze %dma_wait3A_601 : memref<1x1x64x512xf32, #tpu.memory_space<hbm>> -> memref<64x512xf32, #tpu.memory_space<hbm>>
    %dma_wait3A_603 = arith.constant 0 : i32
    %dma_wait3A_604 = arith.constant 0 : i32
    %dma_wait3A_605 = tpu.memref_slice %arg4[%dma_wait3A_594, %dma_wait3A_603, %dma_wait3A_604] : memref<3x64x512xf32, #tpu.memory_space<vmem>> -> memref<1x64x512xf32, #tpu.memory_space<vmem>>
    %dma_wait3A_606 = tpu.memref_squeeze %dma_wait3A_605 : memref<1x64x512xf32, #tpu.memory_space<vmem>> -> memref<64x512xf32, #tpu.memory_space<vmem>>
    %dma_wait3A_607 = arith.constant 0 : i32
    %dma_wait3A_608 = arith.constant 0 : i32
    %dma_wait3A_609 = tpu.memref_slice %arg2[%add3A, %dma_wait3A_593, %dma_wait3A_607, %dma_wait3A_608] : memref<32x3x512x512xf32, #tpu.memory_space<hbm>> -> memref<1x1x64x512xf32, #tpu.memory_space<hbm>>
    %dma_wait3A_610 = tpu.memref_squeeze %dma_wait3A_609 : memref<1x1x64x512xf32, #tpu.memory_space<hbm>> -> memref<64x512xf32, #tpu.memory_space<hbm>>
    tpu.wait_dma2 semaphore(%arg5 : memref<!tpu.dma_semaphore, #tpu.memory_space<semaphore_mem>>) src(%dma_wait3A_610 : memref<64x512xf32, #tpu.memory_space<hbm>>) dst(%dma_wait3A_606 : memref<64x512xf32, #tpu.memory_space<vmem>>)
    %dma_start3A_611 = arith.constant 2 : i32
    %dma_start3A_612 = arith.constant 1 : i32
    %dma_start3A_613 = arith.constant 0 : i32
    %dma_start3A_614 = arith.constant 0 : i32
    %dma_start3A_615 = tpu.memref_slice %arg4[%dma_start3A_611, %dma_start3A_613, %dma_start3A_614] : memref<3x64x512xf32, #tpu.memory_space<vmem>> -> memref<1x64x512xf32, #tpu.memory_space<vmem>>
    %dma_start3A_616 = tpu.memref_squeeze %dma_start3A_615 : memref<1x64x512xf32, #tpu.memory_space<vmem>> -> memref<64x512xf32, #tpu.memory_space<vmem>>
    %dma_start3A_617 = arith.constant 0 : i32
    %dma_start3A_618 = arith.constant 0 : i32
    %dma_start3A_619 = tpu.memref_slice %arg3[%add3A, %dma_start3A_612, %dma_start3A_617, %dma_start3A_618] : memref<32x3x512x512xf32, #tpu.memory_space<hbm>> -> memref<1x1x64x512xf32, #tpu.memory_space<hbm>>
    %dma_start3A_620 = tpu.memref_squeeze %dma_start3A_619 : memref<1x1x64x512xf32, #tpu.memory_space<hbm>> -> memref<64x512xf32, #tpu.memory_space<hbm>>
    %dma_start3A_621 = arith.constant 0 : i32
    %dma_start3A_622 = arith.constant 0 : i32
    %dma_start3A_623 = tpu.memref_slice %arg3[%add3A, %dma_start3A_612, %dma_start3A_621, %dma_start3A_622] : memref<32x3x512x512xf32, #tpu.memory_space<hbm>> -> memref<1x1x64x512xf32, #tpu.memory_space<hbm>>
    %dma_start3A_624 = tpu.memref_squeeze %dma_start3A_623 : memref<1x1x64x512xf32, #tpu.memory_space<hbm>> -> memref<64x512xf32, #tpu.memory_space<hbm>>
    %dma_start3A_625 = arith.constant 0 : i32
    %dma_start3A_626 = arith.constant 0 : i32
    %dma_start3A_627 = tpu.memref_slice %arg4[%dma_start3A_611, %dma_start3A_625, %dma_start3A_626] : memref<3x64x512xf32, #tpu.memory_space<vmem>> -> memref<1x64x512xf32, #tpu.memory_space<vmem>>
    %dma_start3A_628 = tpu.memref_squeeze %dma_start3A_627 : memref<1x64x512xf32, #tpu.memory_space<vmem>> -> memref<64x512xf32, #tpu.memory_space<vmem>>
    tpu.enqueue_dma source(%dma_start3A_628 : memref<64x512xf32, #tpu.memory_space<vmem>>) target(%dma_start3A_624 : memref<64x512xf32, #tpu.memory_space<hbm>>) target_semaphore(%arg8 : memref<!tpu.dma_semaphore, #tpu.memory_space<semaphore_mem>>)
    %dma_wait3A_629 = arith.constant 1 : i32
    %dma_wait3A_630 = arith.constant 0 : i32
    %dma_wait3A_631 = arith.constant 0 : i32
    %dma_wait3A_632 = arith.constant 0 : i32
    %dma_wait3A_633 = tpu.memref_slice %arg4[%dma_wait3A_629, %dma_wait3A_631, %dma_wait3A_632] : memref<3x64x512xf32, #tpu.memory_space<vmem>> -> memref<1x64x512xf32, #tpu.memory_space<vmem>>
    %dma_wait3A_634 = tpu.memref_squeeze %dma_wait3A_633 : memref<1x64x512xf32, #tpu.memory_space<vmem>> -> memref<64x512xf32, #tpu.memory_space<vmem>>
    %dma_wait3A_635 = arith.constant 448 : i32
    %dma_wait3A_636 = arith.constant 0 : i32
    %dma_wait3A_637 = tpu.memref_slice %arg3[%add3A, %dma_wait3A_630, %dma_wait3A_635, %dma_wait3A_636] : memref<32x3x512x512xf32, #tpu.memory_space<hbm>> -> memref<1x1x64x512xf32, #tpu.memory_space<hbm>>
    %dma_wait3A_638 = tpu.memref_squeeze %dma_wait3A_637 : memref<1x1x64x512xf32, #tpu.memory_space<hbm>> -> memref<64x512xf32, #tpu.memory_space<hbm>>
    %dma_wait3A_639 = arith.constant 448 : i32
    %dma_wait3A_640 = arith.constant 0 : i32
    %dma_wait3A_641 = tpu.memref_slice %arg3[%add3A, %dma_wait3A_630, %dma_wait3A_639, %dma_wait3A_640] : memref<32x3x512x512xf32, #tpu.memory_space<hbm>> -> memref<1x1x64x512xf32, #tpu.memory_space<hbm>>
    %dma_wait3A_642 = tpu.memref_squeeze %dma_wait3A_641 : memref<1x1x64x512xf32, #tpu.memory_space<hbm>> -> memref<64x512xf32, #tpu.memory_space<hbm>>
    %dma_wait3A_643 = arith.constant 0 : i32
    %dma_wait3A_644 = arith.constant 0 : i32
    %dma_wait3A_645 = tpu.memref_slice %arg4[%dma_wait3A_629, %dma_wait3A_643, %dma_wait3A_644] : memref<3x64x512xf32, #tpu.memory_space<vmem>> -> memref<1x64x512xf32, #tpu.memory_space<vmem>>
    %dma_wait3A_646 = tpu.memref_squeeze %dma_wait3A_645 : memref<1x64x512xf32, #tpu.memory_space<vmem>> -> memref<64x512xf32, #tpu.memory_space<vmem>>
    tpu.wait_dma2 semaphore(%arg7 : memref<!tpu.dma_semaphore, #tpu.memory_space<semaphore_mem>>) src(%dma_wait3A_646 : memref<64x512xf32, #tpu.memory_space<vmem>>) dst(%dma_wait3A_642 : memref<64x512xf32, #tpu.memory_space<hbm>>)
    %dma_start3A_647 = arith.constant 1 : i32
    %dma_start3A_648 = arith.constant 1 : i32
    %dma_start3A_649 = arith.constant 0 : i32
    %dma_start3A_650 = arith.constant 0 : i32
    %dma_start3A_651 = tpu.memref_slice %arg4[%dma_start3A_648, %dma_start3A_649, %dma_start3A_650] : memref<3x64x512xf32, #tpu.memory_space<vmem>> -> memref<1x64x512xf32, #tpu.memory_space<vmem>>
    %dma_start3A_652 = tpu.memref_squeeze %dma_start3A_651 : memref<1x64x512xf32, #tpu.memory_space<vmem>> -> memref<64x512xf32, #tpu.memory_space<vmem>>
    %dma_start3A_653 = arith.constant 128 : i32
    %dma_start3A_654 = arith.constant 0 : i32
    %dma_start3A_655 = tpu.memref_slice %arg2[%add3A, %dma_start3A_647, %dma_start3A_653, %dma_start3A_654] : memref<32x3x512x512xf32, #tpu.memory_space<hbm>> -> memref<1x1x64x512xf32, #tpu.memory_space<hbm>>
    %dma_start3A_656 = tpu.memref_squeeze %dma_start3A_655 : memref<1x1x64x512xf32, #tpu.memory_space<hbm>> -> memref<64x512xf32, #tpu.memory_space<hbm>>
    %dma_start3A_657 = arith.constant 0 : i32
    %dma_start3A_658 = arith.constant 0 : i32
    %dma_start3A_659 = tpu.memref_slice %arg4[%dma_start3A_648, %dma_start3A_657, %dma_start3A_658] : memref<3x64x512xf32, #tpu.memory_space<vmem>> -> memref<1x64x512xf32, #tpu.memory_space<vmem>>
    %dma_start3A_660 = tpu.memref_squeeze %dma_start3A_659 : memref<1x64x512xf32, #tpu.memory_space<vmem>> -> memref<64x512xf32, #tpu.memory_space<vmem>>
    %dma_start3A_661 = arith.constant 128 : i32
    %dma_start3A_662 = arith.constant 0 : i32
    %dma_start3A_663 = tpu.memref_slice %arg2[%add3A, %dma_start3A_647, %dma_start3A_661, %dma_start3A_662] : memref<32x3x512x512xf32, #tpu.memory_space<hbm>> -> memref<1x1x64x512xf32, #tpu.memory_space<hbm>>
    %dma_start3A_664 = tpu.memref_squeeze %dma_start3A_663 : memref<1x1x64x512xf32, #tpu.memory_space<hbm>> -> memref<64x512xf32, #tpu.memory_space<hbm>>
    tpu.enqueue_dma source(%dma_start3A_664 : memref<64x512xf32, #tpu.memory_space<hbm>>) target(%dma_start3A_660 : memref<64x512xf32, #tpu.memory_space<vmem>>) target_semaphore(%arg5 : memref<!tpu.dma_semaphore, #tpu.memory_space<semaphore_mem>>)
    %dma_wait3A_665 = arith.constant 1 : i32
    %dma_wait3A_666 = arith.constant 0 : i32
    %dma_wait3A_667 = arith.constant 0 : i32
    %dma_wait3A_668 = arith.constant 0 : i32
    %dma_wait3A_669 = tpu.memref_slice %arg4[%dma_wait3A_666, %dma_wait3A_667, %dma_wait3A_668] : memref<3x64x512xf32, #tpu.memory_space<vmem>> -> memref<1x64x512xf32, #tpu.memory_space<vmem>>
    %dma_wait3A_670 = tpu.memref_squeeze %dma_wait3A_669 : memref<1x64x512xf32, #tpu.memory_space<vmem>> -> memref<64x512xf32, #tpu.memory_space<vmem>>
    %dma_wait3A_671 = arith.constant 64 : i32
    %dma_wait3A_672 = arith.constant 0 : i32
    %dma_wait3A_673 = tpu.memref_slice %arg2[%add3A, %dma_wait3A_665, %dma_wait3A_671, %dma_wait3A_672] : memref<32x3x512x512xf32, #tpu.memory_space<hbm>> -> memref<1x1x64x512xf32, #tpu.memory_space<hbm>>
    %dma_wait3A_674 = tpu.memref_squeeze %dma_wait3A_673 : memref<1x1x64x512xf32, #tpu.memory_space<hbm>> -> memref<64x512xf32, #tpu.memory_space<hbm>>
    %dma_wait3A_675 = arith.constant 0 : i32
    %dma_wait3A_676 = arith.constant 0 : i32
    %dma_wait3A_677 = tpu.memref_slice %arg4[%dma_wait3A_666, %dma_wait3A_675, %dma_wait3A_676] : memref<3x64x512xf32, #tpu.memory_space<vmem>> -> memref<1x64x512xf32, #tpu.memory_space<vmem>>
    %dma_wait3A_678 = tpu.memref_squeeze %dma_wait3A_677 : memref<1x64x512xf32, #tpu.memory_space<vmem>> -> memref<64x512xf32, #tpu.memory_space<vmem>>
    %dma_wait3A_679 = arith.constant 64 : i32
    %dma_wait3A_680 = arith.constant 0 : i32
    %dma_wait3A_681 = tpu.memref_slice %arg2[%add3A, %dma_wait3A_665, %dma_wait3A_679, %dma_wait3A_680] : memref<32x3x512x512xf32, #tpu.memory_space<hbm>> -> memref<1x1x64x512xf32, #tpu.memory_space<hbm>>
    %dma_wait3A_682 = tpu.memref_squeeze %dma_wait3A_681 : memref<1x1x64x512xf32, #tpu.memory_space<hbm>> -> memref<64x512xf32, #tpu.memory_space<hbm>>
    tpu.wait_dma2 semaphore(%arg5 : memref<!tpu.dma_semaphore, #tpu.memory_space<semaphore_mem>>) src(%dma_wait3A_682 : memref<64x512xf32, #tpu.memory_space<hbm>>) dst(%dma_wait3A_678 : memref<64x512xf32, #tpu.memory_space<vmem>>)
    %dma_start3A_683 = arith.constant 0 : i32
    %dma_start3A_684 = arith.constant 1 : i32
    %dma_start3A_685 = arith.constant 0 : i32
    %dma_start3A_686 = arith.constant 0 : i32
    %dma_start3A_687 = tpu.memref_slice %arg4[%dma_start3A_683, %dma_start3A_685, %dma_start3A_686] : memref<3x64x512xf32, #tpu.memory_space<vmem>> -> memref<1x64x512xf32, #tpu.memory_space<vmem>>
    %dma_start3A_688 = tpu.memref_squeeze %dma_start3A_687 : memref<1x64x512xf32, #tpu.memory_space<vmem>> -> memref<64x512xf32, #tpu.memory_space<vmem>>
    %dma_start3A_689 = arith.constant 64 : i32
    %dma_start3A_690 = arith.constant 0 : i32
    %dma_start3A_691 = tpu.memref_slice %arg3[%add3A, %dma_start3A_684, %dma_start3A_689, %dma_start3A_690] : memref<32x3x512x512xf32, #tpu.memory_space<hbm>> -> memref<1x1x64x512xf32, #tpu.memory_space<hbm>>
    %dma_start3A_692 = tpu.memref_squeeze %dma_start3A_691 : memref<1x1x64x512xf32, #tpu.memory_space<hbm>> -> memref<64x512xf32, #tpu.memory_space<hbm>>
    %dma_start3A_693 = arith.constant 64 : i32
    %dma_start3A_694 = arith.constant 0 : i32
    %dma_start3A_695 = tpu.memref_slice %arg3[%add3A, %dma_start3A_684, %dma_start3A_693, %dma_start3A_694] : memref<32x3x512x512xf32, #tpu.memory_space<hbm>> -> memref<1x1x64x512xf32, #tpu.memory_space<hbm>>
    %dma_start3A_696 = tpu.memref_squeeze %dma_start3A_695 : memref<1x1x64x512xf32, #tpu.memory_space<hbm>> -> memref<64x512xf32, #tpu.memory_space<hbm>>
    %dma_start3A_697 = arith.constant 0 : i32
    %dma_start3A_698 = arith.constant 0 : i32
    %dma_start3A_699 = tpu.memref_slice %arg4[%dma_start3A_683, %dma_start3A_697, %dma_start3A_698] : memref<3x64x512xf32, #tpu.memory_space<vmem>> -> memref<1x64x512xf32, #tpu.memory_space<vmem>>
    %dma_start3A_700 = tpu.memref_squeeze %dma_start3A_699 : memref<1x64x512xf32, #tpu.memory_space<vmem>> -> memref<64x512xf32, #tpu.memory_space<vmem>>
    tpu.enqueue_dma source(%dma_start3A_700 : memref<64x512xf32, #tpu.memory_space<vmem>>) target(%dma_start3A_696 : memref<64x512xf32, #tpu.memory_space<hbm>>) target_semaphore(%arg6 : memref<!tpu.dma_semaphore, #tpu.memory_space<semaphore_mem>>)
    %dma_wait3A_701 = arith.constant 2 : i32
    %dma_wait3A_702 = arith.constant 1 : i32
    %dma_wait3A_703 = arith.constant 0 : i32
    %dma_wait3A_704 = arith.constant 0 : i32
    %dma_wait3A_705 = tpu.memref_slice %arg4[%dma_wait3A_701, %dma_wait3A_703, %dma_wait3A_704] : memref<3x64x512xf32, #tpu.memory_space<vmem>> -> memref<1x64x512xf32, #tpu.memory_space<vmem>>
    %dma_wait3A_706 = tpu.memref_squeeze %dma_wait3A_705 : memref<1x64x512xf32, #tpu.memory_space<vmem>> -> memref<64x512xf32, #tpu.memory_space<vmem>>
    %dma_wait3A_707 = arith.constant 0 : i32
    %dma_wait3A_708 = arith.constant 0 : i32
    %dma_wait3A_709 = tpu.memref_slice %arg3[%add3A, %dma_wait3A_702, %dma_wait3A_707, %dma_wait3A_708] : memref<32x3x512x512xf32, #tpu.memory_space<hbm>> -> memref<1x1x64x512xf32, #tpu.memory_space<hbm>>
    %dma_wait3A_710 = tpu.memref_squeeze %dma_wait3A_709 : memref<1x1x64x512xf32, #tpu.memory_space<hbm>> -> memref<64x512xf32, #tpu.memory_space<hbm>>
    %dma_wait3A_711 = arith.constant 0 : i32
    %dma_wait3A_712 = arith.constant 0 : i32
    %dma_wait3A_713 = tpu.memref_slice %arg3[%add3A, %dma_wait3A_702, %dma_wait3A_711, %dma_wait3A_712] : memref<32x3x512x512xf32, #tpu.memory_space<hbm>> -> memref<1x1x64x512xf32, #tpu.memory_space<hbm>>
    %dma_wait3A_714 = tpu.memref_squeeze %dma_wait3A_713 : memref<1x1x64x512xf32, #tpu.memory_space<hbm>> -> memref<64x512xf32, #tpu.memory_space<hbm>>
    %dma_wait3A_715 = arith.constant 0 : i32
    %dma_wait3A_716 = arith.constant 0 : i32
    %dma_wait3A_717 = tpu.memref_slice %arg4[%dma_wait3A_701, %dma_wait3A_715, %dma_wait3A_716] : memref<3x64x512xf32, #tpu.memory_space<vmem>> -> memref<1x64x512xf32, #tpu.memory_space<vmem>>
    %dma_wait3A_718 = tpu.memref_squeeze %dma_wait3A_717 : memref<1x64x512xf32, #tpu.memory_space<vmem>> -> memref<64x512xf32, #tpu.memory_space<vmem>>
    tpu.wait_dma2 semaphore(%arg8 : memref<!tpu.dma_semaphore, #tpu.memory_space<semaphore_mem>>) src(%dma_wait3A_718 : memref<64x512xf32, #tpu.memory_space<vmem>>) dst(%dma_wait3A_714 : memref<64x512xf32, #tpu.memory_space<hbm>>)
    %dma_start3A_719 = arith.constant 1 : i32
    %dma_start3A_720 = arith.constant 2 : i32
    %dma_start3A_721 = arith.constant 0 : i32
    %dma_start3A_722 = arith.constant 0 : i32
    %dma_start3A_723 = tpu.memref_slice %arg4[%dma_start3A_720, %dma_start3A_721, %dma_start3A_722] : memref<3x64x512xf32, #tpu.memory_space<vmem>> -> memref<1x64x512xf32, #tpu.memory_space<vmem>>
    %dma_start3A_724 = tpu.memref_squeeze %dma_start3A_723 : memref<1x64x512xf32, #tpu.memory_space<vmem>> -> memref<64x512xf32, #tpu.memory_space<vmem>>
    %dma_start3A_725 = arith.constant 192 : i32
    %dma_start3A_726 = arith.constant 0 : i32
    %dma_start3A_727 = tpu.memref_slice %arg2[%add3A, %dma_start3A_719, %dma_start3A_725, %dma_start3A_726] : memref<32x3x512x512xf32, #tpu.memory_space<hbm>> -> memref<1x1x64x512xf32, #tpu.memory_space<hbm>>
    %dma_start3A_728 = tpu.memref_squeeze %dma_start3A_727 : memref<1x1x64x512xf32, #tpu.memory_space<hbm>> -> memref<64x512xf32, #tpu.memory_space<hbm>>
    %dma_start3A_729 = arith.constant 0 : i32
    %dma_start3A_730 = arith.constant 0 : i32
    %dma_start3A_731 = tpu.memref_slice %arg4[%dma_start3A_720, %dma_start3A_729, %dma_start3A_730] : memref<3x64x512xf32, #tpu.memory_space<vmem>> -> memref<1x64x512xf32, #tpu.memory_space<vmem>>
    %dma_start3A_732 = tpu.memref_squeeze %dma_start3A_731 : memref<1x64x512xf32, #tpu.memory_space<vmem>> -> memref<64x512xf32, #tpu.memory_space<vmem>>
    %dma_start3A_733 = arith.constant 192 : i32
    %dma_start3A_734 = arith.constant 0 : i32
    %dma_start3A_735 = tpu.memref_slice %arg2[%add3A, %dma_start3A_719, %dma_start3A_733, %dma_start3A_734] : memref<32x3x512x512xf32, #tpu.memory_space<hbm>> -> memref<1x1x64x512xf32, #tpu.memory_space<hbm>>
    %dma_start3A_736 = tpu.memref_squeeze %dma_start3A_735 : memref<1x1x64x512xf32, #tpu.memory_space<hbm>> -> memref<64x512xf32, #tpu.memory_space<hbm>>
    tpu.enqueue_dma source(%dma_start3A_736 : memref<64x512xf32, #tpu.memory_space<hbm>>) target(%dma_start3A_732 : memref<64x512xf32, #tpu.memory_space<vmem>>) target_semaphore(%arg5 : memref<!tpu.dma_semaphore, #tpu.memory_space<semaphore_mem>>)
    %dma_wait3A_737 = arith.constant 1 : i32
    %dma_wait3A_738 = arith.constant 1 : i32
    %dma_wait3A_739 = arith.constant 0 : i32
    %dma_wait3A_740 = arith.constant 0 : i32
    %dma_wait3A_741 = tpu.memref_slice %arg4[%dma_wait3A_738, %dma_wait3A_739, %dma_wait3A_740] : memref<3x64x512xf32, #tpu.memory_space<vmem>> -> memref<1x64x512xf32, #tpu.memory_space<vmem>>
    %dma_wait3A_742 = tpu.memref_squeeze %dma_wait3A_741 : memref<1x64x512xf32, #tpu.memory_space<vmem>> -> memref<64x512xf32, #tpu.memory_space<vmem>>
    %dma_wait3A_743 = arith.constant 128 : i32
    %dma_wait3A_744 = arith.constant 0 : i32
    %dma_wait3A_745 = tpu.memref_slice %arg2[%add3A, %dma_wait3A_737, %dma_wait3A_743, %dma_wait3A_744] : memref<32x3x512x512xf32, #tpu.memory_space<hbm>> -> memref<1x1x64x512xf32, #tpu.memory_space<hbm>>
    %dma_wait3A_746 = tpu.memref_squeeze %dma_wait3A_745 : memref<1x1x64x512xf32, #tpu.memory_space<hbm>> -> memref<64x512xf32, #tpu.memory_space<hbm>>
    %dma_wait3A_747 = arith.constant 0 : i32
    %dma_wait3A_748 = arith.constant 0 : i32
    %dma_wait3A_749 = tpu.memref_slice %arg4[%dma_wait3A_738, %dma_wait3A_747, %dma_wait3A_748] : memref<3x64x512xf32, #tpu.memory_space<vmem>> -> memref<1x64x512xf32, #tpu.memory_space<vmem>>
    %dma_wait3A_750 = tpu.memref_squeeze %dma_wait3A_749 : memref<1x64x512xf32, #tpu.memory_space<vmem>> -> memref<64x512xf32, #tpu.memory_space<vmem>>
    %dma_wait3A_751 = arith.constant 128 : i32
    %dma_wait3A_752 = arith.constant 0 : i32
    %dma_wait3A_753 = tpu.memref_slice %arg2[%add3A, %dma_wait3A_737, %dma_wait3A_751, %dma_wait3A_752] : memref<32x3x512x512xf32, #tpu.memory_space<hbm>> -> memref<1x1x64x512xf32, #tpu.memory_space<hbm>>
    %dma_wait3A_754 = tpu.memref_squeeze %dma_wait3A_753 : memref<1x1x64x512xf32, #tpu.memory_space<hbm>> -> memref<64x512xf32, #tpu.memory_space<hbm>>
    tpu.wait_dma2 semaphore(%arg5 : memref<!tpu.dma_semaphore, #tpu.memory_space<semaphore_mem>>) src(%dma_wait3A_754 : memref<64x512xf32, #tpu.memory_space<hbm>>) dst(%dma_wait3A_750 : memref<64x512xf32, #tpu.memory_space<vmem>>)
    %dma_start3A_755 = arith.constant 1 : i32
    %dma_start3A_756 = arith.constant 1 : i32
    %dma_start3A_757 = arith.constant 0 : i32
    %dma_start3A_758 = arith.constant 0 : i32
    %dma_start3A_759 = tpu.memref_slice %arg4[%dma_start3A_755, %dma_start3A_757, %dma_start3A_758] : memref<3x64x512xf32, #tpu.memory_space<vmem>> -> memref<1x64x512xf32, #tpu.memory_space<vmem>>
    %dma_start3A_760 = tpu.memref_squeeze %dma_start3A_759 : memref<1x64x512xf32, #tpu.memory_space<vmem>> -> memref<64x512xf32, #tpu.memory_space<vmem>>
    %dma_start3A_761 = arith.constant 128 : i32
    %dma_start3A_762 = arith.constant 0 : i32
    %dma_start3A_763 = tpu.memref_slice %arg3[%add3A, %dma_start3A_756, %dma_start3A_761, %dma_start3A_762] : memref<32x3x512x512xf32, #tpu.memory_space<hbm>> -> memref<1x1x64x512xf32, #tpu.memory_space<hbm>>
    %dma_start3A_764 = tpu.memref_squeeze %dma_start3A_763 : memref<1x1x64x512xf32, #tpu.memory_space<hbm>> -> memref<64x512xf32, #tpu.memory_space<hbm>>
    %dma_start3A_765 = arith.constant 128 : i32
    %dma_start3A_766 = arith.constant 0 : i32
    %dma_start3A_767 = tpu.memref_slice %arg3[%add3A, %dma_start3A_756, %dma_start3A_765, %dma_start3A_766] : memref<32x3x512x512xf32, #tpu.memory_space<hbm>> -> memref<1x1x64x512xf32, #tpu.memory_space<hbm>>
    %dma_start3A_768 = tpu.memref_squeeze %dma_start3A_767 : memref<1x1x64x512xf32, #tpu.memory_space<hbm>> -> memref<64x512xf32, #tpu.memory_space<hbm>>
    %dma_start3A_769 = arith.constant 0 : i32
    %dma_start3A_770 = arith.constant 0 : i32
    %dma_start3A_771 = tpu.memref_slice %arg4[%dma_start3A_755, %dma_start3A_769, %dma_start3A_770] : memref<3x64x512xf32, #tpu.memory_space<vmem>> -> memref<1x64x512xf32, #tpu.memory_space<vmem>>
    %dma_start3A_772 = tpu.memref_squeeze %dma_start3A_771 : memref<1x64x512xf32, #tpu.memory_space<vmem>> -> memref<64x512xf32, #tpu.memory_space<vmem>>
    tpu.enqueue_dma source(%dma_start3A_772 : memref<64x512xf32, #tpu.memory_space<vmem>>) target(%dma_start3A_768 : memref<64x512xf32, #tpu.memory_space<hbm>>) target_semaphore(%arg7 : memref<!tpu.dma_semaphore, #tpu.memory_space<semaphore_mem>>)
    %dma_wait3A_773 = arith.constant 0 : i32
    %dma_wait3A_774 = arith.constant 1 : i32
    %dma_wait3A_775 = arith.constant 0 : i32
    %dma_wait3A_776 = arith.constant 0 : i32
    %dma_wait3A_777 = tpu.memref_slice %arg4[%dma_wait3A_773, %dma_wait3A_775, %dma_wait3A_776] : memref<3x64x512xf32, #tpu.memory_space<vmem>> -> memref<1x64x512xf32, #tpu.memory_space<vmem>>
    %dma_wait3A_778 = tpu.memref_squeeze %dma_wait3A_777 : memref<1x64x512xf32, #tpu.memory_space<vmem>> -> memref<64x512xf32, #tpu.memory_space<vmem>>
    %dma_wait3A_779 = arith.constant 64 : i32
    %dma_wait3A_780 = arith.constant 0 : i32
    %dma_wait3A_781 = tpu.memref_slice %arg3[%add3A, %dma_wait3A_774, %dma_wait3A_779, %dma_wait3A_780] : memref<32x3x512x512xf32, #tpu.memory_space<hbm>> -> memref<1x1x64x512xf32, #tpu.memory_space<hbm>>
    %dma_wait3A_782 = tpu.memref_squeeze %dma_wait3A_781 : memref<1x1x64x512xf32, #tpu.memory_space<hbm>> -> memref<64x512xf32, #tpu.memory_space<hbm>>
    %dma_wait3A_783 = arith.constant 64 : i32
    %dma_wait3A_784 = arith.constant 0 : i32
    %dma_wait3A_785 = tpu.memref_slice %arg3[%add3A, %dma_wait3A_774, %dma_wait3A_783, %dma_wait3A_784] : memref<32x3x512x512xf32, #tpu.memory_space<hbm>> -> memref<1x1x64x512xf32, #tpu.memory_space<hbm>>
    %dma_wait3A_786 = tpu.memref_squeeze %dma_wait3A_785 : memref<1x1x64x512xf32, #tpu.memory_space<hbm>> -> memref<64x512xf32, #tpu.memory_space<hbm>>
    %dma_wait3A_787 = arith.constant 0 : i32
    %dma_wait3A_788 = arith.constant 0 : i32
    %dma_wait3A_789 = tpu.memref_slice %arg4[%dma_wait3A_773, %dma_wait3A_787, %dma_wait3A_788] : memref<3x64x512xf32, #tpu.memory_space<vmem>> -> memref<1x64x512xf32, #tpu.memory_space<vmem>>
    %dma_wait3A_790 = tpu.memref_squeeze %dma_wait3A_789 : memref<1x64x512xf32, #tpu.memory_space<vmem>> -> memref<64x512xf32, #tpu.memory_space<vmem>>
    tpu.wait_dma2 semaphore(%arg6 : memref<!tpu.dma_semaphore, #tpu.memory_space<semaphore_mem>>) src(%dma_wait3A_790 : memref<64x512xf32, #tpu.memory_space<vmem>>) dst(%dma_wait3A_786 : memref<64x512xf32, #tpu.memory_space<hbm>>)
    %dma_start3A_791 = arith.constant 1 : i32
    %dma_start3A_792 = arith.constant 0 : i32
    %dma_start3A_793 = arith.constant 0 : i32
    %dma_start3A_794 = arith.constant 0 : i32
    %dma_start3A_795 = tpu.memref_slice %arg4[%dma_start3A_792, %dma_start3A_793, %dma_start3A_794] : memref<3x64x512xf32, #tpu.memory_space<vmem>> -> memref<1x64x512xf32, #tpu.memory_space<vmem>>
    %dma_start3A_796 = tpu.memref_squeeze %dma_start3A_795 : memref<1x64x512xf32, #tpu.memory_space<vmem>> -> memref<64x512xf32, #tpu.memory_space<vmem>>
    %dma_start3A_797 = arith.constant 256 : i32
    %dma_start3A_798 = arith.constant 0 : i32
    %dma_start3A_799 = tpu.memref_slice %arg2[%add3A, %dma_start3A_791, %dma_start3A_797, %dma_start3A_798] : memref<32x3x512x512xf32, #tpu.memory_space<hbm>> -> memref<1x1x64x512xf32, #tpu.memory_space<hbm>>
    %dma_start3A_800 = tpu.memref_squeeze %dma_start3A_799 : memref<1x1x64x512xf32, #tpu.memory_space<hbm>> -> memref<64x512xf32, #tpu.memory_space<hbm>>
    %dma_start3A_801 = arith.constant 0 : i32
    %dma_start3A_802 = arith.constant 0 : i32
    %dma_start3A_803 = tpu.memref_slice %arg4[%dma_start3A_792, %dma_start3A_801, %dma_start3A_802] : memref<3x64x512xf32, #tpu.memory_space<vmem>> -> memref<1x64x512xf32, #tpu.memory_space<vmem>>
    %dma_start3A_804 = tpu.memref_squeeze %dma_start3A_803 : memref<1x64x512xf32, #tpu.memory_space<vmem>> -> memref<64x512xf32, #tpu.memory_space<vmem>>
    %dma_start3A_805 = arith.constant 256 : i32
    %dma_start3A_806 = arith.constant 0 : i32
    %dma_start3A_807 = tpu.memref_slice %arg2[%add3A, %dma_start3A_791, %dma_start3A_805, %dma_start3A_806] : memref<32x3x512x512xf32, #tpu.memory_space<hbm>> -> memref<1x1x64x512xf32, #tpu.memory_space<hbm>>
    %dma_start3A_808 = tpu.memref_squeeze %dma_start3A_807 : memref<1x1x64x512xf32, #tpu.memory_space<hbm>> -> memref<64x512xf32, #tpu.memory_space<hbm>>
    tpu.enqueue_dma source(%dma_start3A_808 : memref<64x512xf32, #tpu.memory_space<hbm>>) target(%dma_start3A_804 : memref<64x512xf32, #tpu.memory_space<vmem>>) target_semaphore(%arg5 : memref<!tpu.dma_semaphore, #tpu.memory_space<semaphore_mem>>)
    %dma_wait3A_809 = arith.constant 1 : i32
    %dma_wait3A_810 = arith.constant 2 : i32
    %dma_wait3A_811 = arith.constant 0 : i32
    %dma_wait3A_812 = arith.constant 0 : i32
    %dma_wait3A_813 = tpu.memref_slice %arg4[%dma_wait3A_810, %dma_wait3A_811, %dma_wait3A_812] : memref<3x64x512xf32, #tpu.memory_space<vmem>> -> memref<1x64x512xf32, #tpu.memory_space<vmem>>
    %dma_wait3A_814 = tpu.memref_squeeze %dma_wait3A_813 : memref<1x64x512xf32, #tpu.memory_space<vmem>> -> memref<64x512xf32, #tpu.memory_space<vmem>>
    %dma_wait3A_815 = arith.constant 192 : i32
    %dma_wait3A_816 = arith.constant 0 : i32
    %dma_wait3A_817 = tpu.memref_slice %arg2[%add3A, %dma_wait3A_809, %dma_wait3A_815, %dma_wait3A_816] : memref<32x3x512x512xf32, #tpu.memory_space<hbm>> -> memref<1x1x64x512xf32, #tpu.memory_space<hbm>>
    %dma_wait3A_818 = tpu.memref_squeeze %dma_wait3A_817 : memref<1x1x64x512xf32, #tpu.memory_space<hbm>> -> memref<64x512xf32, #tpu.memory_space<hbm>>
    %dma_wait3A_819 = arith.constant 0 : i32
    %dma_wait3A_820 = arith.constant 0 : i32
    %dma_wait3A_821 = tpu.memref_slice %arg4[%dma_wait3A_810, %dma_wait3A_819, %dma_wait3A_820] : memref<3x64x512xf32, #tpu.memory_space<vmem>> -> memref<1x64x512xf32, #tpu.memory_space<vmem>>
    %dma_wait3A_822 = tpu.memref_squeeze %dma_wait3A_821 : memref<1x64x512xf32, #tpu.memory_space<vmem>> -> memref<64x512xf32, #tpu.memory_space<vmem>>
    %dma_wait3A_823 = arith.constant 192 : i32
    %dma_wait3A_824 = arith.constant 0 : i32
    %dma_wait3A_825 = tpu.memref_slice %arg2[%add3A, %dma_wait3A_809, %dma_wait3A_823, %dma_wait3A_824] : memref<32x3x512x512xf32, #tpu.memory_space<hbm>> -> memref<1x1x64x512xf32, #tpu.memory_space<hbm>>
    %dma_wait3A_826 = tpu.memref_squeeze %dma_wait3A_825 : memref<1x1x64x512xf32, #tpu.memory_space<hbm>> -> memref<64x512xf32, #tpu.memory_space<hbm>>
    tpu.wait_dma2 semaphore(%arg5 : memref<!tpu.dma_semaphore, #tpu.memory_space<semaphore_mem>>) src(%dma_wait3A_826 : memref<64x512xf32, #tpu.memory_space<hbm>>) dst(%dma_wait3A_822 : memref<64x512xf32, #tpu.memory_space<vmem>>)
    %dma_start3A_827 = arith.constant 2 : i32
    %dma_start3A_828 = arith.constant 1 : i32
    %dma_start3A_829 = arith.constant 0 : i32
    %dma_start3A_830 = arith.constant 0 : i32
    %dma_start3A_831 = tpu.memref_slice %arg4[%dma_start3A_827, %dma_start3A_829, %dma_start3A_830] : memref<3x64x512xf32, #tpu.memory_space<vmem>> -> memref<1x64x512xf32, #tpu.memory_space<vmem>>
    %dma_start3A_832 = tpu.memref_squeeze %dma_start3A_831 : memref<1x64x512xf32, #tpu.memory_space<vmem>> -> memref<64x512xf32, #tpu.memory_space<vmem>>
    %dma_start3A_833 = arith.constant 192 : i32
    %dma_start3A_834 = arith.constant 0 : i32
    %dma_start3A_835 = tpu.memref_slice %arg3[%add3A, %dma_start3A_828, %dma_start3A_833, %dma_start3A_834] : memref<32x3x512x512xf32, #tpu.memory_space<hbm>> -> memref<1x1x64x512xf32, #tpu.memory_space<hbm>>
    %dma_start3A_836 = tpu.memref_squeeze %dma_start3A_835 : memref<1x1x64x512xf32, #tpu.memory_space<hbm>> -> memref<64x512xf32, #tpu.memory_space<hbm>>
    %dma_start3A_837 = arith.constant 192 : i32
    %dma_start3A_838 = arith.constant 0 : i32
    %dma_start3A_839 = tpu.memref_slice %arg3[%add3A, %dma_start3A_828, %dma_start3A_837, %dma_start3A_838] : memref<32x3x512x512xf32, #tpu.memory_space<hbm>> -> memref<1x1x64x512xf32, #tpu.memory_space<hbm>>
    %dma_start3A_840 = tpu.memref_squeeze %dma_start3A_839 : memref<1x1x64x512xf32, #tpu.memory_space<hbm>> -> memref<64x512xf32, #tpu.memory_space<hbm>>
    %dma_start3A_841 = arith.constant 0 : i32
    %dma_start3A_842 = arith.constant 0 : i32
    %dma_start3A_843 = tpu.memref_slice %arg4[%dma_start3A_827, %dma_start3A_841, %dma_start3A_842] : memref<3x64x512xf32, #tpu.memory_space<vmem>> -> memref<1x64x512xf32, #tpu.memory_space<vmem>>
    %dma_start3A_844 = tpu.memref_squeeze %dma_start3A_843 : memref<1x64x512xf32, #tpu.memory_space<vmem>> -> memref<64x512xf32, #tpu.memory_space<vmem>>
    tpu.enqueue_dma source(%dma_start3A_844 : memref<64x512xf32, #tpu.memory_space<vmem>>) target(%dma_start3A_840 : memref<64x512xf32, #tpu.memory_space<hbm>>) target_semaphore(%arg8 : memref<!tpu.dma_semaphore, #tpu.memory_space<semaphore_mem>>)
    %dma_wait3A_845 = arith.constant 1 : i32
    %dma_wait3A_846 = arith.constant 1 : i32
    %dma_wait3A_847 = arith.constant 0 : i32
    %dma_wait3A_848 = arith.constant 0 : i32
    %dma_wait3A_849 = tpu.memref_slice %arg4[%dma_wait3A_845, %dma_wait3A_847, %dma_wait3A_848] : memref<3x64x512xf32, #tpu.memory_space<vmem>> -> memref<1x64x512xf32, #tpu.memory_space<vmem>>
    %dma_wait3A_850 = tpu.memref_squeeze %dma_wait3A_849 : memref<1x64x512xf32, #tpu.memory_space<vmem>> -> memref<64x512xf32, #tpu.memory_space<vmem>>
    %dma_wait3A_851 = arith.constant 128 : i32
    %dma_wait3A_852 = arith.constant 0 : i32
    %dma_wait3A_853 = tpu.memref_slice %arg3[%add3A, %dma_wait3A_846, %dma_wait3A_851, %dma_wait3A_852] : memref<32x3x512x512xf32, #tpu.memory_space<hbm>> -> memref<1x1x64x512xf32, #tpu.memory_space<hbm>>
    %dma_wait3A_854 = tpu.memref_squeeze %dma_wait3A_853 : memref<1x1x64x512xf32, #tpu.memory_space<hbm>> -> memref<64x512xf32, #tpu.memory_space<hbm>>
    %dma_wait3A_855 = arith.constant 128 : i32
    %dma_wait3A_856 = arith.constant 0 : i32
    %dma_wait3A_857 = tpu.memref_slice %arg3[%add3A, %dma_wait3A_846, %dma_wait3A_855, %dma_wait3A_856] : memref<32x3x512x512xf32, #tpu.memory_space<hbm>> -> memref<1x1x64x512xf32, #tpu.memory_space<hbm>>
    %dma_wait3A_858 = tpu.memref_squeeze %dma_wait3A_857 : memref<1x1x64x512xf32, #tpu.memory_space<hbm>> -> memref<64x512xf32, #tpu.memory_space<hbm>>
    %dma_wait3A_859 = arith.constant 0 : i32
    %dma_wait3A_860 = arith.constant 0 : i32
    %dma_wait3A_861 = tpu.memref_slice %arg4[%dma_wait3A_845, %dma_wait3A_859, %dma_wait3A_860] : memref<3x64x512xf32, #tpu.memory_space<vmem>> -> memref<1x64x512xf32, #tpu.memory_space<vmem>>
    %dma_wait3A_862 = tpu.memref_squeeze %dma_wait3A_861 : memref<1x64x512xf32, #tpu.memory_space<vmem>> -> memref<64x512xf32, #tpu.memory_space<vmem>>
    tpu.wait_dma2 semaphore(%arg7 : memref<!tpu.dma_semaphore, #tpu.memory_space<semaphore_mem>>) src(%dma_wait3A_862 : memref<64x512xf32, #tpu.memory_space<vmem>>) dst(%dma_wait3A_858 : memref<64x512xf32, #tpu.memory_space<hbm>>)
    %dma_start3A_863 = arith.constant 1 : i32
    %dma_start3A_864 = arith.constant 1 : i32
    %dma_start3A_865 = arith.constant 0 : i32
    %dma_start3A_866 = arith.constant 0 : i32
    %dma_start3A_867 = tpu.memref_slice %arg4[%dma_start3A_864, %dma_start3A_865, %dma_start3A_866] : memref<3x64x512xf32, #tpu.memory_space<vmem>> -> memref<1x64x512xf32, #tpu.memory_space<vmem>>
    %dma_start3A_868 = tpu.memref_squeeze %dma_start3A_867 : memref<1x64x512xf32, #tpu.memory_space<vmem>> -> memref<64x512xf32, #tpu.memory_space<vmem>>
    %dma_start3A_869 = arith.constant 320 : i32
    %dma_start3A_870 = arith.constant 0 : i32
    %dma_start3A_871 = tpu.memref_slice %arg2[%add3A, %dma_start3A_863, %dma_start3A_869, %dma_start3A_870] : memref<32x3x512x512xf32, #tpu.memory_space<hbm>> -> memref<1x1x64x512xf32, #tpu.memory_space<hbm>>
    %dma_start3A_872 = tpu.memref_squeeze %dma_start3A_871 : memref<1x1x64x512xf32, #tpu.memory_space<hbm>> -> memref<64x512xf32, #tpu.memory_space<hbm>>
    %dma_start3A_873 = arith.constant 0 : i32
    %dma_start3A_874 = arith.constant 0 : i32
    %dma_start3A_875 = tpu.memref_slice %arg4[%dma_start3A_864, %dma_start3A_873, %dma_start3A_874] : memref<3x64x512xf32, #tpu.memory_space<vmem>> -> memref<1x64x512xf32, #tpu.memory_space<vmem>>
    %dma_start3A_876 = tpu.memref_squeeze %dma_start3A_875 : memref<1x64x512xf32, #tpu.memory_space<vmem>> -> memref<64x512xf32, #tpu.memory_space<vmem>>
    %dma_start3A_877 = arith.constant 320 : i32
    %dma_start3A_878 = arith.constant 0 : i32
    %dma_start3A_879 = tpu.memref_slice %arg2[%add3A, %dma_start3A_863, %dma_start3A_877, %dma_start3A_878] : memref<32x3x512x512xf32, #tpu.memory_space<hbm>> -> memref<1x1x64x512xf32, #tpu.memory_space<hbm>>
    %dma_start3A_880 = tpu.memref_squeeze %dma_start3A_879 : memref<1x1x64x512xf32, #tpu.memory_space<hbm>> -> memref<64x512xf32, #tpu.memory_space<hbm>>
    tpu.enqueue_dma source(%dma_start3A_880 : memref<64x512xf32, #tpu.memory_space<hbm>>) target(%dma_start3A_876 : memref<64x512xf32, #tpu.memory_space<vmem>>) target_semaphore(%arg5 : memref<!tpu.dma_semaphore, #tpu.memory_space<semaphore_mem>>)
    %dma_wait3A_881 = arith.constant 1 : i32
    %dma_wait3A_882 = arith.constant 0 : i32
    %dma_wait3A_883 = arith.constant 0 : i32
    %dma_wait3A_884 = arith.constant 0 : i32
    %dma_wait3A_885 = tpu.memref_slice %arg4[%dma_wait3A_882, %dma_wait3A_883, %dma_wait3A_884] : memref<3x64x512xf32, #tpu.memory_space<vmem>> -> memref<1x64x512xf32, #tpu.memory_space<vmem>>
    %dma_wait3A_886 = tpu.memref_squeeze %dma_wait3A_885 : memref<1x64x512xf32, #tpu.memory_space<vmem>> -> memref<64x512xf32, #tpu.memory_space<vmem>>
    %dma_wait3A_887 = arith.constant 256 : i32
    %dma_wait3A_888 = arith.constant 0 : i32
    %dma_wait3A_889 = tpu.memref_slice %arg2[%add3A, %dma_wait3A_881, %dma_wait3A_887, %dma_wait3A_888] : memref<32x3x512x512xf32, #tpu.memory_space<hbm>> -> memref<1x1x64x512xf32, #tpu.memory_space<hbm>>
    %dma_wait3A_890 = tpu.memref_squeeze %dma_wait3A_889 : memref<1x1x64x512xf32, #tpu.memory_space<hbm>> -> memref<64x512xf32, #tpu.memory_space<hbm>>
    %dma_wait3A_891 = arith.constant 0 : i32
    %dma_wait3A_892 = arith.constant 0 : i32
    %dma_wait3A_893 = tpu.memref_slice %arg4[%dma_wait3A_882, %dma_wait3A_891, %dma_wait3A_892] : memref<3x64x512xf32, #tpu.memory_space<vmem>> -> memref<1x64x512xf32, #tpu.memory_space<vmem>>
    %dma_wait3A_894 = tpu.memref_squeeze %dma_wait3A_893 : memref<1x64x512xf32, #tpu.memory_space<vmem>> -> memref<64x512xf32, #tpu.memory_space<vmem>>
    %dma_wait3A_895 = arith.constant 256 : i32
    %dma_wait3A_896 = arith.constant 0 : i32
    %dma_wait3A_897 = tpu.memref_slice %arg2[%add3A, %dma_wait3A_881, %dma_wait3A_895, %dma_wait3A_896] : memref<32x3x512x512xf32, #tpu.memory_space<hbm>> -> memref<1x1x64x512xf32, #tpu.memory_space<hbm>>
    %dma_wait3A_898 = tpu.memref_squeeze %dma_wait3A_897 : memref<1x1x64x512xf32, #tpu.memory_space<hbm>> -> memref<64x512xf32, #tpu.memory_space<hbm>>
    tpu.wait_dma2 semaphore(%arg5 : memref<!tpu.dma_semaphore, #tpu.memory_space<semaphore_mem>>) src(%dma_wait3A_898 : memref<64x512xf32, #tpu.memory_space<hbm>>) dst(%dma_wait3A_894 : memref<64x512xf32, #tpu.memory_space<vmem>>)
    %dma_start3A_899 = arith.constant 0 : i32
    %dma_start3A_900 = arith.constant 1 : i32
    %dma_start3A_901 = arith.constant 0 : i32
    %dma_start3A_902 = arith.constant 0 : i32
    %dma_start3A_903 = tpu.memref_slice %arg4[%dma_start3A_899, %dma_start3A_901, %dma_start3A_902] : memref<3x64x512xf32, #tpu.memory_space<vmem>> -> memref<1x64x512xf32, #tpu.memory_space<vmem>>
    %dma_start3A_904 = tpu.memref_squeeze %dma_start3A_903 : memref<1x64x512xf32, #tpu.memory_space<vmem>> -> memref<64x512xf32, #tpu.memory_space<vmem>>
    %dma_start3A_905 = arith.constant 256 : i32
    %dma_start3A_906 = arith.constant 0 : i32
    %dma_start3A_907 = tpu.memref_slice %arg3[%add3A, %dma_start3A_900, %dma_start3A_905, %dma_start3A_906] : memref<32x3x512x512xf32, #tpu.memory_space<hbm>> -> memref<1x1x64x512xf32, #tpu.memory_space<hbm>>
    %dma_start3A_908 = tpu.memref_squeeze %dma_start3A_907 : memref<1x1x64x512xf32, #tpu.memory_space<hbm>> -> memref<64x512xf32, #tpu.memory_space<hbm>>
    %dma_start3A_909 = arith.constant 256 : i32
    %dma_start3A_910 = arith.constant 0 : i32
    %dma_start3A_911 = tpu.memref_slice %arg3[%add3A, %dma_start3A_900, %dma_start3A_909, %dma_start3A_910] : memref<32x3x512x512xf32, #tpu.memory_space<hbm>> -> memref<1x1x64x512xf32, #tpu.memory_space<hbm>>
    %dma_start3A_912 = tpu.memref_squeeze %dma_start3A_911 : memref<1x1x64x512xf32, #tpu.memory_space<hbm>> -> memref<64x512xf32, #tpu.memory_space<hbm>>
    %dma_start3A_913 = arith.constant 0 : i32
    %dma_start3A_914 = arith.constant 0 : i32
    %dma_start3A_915 = tpu.memref_slice %arg4[%dma_start3A_899, %dma_start3A_913, %dma_start3A_914] : memref<3x64x512xf32, #tpu.memory_space<vmem>> -> memref<1x64x512xf32, #tpu.memory_space<vmem>>
    %dma_start3A_916 = tpu.memref_squeeze %dma_start3A_915 : memref<1x64x512xf32, #tpu.memory_space<vmem>> -> memref<64x512xf32, #tpu.memory_space<vmem>>
    tpu.enqueue_dma source(%dma_start3A_916 : memref<64x512xf32, #tpu.memory_space<vmem>>) target(%dma_start3A_912 : memref<64x512xf32, #tpu.memory_space<hbm>>) target_semaphore(%arg6 : memref<!tpu.dma_semaphore, #tpu.memory_space<semaphore_mem>>)
    %dma_wait3A_917 = arith.constant 2 : i32
    %dma_wait3A_918 = arith.constant 1 : i32
    %dma_wait3A_919 = arith.constant 0 : i32
    %dma_wait3A_920 = arith.constant 0 : i32
    %dma_wait3A_921 = tpu.memref_slice %arg4[%dma_wait3A_917, %dma_wait3A_919, %dma_wait3A_920] : memref<3x64x512xf32, #tpu.memory_space<vmem>> -> memref<1x64x512xf32, #tpu.memory_space<vmem>>
    %dma_wait3A_922 = tpu.memref_squeeze %dma_wait3A_921 : memref<1x64x512xf32, #tpu.memory_space<vmem>> -> memref<64x512xf32, #tpu.memory_space<vmem>>
    %dma_wait3A_923 = arith.constant 192 : i32
    %dma_wait3A_924 = arith.constant 0 : i32
    %dma_wait3A_925 = tpu.memref_slice %arg3[%add3A, %dma_wait3A_918, %dma_wait3A_923, %dma_wait3A_924] : memref<32x3x512x512xf32, #tpu.memory_space<hbm>> -> memref<1x1x64x512xf32, #tpu.memory_space<hbm>>
    %dma_wait3A_926 = tpu.memref_squeeze %dma_wait3A_925 : memref<1x1x64x512xf32, #tpu.memory_space<hbm>> -> memref<64x512xf32, #tpu.memory_space<hbm>>
    %dma_wait3A_927 = arith.constant 192 : i32
    %dma_wait3A_928 = arith.constant 0 : i32
    %dma_wait3A_929 = tpu.memref_slice %arg3[%add3A, %dma_wait3A_918, %dma_wait3A_927, %dma_wait3A_928] : memref<32x3x512x512xf32, #tpu.memory_space<hbm>> -> memref<1x1x64x512xf32, #tpu.memory_space<hbm>>
    %dma_wait3A_930 = tpu.memref_squeeze %dma_wait3A_929 : memref<1x1x64x512xf32, #tpu.memory_space<hbm>> -> memref<64x512xf32, #tpu.memory_space<hbm>>
    %dma_wait3A_931 = arith.constant 0 : i32
    %dma_wait3A_932 = arith.constant 0 : i32
    %dma_wait3A_933 = tpu.memref_slice %arg4[%dma_wait3A_917, %dma_wait3A_931, %dma_wait3A_932] : memref<3x64x512xf32, #tpu.memory_space<vmem>> -> memref<1x64x512xf32, #tpu.memory_space<vmem>>
    %dma_wait3A_934 = tpu.memref_squeeze %dma_wait3A_933 : memref<1x64x512xf32, #tpu.memory_space<vmem>> -> memref<64x512xf32, #tpu.memory_space<vmem>>
    tpu.wait_dma2 semaphore(%arg8 : memref<!tpu.dma_semaphore, #tpu.memory_space<semaphore_mem>>) src(%dma_wait3A_934 : memref<64x512xf32, #tpu.memory_space<vmem>>) dst(%dma_wait3A_930 : memref<64x512xf32, #tpu.memory_space<hbm>>)
    %dma_start3A_935 = arith.constant 1 : i32
    %dma_start3A_936 = arith.constant 2 : i32
    %dma_start3A_937 = arith.constant 0 : i32
    %dma_start3A_938 = arith.constant 0 : i32
    %dma_start3A_939 = tpu.memref_slice %arg4[%dma_start3A_936, %dma_start3A_937, %dma_start3A_938] : memref<3x64x512xf32, #tpu.memory_space<vmem>> -> memref<1x64x512xf32, #tpu.memory_space<vmem>>
    %dma_start3A_940 = tpu.memref_squeeze %dma_start3A_939 : memref<1x64x512xf32, #tpu.memory_space<vmem>> -> memref<64x512xf32, #tpu.memory_space<vmem>>
    %dma_start3A_941 = arith.constant 384 : i32
    %dma_start3A_942 = arith.constant 0 : i32
    %dma_start3A_943 = tpu.memref_slice %arg2[%add3A, %dma_start3A_935, %dma_start3A_941, %dma_start3A_942] : memref<32x3x512x512xf32, #tpu.memory_space<hbm>> -> memref<1x1x64x512xf32, #tpu.memory_space<hbm>>
    %dma_start3A_944 = tpu.memref_squeeze %dma_start3A_943 : memref<1x1x64x512xf32, #tpu.memory_space<hbm>> -> memref<64x512xf32, #tpu.memory_space<hbm>>
    %dma_start3A_945 = arith.constant 0 : i32
    %dma_start3A_946 = arith.constant 0 : i32
    %dma_start3A_947 = tpu.memref_slice %arg4[%dma_start3A_936, %dma_start3A_945, %dma_start3A_946] : memref<3x64x512xf32, #tpu.memory_space<vmem>> -> memref<1x64x512xf32, #tpu.memory_space<vmem>>
    %dma_start3A_948 = tpu.memref_squeeze %dma_start3A_947 : memref<1x64x512xf32, #tpu.memory_space<vmem>> -> memref<64x512xf32, #tpu.memory_space<vmem>>
    %dma_start3A_949 = arith.constant 384 : i32
    %dma_start3A_950 = arith.constant 0 : i32
    %dma_start3A_951 = tpu.memref_slice %arg2[%add3A, %dma_start3A_935, %dma_start3A_949, %dma_start3A_950] : memref<32x3x512x512xf32, #tpu.memory_space<hbm>> -> memref<1x1x64x512xf32, #tpu.memory_space<hbm>>
    %dma_start3A_952 = tpu.memref_squeeze %dma_start3A_951 : memref<1x1x64x512xf32, #tpu.memory_space<hbm>> -> memref<64x512xf32, #tpu.memory_space<hbm>>
    tpu.enqueue_dma source(%dma_start3A_952 : memref<64x512xf32, #tpu.memory_space<hbm>>) target(%dma_start3A_948 : memref<64x512xf32, #tpu.memory_space<vmem>>) target_semaphore(%arg5 : memref<!tpu.dma_semaphore, #tpu.memory_space<semaphore_mem>>)
    %dma_wait3A_953 = arith.constant 1 : i32
    %dma_wait3A_954 = arith.constant 1 : i32
    %dma_wait3A_955 = arith.constant 0 : i32
    %dma_wait3A_956 = arith.constant 0 : i32
    %dma_wait3A_957 = tpu.memref_slice %arg4[%dma_wait3A_954, %dma_wait3A_955, %dma_wait3A_956] : memref<3x64x512xf32, #tpu.memory_space<vmem>> -> memref<1x64x512xf32, #tpu.memory_space<vmem>>
    %dma_wait3A_958 = tpu.memref_squeeze %dma_wait3A_957 : memref<1x64x512xf32, #tpu.memory_space<vmem>> -> memref<64x512xf32, #tpu.memory_space<vmem>>
    %dma_wait3A_959 = arith.constant 320 : i32
    %dma_wait3A_960 = arith.constant 0 : i32
    %dma_wait3A_961 = tpu.memref_slice %arg2[%add3A, %dma_wait3A_953, %dma_wait3A_959, %dma_wait3A_960] : memref<32x3x512x512xf32, #tpu.memory_space<hbm>> -> memref<1x1x64x512xf32, #tpu.memory_space<hbm>>
    %dma_wait3A_962 = tpu.memref_squeeze %dma_wait3A_961 : memref<1x1x64x512xf32, #tpu.memory_space<hbm>> -> memref<64x512xf32, #tpu.memory_space<hbm>>
    %dma_wait3A_963 = arith.constant 0 : i32
    %dma_wait3A_964 = arith.constant 0 : i32
    %dma_wait3A_965 = tpu.memref_slice %arg4[%dma_wait3A_954, %dma_wait3A_963, %dma_wait3A_964] : memref<3x64x512xf32, #tpu.memory_space<vmem>> -> memref<1x64x512xf32, #tpu.memory_space<vmem>>
    %dma_wait3A_966 = tpu.memref_squeeze %dma_wait3A_965 : memref<1x64x512xf32, #tpu.memory_space<vmem>> -> memref<64x512xf32, #tpu.memory_space<vmem>>
    %dma_wait3A_967 = arith.constant 320 : i32
    %dma_wait3A_968 = arith.constant 0 : i32
    %dma_wait3A_969 = tpu.memref_slice %arg2[%add3A, %dma_wait3A_953, %dma_wait3A_967, %dma_wait3A_968] : memref<32x3x512x512xf32, #tpu.memory_space<hbm>> -> memref<1x1x64x512xf32, #tpu.memory_space<hbm>>
    %dma_wait3A_970 = tpu.memref_squeeze %dma_wait3A_969 : memref<1x1x64x512xf32, #tpu.memory_space<hbm>> -> memref<64x512xf32, #tpu.memory_space<hbm>>
    tpu.wait_dma2 semaphore(%arg5 : memref<!tpu.dma_semaphore, #tpu.memory_space<semaphore_mem>>) src(%dma_wait3A_970 : memref<64x512xf32, #tpu.memory_space<hbm>>) dst(%dma_wait3A_966 : memref<64x512xf32, #tpu.memory_space<vmem>>)
    %dma_start3A_971 = arith.constant 1 : i32
    %dma_start3A_972 = arith.constant 1 : i32
    %dma_start3A_973 = arith.constant 0 : i32
    %dma_start3A_974 = arith.constant 0 : i32
    %dma_start3A_975 = tpu.memref_slice %arg4[%dma_start3A_971, %dma_start3A_973, %dma_start3A_974] : memref<3x64x512xf32, #tpu.memory_space<vmem>> -> memref<1x64x512xf32, #tpu.memory_space<vmem>>
    %dma_start3A_976 = tpu.memref_squeeze %dma_start3A_975 : memref<1x64x512xf32, #tpu.memory_space<vmem>> -> memref<64x512xf32, #tpu.memory_space<vmem>>
    %dma_start3A_977 = arith.constant 320 : i32
    %dma_start3A_978 = arith.constant 0 : i32
    %dma_start3A_979 = tpu.memref_slice %arg3[%add3A, %dma_start3A_972, %dma_start3A_977, %dma_start3A_978] : memref<32x3x512x512xf32, #tpu.memory_space<hbm>> -> memref<1x1x64x512xf32, #tpu.memory_space<hbm>>
    %dma_start3A_980 = tpu.memref_squeeze %dma_start3A_979 : memref<1x1x64x512xf32, #tpu.memory_space<hbm>> -> memref<64x512xf32, #tpu.memory_space<hbm>>
    %dma_start3A_981 = arith.constant 320 : i32
    %dma_start3A_982 = arith.constant 0 : i32
    %dma_start3A_983 = tpu.memref_slice %arg3[%add3A, %dma_start3A_972, %dma_start3A_981, %dma_start3A_982] : memref<32x3x512x512xf32, #tpu.memory_space<hbm>> -> memref<1x1x64x512xf32, #tpu.memory_space<hbm>>
    %dma_start3A_984 = tpu.memref_squeeze %dma_start3A_983 : memref<1x1x64x512xf32, #tpu.memory_space<hbm>> -> memref<64x512xf32, #tpu.memory_space<hbm>>
    %dma_start3A_985 = arith.constant 0 : i32
    %dma_start3A_986 = arith.constant 0 : i32
    %dma_start3A_987 = tpu.memref_slice %arg4[%dma_start3A_971, %dma_start3A_985, %dma_start3A_986] : memref<3x64x512xf32, #tpu.memory_space<vmem>> -> memref<1x64x512xf32, #tpu.memory_space<vmem>>
    %dma_start3A_988 = tpu.memref_squeeze %dma_start3A_987 : memref<1x64x512xf32, #tpu.memory_space<vmem>> -> memref<64x512xf32, #tpu.memory_space<vmem>>
    tpu.enqueue_dma source(%dma_start3A_988 : memref<64x512xf32, #tpu.memory_space<vmem>>) target(%dma_start3A_984 : memref<64x512xf32, #tpu.memory_space<hbm>>) target_semaphore(%arg7 : memref<!tpu.dma_semaphore, #tpu.memory_space<semaphore_mem>>)
    %dma_wait3A_989 = arith.constant 0 : i32
    %dma_wait3A_990 = arith.constant 1 : i32
    %dma_wait3A_991 = arith.constant 0 : i32
    %dma_wait3A_992 = arith.constant 0 : i32
    %dma_wait3A_993 = tpu.memref_slice %arg4[%dma_wait3A_989, %dma_wait3A_991, %dma_wait3A_992] : memref<3x64x512xf32, #tpu.memory_space<vmem>> -> memref<1x64x512xf32, #tpu.memory_space<vmem>>
    %dma_wait3A_994 = tpu.memref_squeeze %dma_wait3A_993 : memref<1x64x512xf32, #tpu.memory_space<vmem>> -> memref<64x512xf32, #tpu.memory_space<vmem>>
    %dma_wait3A_995 = arith.constant 256 : i32
    %dma_wait3A_996 = arith.constant 0 : i32
    %dma_wait3A_997 = tpu.memref_slice %arg3[%add3A, %dma_wait3A_990, %dma_wait3A_995, %dma_wait3A_996] : memref<32x3x512x512xf32, #tpu.memory_space<hbm>> -> memref<1x1x64x512xf32, #tpu.memory_space<hbm>>
    %dma_wait3A_998 = tpu.memref_squeeze %dma_wait3A_997 : memref<1x1x64x512xf32, #tpu.memory_space<hbm>> -> memref<64x512xf32, #tpu.memory_space<hbm>>
    %dma_wait3A_999 = arith.constant 256 : i32
    %dma_wait3A_1000 = arith.constant 0 : i32
    %dma_wait3A_1001 = tpu.memref_slice %arg3[%add3A, %dma_wait3A_990, %dma_wait3A_999, %dma_wait3A_1000] : memref<32x3x512x512xf32, #tpu.memory_space<hbm>> -> memref<1x1x64x512xf32, #tpu.memory_space<hbm>>
    %dma_wait3A_1002 = tpu.memref_squeeze %dma_wait3A_1001 : memref<1x1x64x512xf32, #tpu.memory_space<hbm>> -> memref<64x512xf32, #tpu.memory_space<hbm>>
    %dma_wait3A_1003 = arith.constant 0 : i32
    %dma_wait3A_1004 = arith.constant 0 : i32
    %dma_wait3A_1005 = tpu.memref_slice %arg4[%dma_wait3A_989, %dma_wait3A_1003, %dma_wait3A_1004] : memref<3x64x512xf32, #tpu.memory_space<vmem>> -> memref<1x64x512xf32, #tpu.memory_space<vmem>>
    %dma_wait3A_1006 = tpu.memref_squeeze %dma_wait3A_1005 : memref<1x64x512xf32, #tpu.memory_space<vmem>> -> memref<64x512xf32, #tpu.memory_space<vmem>>
    tpu.wait_dma2 semaphore(%arg6 : memref<!tpu.dma_semaphore, #tpu.memory_space<semaphore_mem>>) src(%dma_wait3A_1006 : memref<64x512xf32, #tpu.memory_space<vmem>>) dst(%dma_wait3A_1002 : memref<64x512xf32, #tpu.memory_space<hbm>>)
    %dma_start3A_1007 = arith.constant 1 : i32
    %dma_start3A_1008 = arith.constant 0 : i32
    %dma_start3A_1009 = arith.constant 0 : i32
    %dma_start3A_1010 = arith.constant 0 : i32
    %dma_start3A_1011 = tpu.memref_slice %arg4[%dma_start3A_1008, %dma_start3A_1009, %dma_start3A_1010] : memref<3x64x512xf32, #tpu.memory_space<vmem>> -> memref<1x64x512xf32, #tpu.memory_space<vmem>>
    %dma_start3A_1012 = tpu.memref_squeeze %dma_start3A_1011 : memref<1x64x512xf32, #tpu.memory_space<vmem>> -> memref<64x512xf32, #tpu.memory_space<vmem>>
    %dma_start3A_1013 = arith.constant 448 : i32
    %dma_start3A_1014 = arith.constant 0 : i32
    %dma_start3A_1015 = tpu.memref_slice %arg2[%add3A, %dma_start3A_1007, %dma_start3A_1013, %dma_start3A_1014] : memref<32x3x512x512xf32, #tpu.memory_space<hbm>> -> memref<1x1x64x512xf32, #tpu.memory_space<hbm>>
    %dma_start3A_1016 = tpu.memref_squeeze %dma_start3A_1015 : memref<1x1x64x512xf32, #tpu.memory_space<hbm>> -> memref<64x512xf32, #tpu.memory_space<hbm>>
    %dma_start3A_1017 = arith.constant 0 : i32
    %dma_start3A_1018 = arith.constant 0 : i32
    %dma_start3A_1019 = tpu.memref_slice %arg4[%dma_start3A_1008, %dma_start3A_1017, %dma_start3A_1018] : memref<3x64x512xf32, #tpu.memory_space<vmem>> -> memref<1x64x512xf32, #tpu.memory_space<vmem>>
    %dma_start3A_1020 = tpu.memref_squeeze %dma_start3A_1019 : memref<1x64x512xf32, #tpu.memory_space<vmem>> -> memref<64x512xf32, #tpu.memory_space<vmem>>
    %dma_start3A_1021 = arith.constant 448 : i32
    %dma_start3A_1022 = arith.constant 0 : i32
    %dma_start3A_1023 = tpu.memref_slice %arg2[%add3A, %dma_start3A_1007, %dma_start3A_1021, %dma_start3A_1022] : memref<32x3x512x512xf32, #tpu.memory_space<hbm>> -> memref<1x1x64x512xf32, #tpu.memory_space<hbm>>
    %dma_start3A_1024 = tpu.memref_squeeze %dma_start3A_1023 : memref<1x1x64x512xf32, #tpu.memory_space<hbm>> -> memref<64x512xf32, #tpu.memory_space<hbm>>
    tpu.enqueue_dma source(%dma_start3A_1024 : memref<64x512xf32, #tpu.memory_space<hbm>>) target(%dma_start3A_1020 : memref<64x512xf32, #tpu.memory_space<vmem>>) target_semaphore(%arg5 : memref<!tpu.dma_semaphore, #tpu.memory_space<semaphore_mem>>)
    %dma_wait3A_1025 = arith.constant 1 : i32
    %dma_wait3A_1026 = arith.constant 2 : i32
    %dma_wait3A_1027 = arith.constant 0 : i32
    %dma_wait3A_1028 = arith.constant 0 : i32
    %dma_wait3A_1029 = tpu.memref_slice %arg4[%dma_wait3A_1026, %dma_wait3A_1027, %dma_wait3A_1028] : memref<3x64x512xf32, #tpu.memory_space<vmem>> -> memref<1x64x512xf32, #tpu.memory_space<vmem>>
    %dma_wait3A_1030 = tpu.memref_squeeze %dma_wait3A_1029 : memref<1x64x512xf32, #tpu.memory_space<vmem>> -> memref<64x512xf32, #tpu.memory_space<vmem>>
    %dma_wait3A_1031 = arith.constant 384 : i32
    %dma_wait3A_1032 = arith.constant 0 : i32
    %dma_wait3A_1033 = tpu.memref_slice %arg2[%add3A, %dma_wait3A_1025, %dma_wait3A_1031, %dma_wait3A_1032] : memref<32x3x512x512xf32, #tpu.memory_space<hbm>> -> memref<1x1x64x512xf32, #tpu.memory_space<hbm>>
    %dma_wait3A_1034 = tpu.memref_squeeze %dma_wait3A_1033 : memref<1x1x64x512xf32, #tpu.memory_space<hbm>> -> memref<64x512xf32, #tpu.memory_space<hbm>>
    %dma_wait3A_1035 = arith.constant 0 : i32
    %dma_wait3A_1036 = arith.constant 0 : i32
    %dma_wait3A_1037 = tpu.memref_slice %arg4[%dma_wait3A_1026, %dma_wait3A_1035, %dma_wait3A_1036] : memref<3x64x512xf32, #tpu.memory_space<vmem>> -> memref<1x64x512xf32, #tpu.memory_space<vmem>>
    %dma_wait3A_1038 = tpu.memref_squeeze %dma_wait3A_1037 : memref<1x64x512xf32, #tpu.memory_space<vmem>> -> memref<64x512xf32, #tpu.memory_space<vmem>>
    %dma_wait3A_1039 = arith.constant 384 : i32
    %dma_wait3A_1040 = arith.constant 0 : i32
    %dma_wait3A_1041 = tpu.memref_slice %arg2[%add3A, %dma_wait3A_1025, %dma_wait3A_1039, %dma_wait3A_1040] : memref<32x3x512x512xf32, #tpu.memory_space<hbm>> -> memref<1x1x64x512xf32, #tpu.memory_space<hbm>>
    %dma_wait3A_1042 = tpu.memref_squeeze %dma_wait3A_1041 : memref<1x1x64x512xf32, #tpu.memory_space<hbm>> -> memref<64x512xf32, #tpu.memory_space<hbm>>
    tpu.wait_dma2 semaphore(%arg5 : memref<!tpu.dma_semaphore, #tpu.memory_space<semaphore_mem>>) src(%dma_wait3A_1042 : memref<64x512xf32, #tpu.memory_space<hbm>>) dst(%dma_wait3A_1038 : memref<64x512xf32, #tpu.memory_space<vmem>>)
    %dma_start3A_1043 = arith.constant 2 : i32
    %dma_start3A_1044 = arith.constant 1 : i32
    %dma_start3A_1045 = arith.constant 0 : i32
    %dma_start3A_1046 = arith.constant 0 : i32
    %dma_start3A_1047 = tpu.memref_slice %arg4[%dma_start3A_1043, %dma_start3A_1045, %dma_start3A_1046] : memref<3x64x512xf32, #tpu.memory_space<vmem>> -> memref<1x64x512xf32, #tpu.memory_space<vmem>>
    %dma_start3A_1048 = tpu.memref_squeeze %dma_start3A_1047 : memref<1x64x512xf32, #tpu.memory_space<vmem>> -> memref<64x512xf32, #tpu.memory_space<vmem>>
    %dma_start3A_1049 = arith.constant 384 : i32
    %dma_start3A_1050 = arith.constant 0 : i32
    %dma_start3A_1051 = tpu.memref_slice %arg3[%add3A, %dma_start3A_1044, %dma_start3A_1049, %dma_start3A_1050] : memref<32x3x512x512xf32, #tpu.memory_space<hbm>> -> memref<1x1x64x512xf32, #tpu.memory_space<hbm>>
    %dma_start3A_1052 = tpu.memref_squeeze %dma_start3A_1051 : memref<1x1x64x512xf32, #tpu.memory_space<hbm>> -> memref<64x512xf32, #tpu.memory_space<hbm>>
    %dma_start3A_1053 = arith.constant 384 : i32
    %dma_start3A_1054 = arith.constant 0 : i32
    %dma_start3A_1055 = tpu.memref_slice %arg3[%add3A, %dma_start3A_1044, %dma_start3A_1053, %dma_start3A_1054] : memref<32x3x512x512xf32, #tpu.memory_space<hbm>> -> memref<1x1x64x512xf32, #tpu.memory_space<hbm>>
    %dma_start3A_1056 = tpu.memref_squeeze %dma_start3A_1055 : memref<1x1x64x512xf32, #tpu.memory_space<hbm>> -> memref<64x512xf32, #tpu.memory_space<hbm>>
    %dma_start3A_1057 = arith.constant 0 : i32
    %dma_start3A_1058 = arith.constant 0 : i32
    %dma_start3A_1059 = tpu.memref_slice %arg4[%dma_start3A_1043, %dma_start3A_1057, %dma_start3A_1058] : memref<3x64x512xf32, #tpu.memory_space<vmem>> -> memref<1x64x512xf32, #tpu.memory_space<vmem>>
    %dma_start3A_1060 = tpu.memref_squeeze %dma_start3A_1059 : memref<1x64x512xf32, #tpu.memory_space<vmem>> -> memref<64x512xf32, #tpu.memory_space<vmem>>
    tpu.enqueue_dma source(%dma_start3A_1060 : memref<64x512xf32, #tpu.memory_space<vmem>>) target(%dma_start3A_1056 : memref<64x512xf32, #tpu.memory_space<hbm>>) target_semaphore(%arg8 : memref<!tpu.dma_semaphore, #tpu.memory_space<semaphore_mem>>)
    %dma_wait3A_1061 = arith.constant 1 : i32
    %dma_wait3A_1062 = arith.constant 1 : i32
    %dma_wait3A_1063 = arith.constant 0 : i32
    %dma_wait3A_1064 = arith.constant 0 : i32
    %dma_wait3A_1065 = tpu.memref_slice %arg4[%dma_wait3A_1061, %dma_wait3A_1063, %dma_wait3A_1064] : memref<3x64x512xf32, #tpu.memory_space<vmem>> -> memref<1x64x512xf32, #tpu.memory_space<vmem>>
    %dma_wait3A_1066 = tpu.memref_squeeze %dma_wait3A_1065 : memref<1x64x512xf32, #tpu.memory_space<vmem>> -> memref<64x512xf32, #tpu.memory_space<vmem>>
    %dma_wait3A_1067 = arith.constant 320 : i32
    %dma_wait3A_1068 = arith.constant 0 : i32
    %dma_wait3A_1069 = tpu.memref_slice %arg3[%add3A, %dma_wait3A_1062, %dma_wait3A_1067, %dma_wait3A_1068] : memref<32x3x512x512xf32, #tpu.memory_space<hbm>> -> memref<1x1x64x512xf32, #tpu.memory_space<hbm>>
    %dma_wait3A_1070 = tpu.memref_squeeze %dma_wait3A_1069 : memref<1x1x64x512xf32, #tpu.memory_space<hbm>> -> memref<64x512xf32, #tpu.memory_space<hbm>>
    %dma_wait3A_1071 = arith.constant 320 : i32
    %dma_wait3A_1072 = arith.constant 0 : i32
    %dma_wait3A_1073 = tpu.memref_slice %arg3[%add3A, %dma_wait3A_1062, %dma_wait3A_1071, %dma_wait3A_1072] : memref<32x3x512x512xf32, #tpu.memory_space<hbm>> -> memref<1x1x64x512xf32, #tpu.memory_space<hbm>>
    %dma_wait3A_1074 = tpu.memref_squeeze %dma_wait3A_1073 : memref<1x1x64x512xf32, #tpu.memory_space<hbm>> -> memref<64x512xf32, #tpu.memory_space<hbm>>
    %dma_wait3A_1075 = arith.constant 0 : i32
    %dma_wait3A_1076 = arith.constant 0 : i32
    %dma_wait3A_1077 = tpu.memref_slice %arg4[%dma_wait3A_1061, %dma_wait3A_1075, %dma_wait3A_1076] : memref<3x64x512xf32, #tpu.memory_space<vmem>> -> memref<1x64x512xf32, #tpu.memory_space<vmem>>
    %dma_wait3A_1078 = tpu.memref_squeeze %dma_wait3A_1077 : memref<1x64x512xf32, #tpu.memory_space<vmem>> -> memref<64x512xf32, #tpu.memory_space<vmem>>
    tpu.wait_dma2 semaphore(%arg7 : memref<!tpu.dma_semaphore, #tpu.memory_space<semaphore_mem>>) src(%dma_wait3A_1078 : memref<64x512xf32, #tpu.memory_space<vmem>>) dst(%dma_wait3A_1074 : memref<64x512xf32, #tpu.memory_space<hbm>>)
    %dma_start3A_1079 = arith.constant 0 : i32
    %dma_start3A_1080 = arith.constant 1 : i32
    %dma_start3A_1081 = arith.constant 0 : i32
    %dma_start3A_1082 = arith.constant 0 : i32
    %dma_start3A_1083 = tpu.memref_slice %arg4[%dma_start3A_1080, %dma_start3A_1081, %dma_start3A_1082] : memref<3x64x512xf32, #tpu.memory_space<vmem>> -> memref<1x64x512xf32, #tpu.memory_space<vmem>>
    %dma_start3A_1084 = tpu.memref_squeeze %dma_start3A_1083 : memref<1x64x512xf32, #tpu.memory_space<vmem>> -> memref<64x512xf32, #tpu.memory_space<vmem>>
    %dma_start3A_1085 = arith.constant 0 : i32
    %dma_start3A_1086 = arith.constant 0 : i32
    %dma_start3A_1087 = tpu.memref_slice %arg2[%add3A, %dma_start3A_1079, %dma_start3A_1085, %dma_start3A_1086] : memref<32x3x512x512xf32, #tpu.memory_space<hbm>> -> memref<1x1x64x512xf32, #tpu.memory_space<hbm>>
    %dma_start3A_1088 = tpu.memref_squeeze %dma_start3A_1087 : memref<1x1x64x512xf32, #tpu.memory_space<hbm>> -> memref<64x512xf32, #tpu.memory_space<hbm>>
    %dma_start3A_1089 = arith.constant 0 : i32
    %dma_start3A_1090 = arith.constant 0 : i32
    %dma_start3A_1091 = tpu.memref_slice %arg4[%dma_start3A_1080, %dma_start3A_1089, %dma_start3A_1090] : memref<3x64x512xf32, #tpu.memory_space<vmem>> -> memref<1x64x512xf32, #tpu.memory_space<vmem>>
    %dma_start3A_1092 = tpu.memref_squeeze %dma_start3A_1091 : memref<1x64x512xf32, #tpu.memory_space<vmem>> -> memref<64x512xf32, #tpu.memory_space<vmem>>
    %dma_start3A_1093 = arith.constant 0 : i32
    %dma_start3A_1094 = arith.constant 0 : i32
    %dma_start3A_1095 = tpu.memref_slice %arg2[%add3A, %dma_start3A_1079, %dma_start3A_1093, %dma_start3A_1094] : memref<32x3x512x512xf32, #tpu.memory_space<hbm>> -> memref<1x1x64x512xf32, #tpu.memory_space<hbm>>
    %dma_start3A_1096 = tpu.memref_squeeze %dma_start3A_1095 : memref<1x1x64x512xf32, #tpu.memory_space<hbm>> -> memref<64x512xf32, #tpu.memory_space<hbm>>
    tpu.enqueue_dma source(%dma_start3A_1096 : memref<64x512xf32, #tpu.memory_space<hbm>>) target(%dma_start3A_1092 : memref<64x512xf32, #tpu.memory_space<vmem>>) target_semaphore(%arg5 : memref<!tpu.dma_semaphore, #tpu.memory_space<semaphore_mem>>)
    %dma_wait3A_1097 = arith.constant 1 : i32
    %dma_wait3A_1098 = arith.constant 0 : i32
    %dma_wait3A_1099 = arith.constant 0 : i32
    %dma_wait3A_1100 = arith.constant 0 : i32
    %dma_wait3A_1101 = tpu.memref_slice %arg4[%dma_wait3A_1098, %dma_wait3A_1099, %dma_wait3A_1100] : memref<3x64x512xf32, #tpu.memory_space<vmem>> -> memref<1x64x512xf32, #tpu.memory_space<vmem>>
    %dma_wait3A_1102 = tpu.memref_squeeze %dma_wait3A_1101 : memref<1x64x512xf32, #tpu.memory_space<vmem>> -> memref<64x512xf32, #tpu.memory_space<vmem>>
    %dma_wait3A_1103 = arith.constant 448 : i32
    %dma_wait3A_1104 = arith.constant 0 : i32
    %dma_wait3A_1105 = tpu.memref_slice %arg2[%add3A, %dma_wait3A_1097, %dma_wait3A_1103, %dma_wait3A_1104] : memref<32x3x512x512xf32, #tpu.memory_space<hbm>> -> memref<1x1x64x512xf32, #tpu.memory_space<hbm>>
    %dma_wait3A_1106 = tpu.memref_squeeze %dma_wait3A_1105 : memref<1x1x64x512xf32, #tpu.memory_space<hbm>> -> memref<64x512xf32, #tpu.memory_space<hbm>>
    %dma_wait3A_1107 = arith.constant 0 : i32
    %dma_wait3A_1108 = arith.constant 0 : i32
    %dma_wait3A_1109 = tpu.memref_slice %arg4[%dma_wait3A_1098, %dma_wait3A_1107, %dma_wait3A_1108] : memref<3x64x512xf32, #tpu.memory_space<vmem>> -> memref<1x64x512xf32, #tpu.memory_space<vmem>>
    %dma_wait3A_1110 = tpu.memref_squeeze %dma_wait3A_1109 : memref<1x64x512xf32, #tpu.memory_space<vmem>> -> memref<64x512xf32, #tpu.memory_space<vmem>>
    %dma_wait3A_1111 = arith.constant 448 : i32
    %dma_wait3A_1112 = arith.constant 0 : i32
    %dma_wait3A_1113 = tpu.memref_slice %arg2[%add3A, %dma_wait3A_1097, %dma_wait3A_1111, %dma_wait3A_1112] : memref<32x3x512x512xf32, #tpu.memory_space<hbm>> -> memref<1x1x64x512xf32, #tpu.memory_space<hbm>>
    %dma_wait3A_1114 = tpu.memref_squeeze %dma_wait3A_1113 : memref<1x1x64x512xf32, #tpu.memory_space<hbm>> -> memref<64x512xf32, #tpu.memory_space<hbm>>
    tpu.wait_dma2 semaphore(%arg5 : memref<!tpu.dma_semaphore, #tpu.memory_space<semaphore_mem>>) src(%dma_wait3A_1114 : memref<64x512xf32, #tpu.memory_space<hbm>>) dst(%dma_wait3A_1110 : memref<64x512xf32, #tpu.memory_space<vmem>>)
    %dma_start3A_1115 = arith.constant 0 : i32
    %dma_start3A_1116 = arith.constant 1 : i32
    %dma_start3A_1117 = arith.constant 0 : i32
    %dma_start3A_1118 = arith.constant 0 : i32
    %dma_start3A_1119 = tpu.memref_slice %arg4[%dma_start3A_1115, %dma_start3A_1117, %dma_start3A_1118] : memref<3x64x512xf32, #tpu.memory_space<vmem>> -> memref<1x64x512xf32, #tpu.memory_space<vmem>>
    %dma_start3A_1120 = tpu.memref_squeeze %dma_start3A_1119 : memref<1x64x512xf32, #tpu.memory_space<vmem>> -> memref<64x512xf32, #tpu.memory_space<vmem>>
    %dma_start3A_1121 = arith.constant 448 : i32
    %dma_start3A_1122 = arith.constant 0 : i32
    %dma_start3A_1123 = tpu.memref_slice %arg3[%add3A, %dma_start3A_1116, %dma_start3A_1121, %dma_start3A_1122] : memref<32x3x512x512xf32, #tpu.memory_space<hbm>> -> memref<1x1x64x512xf32, #tpu.memory_space<hbm>>
    %dma_start3A_1124 = tpu.memref_squeeze %dma_start3A_1123 : memref<1x1x64x512xf32, #tpu.memory_space<hbm>> -> memref<64x512xf32, #tpu.memory_space<hbm>>
    %dma_start3A_1125 = arith.constant 448 : i32
    %dma_start3A_1126 = arith.constant 0 : i32
    %dma_start3A_1127 = tpu.memref_slice %arg3[%add3A, %dma_start3A_1116, %dma_start3A_1125, %dma_start3A_1126] : memref<32x3x512x512xf32, #tpu.memory_space<hbm>> -> memref<1x1x64x512xf32, #tpu.memory_space<hbm>>
    %dma_start3A_1128 = tpu.memref_squeeze %dma_start3A_1127 : memref<1x1x64x512xf32, #tpu.memory_space<hbm>> -> memref<64x512xf32, #tpu.memory_space<hbm>>
    %dma_start3A_1129 = arith.constant 0 : i32
    %dma_start3A_1130 = arith.constant 0 : i32
    %dma_start3A_1131 = tpu.memref_slice %arg4[%dma_start3A_1115, %dma_start3A_1129, %dma_start3A_1130] : memref<3x64x512xf32, #tpu.memory_space<vmem>> -> memref<1x64x512xf32, #tpu.memory_space<vmem>>
    %dma_start3A_1132 = tpu.memref_squeeze %dma_start3A_1131 : memref<1x64x512xf32, #tpu.memory_space<vmem>> -> memref<64x512xf32, #tpu.memory_space<vmem>>
    tpu.enqueue_dma source(%dma_start3A_1132 : memref<64x512xf32, #tpu.memory_space<vmem>>) target(%dma_start3A_1128 : memref<64x512xf32, #tpu.memory_space<hbm>>) target_semaphore(%arg6 : memref<!tpu.dma_semaphore, #tpu.memory_space<semaphore_mem>>)
    %dma_wait3A_1133 = arith.constant 2 : i32
    %dma_wait3A_1134 = arith.constant 1 : i32
    %dma_wait3A_1135 = arith.constant 0 : i32
    %dma_wait3A_1136 = arith.constant 0 : i32
    %dma_wait3A_1137 = tpu.memref_slice %arg4[%dma_wait3A_1133, %dma_wait3A_1135, %dma_wait3A_1136] : memref<3x64x512xf32, #tpu.memory_space<vmem>> -> memref<1x64x512xf32, #tpu.memory_space<vmem>>
    %dma_wait3A_1138 = tpu.memref_squeeze %dma_wait3A_1137 : memref<1x64x512xf32, #tpu.memory_space<vmem>> -> memref<64x512xf32, #tpu.memory_space<vmem>>
    %dma_wait3A_1139 = arith.constant 384 : i32
    %dma_wait3A_1140 = arith.constant 0 : i32
    %dma_wait3A_1141 = tpu.memref_slice %arg3[%add3A, %dma_wait3A_1134, %dma_wait3A_1139, %dma_wait3A_1140] : memref<32x3x512x512xf32, #tpu.memory_space<hbm>> -> memref<1x1x64x512xf32, #tpu.memory_space<hbm>>
    %dma_wait3A_1142 = tpu.memref_squeeze %dma_wait3A_1141 : memref<1x1x64x512xf32, #tpu.memory_space<hbm>> -> memref<64x512xf32, #tpu.memory_space<hbm>>
    %dma_wait3A_1143 = arith.constant 384 : i32
    %dma_wait3A_1144 = arith.constant 0 : i32
    %dma_wait3A_1145 = tpu.memref_slice %arg3[%add3A, %dma_wait3A_1134, %dma_wait3A_1143, %dma_wait3A_1144] : memref<32x3x512x512xf32, #tpu.memory_space<hbm>> -> memref<1x1x64x512xf32, #tpu.memory_space<hbm>>
    %dma_wait3A_1146 = tpu.memref_squeeze %dma_wait3A_1145 : memref<1x1x64x512xf32, #tpu.memory_space<hbm>> -> memref<64x512xf32, #tpu.memory_space<hbm>>
    %dma_wait3A_1147 = arith.constant 0 : i32
    %dma_wait3A_1148 = arith.constant 0 : i32
    %dma_wait3A_1149 = tpu.memref_slice %arg4[%dma_wait3A_1133, %dma_wait3A_1147, %dma_wait3A_1148] : memref<3x64x512xf32, #tpu.memory_space<vmem>> -> memref<1x64x512xf32, #tpu.memory_space<vmem>>
    %dma_wait3A_1150 = tpu.memref_squeeze %dma_wait3A_1149 : memref<1x64x512xf32, #tpu.memory_space<vmem>> -> memref<64x512xf32, #tpu.memory_space<vmem>>
    tpu.wait_dma2 semaphore(%arg8 : memref<!tpu.dma_semaphore, #tpu.memory_space<semaphore_mem>>) src(%dma_wait3A_1150 : memref<64x512xf32, #tpu.memory_space<vmem>>) dst(%dma_wait3A_1146 : memref<64x512xf32, #tpu.memory_space<hbm>>)
    %dma_start3A_1151 = arith.constant 0 : i32
    %dma_start3A_1152 = arith.constant 2 : i32
    %dma_start3A_1153 = arith.constant 0 : i32
    %dma_start3A_1154 = arith.constant 0 : i32
    %dma_start3A_1155 = tpu.memref_slice %arg4[%dma_start3A_1152, %dma_start3A_1153, %dma_start3A_1154] : memref<3x64x512xf32, #tpu.memory_space<vmem>> -> memref<1x64x512xf32, #tpu.memory_space<vmem>>
    %dma_start3A_1156 = tpu.memref_squeeze %dma_start3A_1155 : memref<1x64x512xf32, #tpu.memory_space<vmem>> -> memref<64x512xf32, #tpu.memory_space<vmem>>
    %dma_start3A_1157 = arith.constant 64 : i32
    %dma_start3A_1158 = arith.constant 0 : i32
    %dma_start3A_1159 = tpu.memref_slice %arg2[%add3A, %dma_start3A_1151, %dma_start3A_1157, %dma_start3A_1158] : memref<32x3x512x512xf32, #tpu.memory_space<hbm>> -> memref<1x1x64x512xf32, #tpu.memory_space<hbm>>
    %dma_start3A_1160 = tpu.memref_squeeze %dma_start3A_1159 : memref<1x1x64x512xf32, #tpu.memory_space<hbm>> -> memref<64x512xf32, #tpu.memory_space<hbm>>
    %dma_start3A_1161 = arith.constant 0 : i32
    %dma_start3A_1162 = arith.constant 0 : i32
    %dma_start3A_1163 = tpu.memref_slice %arg4[%dma_start3A_1152, %dma_start3A_1161, %dma_start3A_1162] : memref<3x64x512xf32, #tpu.memory_space<vmem>> -> memref<1x64x512xf32, #tpu.memory_space<vmem>>
    %dma_start3A_1164 = tpu.memref_squeeze %dma_start3A_1163 : memref<1x64x512xf32, #tpu.memory_space<vmem>> -> memref<64x512xf32, #tpu.memory_space<vmem>>
    %dma_start3A_1165 = arith.constant 64 : i32
    %dma_start3A_1166 = arith.constant 0 : i32
    %dma_start3A_1167 = tpu.memref_slice %arg2[%add3A, %dma_start3A_1151, %dma_start3A_1165, %dma_start3A_1166] : memref<32x3x512x512xf32, #tpu.memory_space<hbm>> -> memref<1x1x64x512xf32, #tpu.memory_space<hbm>>
    %dma_start3A_1168 = tpu.memref_squeeze %dma_start3A_1167 : memref<1x1x64x512xf32, #tpu.memory_space<hbm>> -> memref<64x512xf32, #tpu.memory_space<hbm>>
    tpu.enqueue_dma source(%dma_start3A_1168 : memref<64x512xf32, #tpu.memory_space<hbm>>) target(%dma_start3A_1164 : memref<64x512xf32, #tpu.memory_space<vmem>>) target_semaphore(%arg5 : memref<!tpu.dma_semaphore, #tpu.memory_space<semaphore_mem>>)
    %dma_wait3A_1169 = arith.constant 0 : i32
    %dma_wait3A_1170 = arith.constant 1 : i32
    %dma_wait3A_1171 = arith.constant 0 : i32
    %dma_wait3A_1172 = arith.constant 0 : i32
    %dma_wait3A_1173 = tpu.memref_slice %arg4[%dma_wait3A_1170, %dma_wait3A_1171, %dma_wait3A_1172] : memref<3x64x512xf32, #tpu.memory_space<vmem>> -> memref<1x64x512xf32, #tpu.memory_space<vmem>>
    %dma_wait3A_1174 = tpu.memref_squeeze %dma_wait3A_1173 : memref<1x64x512xf32, #tpu.memory_space<vmem>> -> memref<64x512xf32, #tpu.memory_space<vmem>>
    %dma_wait3A_1175 = arith.constant 0 : i32
    %dma_wait3A_1176 = arith.constant 0 : i32
    %dma_wait3A_1177 = tpu.memref_slice %arg2[%add3A, %dma_wait3A_1169, %dma_wait3A_1175, %dma_wait3A_1176] : memref<32x3x512x512xf32, #tpu.memory_space<hbm>> -> memref<1x1x64x512xf32, #tpu.memory_space<hbm>>
    %dma_wait3A_1178 = tpu.memref_squeeze %dma_wait3A_1177 : memref<1x1x64x512xf32, #tpu.memory_space<hbm>> -> memref<64x512xf32, #tpu.memory_space<hbm>>
    %dma_wait3A_1179 = arith.constant 0 : i32
    %dma_wait3A_1180 = arith.constant 0 : i32
    %dma_wait3A_1181 = tpu.memref_slice %arg4[%dma_wait3A_1170, %dma_wait3A_1179, %dma_wait3A_1180] : memref<3x64x512xf32, #tpu.memory_space<vmem>> -> memref<1x64x512xf32, #tpu.memory_space<vmem>>
    %dma_wait3A_1182 = tpu.memref_squeeze %dma_wait3A_1181 : memref<1x64x512xf32, #tpu.memory_space<vmem>> -> memref<64x512xf32, #tpu.memory_space<vmem>>
    %dma_wait3A_1183 = arith.constant 0 : i32
    %dma_wait3A_1184 = arith.constant 0 : i32
    %dma_wait3A_1185 = tpu.memref_slice %arg2[%add3A, %dma_wait3A_1169, %dma_wait3A_1183, %dma_wait3A_1184] : memref<32x3x512x512xf32, #tpu.memory_space<hbm>> -> memref<1x1x64x512xf32, #tpu.memory_space<hbm>>
    %dma_wait3A_1186 = tpu.memref_squeeze %dma_wait3A_1185 : memref<1x1x64x512xf32, #tpu.memory_space<hbm>> -> memref<64x512xf32, #tpu.memory_space<hbm>>
    tpu.wait_dma2 semaphore(%arg5 : memref<!tpu.dma_semaphore, #tpu.memory_space<semaphore_mem>>) src(%dma_wait3A_1186 : memref<64x512xf32, #tpu.memory_space<hbm>>) dst(%dma_wait3A_1182 : memref<64x512xf32, #tpu.memory_space<vmem>>)
    %dma_start3A_1187 = arith.constant 1 : i32
    %dma_start3A_1188 = arith.constant 2 : i32
    %dma_start3A_1189 = arith.constant 0 : i32
    %dma_start3A_1190 = arith.constant 0 : i32
    %dma_start3A_1191 = tpu.memref_slice %arg4[%dma_start3A_1187, %dma_start3A_1189, %dma_start3A_1190] : memref<3x64x512xf32, #tpu.memory_space<vmem>> -> memref<1x64x512xf32, #tpu.memory_space<vmem>>
    %dma_start3A_1192 = tpu.memref_squeeze %dma_start3A_1191 : memref<1x64x512xf32, #tpu.memory_space<vmem>> -> memref<64x512xf32, #tpu.memory_space<vmem>>
    %dma_start3A_1193 = arith.constant 0 : i32
    %dma_start3A_1194 = arith.constant 0 : i32
    %dma_start3A_1195 = tpu.memref_slice %arg3[%add3A, %dma_start3A_1188, %dma_start3A_1193, %dma_start3A_1194] : memref<32x3x512x512xf32, #tpu.memory_space<hbm>> -> memref<1x1x64x512xf32, #tpu.memory_space<hbm>>
    %dma_start3A_1196 = tpu.memref_squeeze %dma_start3A_1195 : memref<1x1x64x512xf32, #tpu.memory_space<hbm>> -> memref<64x512xf32, #tpu.memory_space<hbm>>
    %dma_start3A_1197 = arith.constant 0 : i32
    %dma_start3A_1198 = arith.constant 0 : i32
    %dma_start3A_1199 = tpu.memref_slice %arg3[%add3A, %dma_start3A_1188, %dma_start3A_1197, %dma_start3A_1198] : memref<32x3x512x512xf32, #tpu.memory_space<hbm>> -> memref<1x1x64x512xf32, #tpu.memory_space<hbm>>
    %dma_start3A_1200 = tpu.memref_squeeze %dma_start3A_1199 : memref<1x1x64x512xf32, #tpu.memory_space<hbm>> -> memref<64x512xf32, #tpu.memory_space<hbm>>
    %dma_start3A_1201 = arith.constant 0 : i32
    %dma_start3A_1202 = arith.constant 0 : i32
    %dma_start3A_1203 = tpu.memref_slice %arg4[%dma_start3A_1187, %dma_start3A_1201, %dma_start3A_1202] : memref<3x64x512xf32, #tpu.memory_space<vmem>> -> memref<1x64x512xf32, #tpu.memory_space<vmem>>
    %dma_start3A_1204 = tpu.memref_squeeze %dma_start3A_1203 : memref<1x64x512xf32, #tpu.memory_space<vmem>> -> memref<64x512xf32, #tpu.memory_space<vmem>>
    tpu.enqueue_dma source(%dma_start3A_1204 : memref<64x512xf32, #tpu.memory_space<vmem>>) target(%dma_start3A_1200 : memref<64x512xf32, #tpu.memory_space<hbm>>) target_semaphore(%arg7 : memref<!tpu.dma_semaphore, #tpu.memory_space<semaphore_mem>>)
    %dma_wait3A_1205 = arith.constant 0 : i32
    %dma_wait3A_1206 = arith.constant 1 : i32
    %dma_wait3A_1207 = arith.constant 0 : i32
    %dma_wait3A_1208 = arith.constant 0 : i32
    %dma_wait3A_1209 = tpu.memref_slice %arg4[%dma_wait3A_1205, %dma_wait3A_1207, %dma_wait3A_1208] : memref<3x64x512xf32, #tpu.memory_space<vmem>> -> memref<1x64x512xf32, #tpu.memory_space<vmem>>
    %dma_wait3A_1210 = tpu.memref_squeeze %dma_wait3A_1209 : memref<1x64x512xf32, #tpu.memory_space<vmem>> -> memref<64x512xf32, #tpu.memory_space<vmem>>
    %dma_wait3A_1211 = arith.constant 448 : i32
    %dma_wait3A_1212 = arith.constant 0 : i32
    %dma_wait3A_1213 = tpu.memref_slice %arg3[%add3A, %dma_wait3A_1206, %dma_wait3A_1211, %dma_wait3A_1212] : memref<32x3x512x512xf32, #tpu.memory_space<hbm>> -> memref<1x1x64x512xf32, #tpu.memory_space<hbm>>
    %dma_wait3A_1214 = tpu.memref_squeeze %dma_wait3A_1213 : memref<1x1x64x512xf32, #tpu.memory_space<hbm>> -> memref<64x512xf32, #tpu.memory_space<hbm>>
    %dma_wait3A_1215 = arith.constant 448 : i32
    %dma_wait3A_1216 = arith.constant 0 : i32
    %dma_wait3A_1217 = tpu.memref_slice %arg3[%add3A, %dma_wait3A_1206, %dma_wait3A_1215, %dma_wait3A_1216] : memref<32x3x512x512xf32, #tpu.memory_space<hbm>> -> memref<1x1x64x512xf32, #tpu.memory_space<hbm>>
    %dma_wait3A_1218 = tpu.memref_squeeze %dma_wait3A_1217 : memref<1x1x64x512xf32, #tpu.memory_space<hbm>> -> memref<64x512xf32, #tpu.memory_space<hbm>>
    %dma_wait3A_1219 = arith.constant 0 : i32
    %dma_wait3A_1220 = arith.constant 0 : i32
    %dma_wait3A_1221 = tpu.memref_slice %arg4[%dma_wait3A_1205, %dma_wait3A_1219, %dma_wait3A_1220] : memref<3x64x512xf32, #tpu.memory_space<vmem>> -> memref<1x64x512xf32, #tpu.memory_space<vmem>>
    %dma_wait3A_1222 = tpu.memref_squeeze %dma_wait3A_1221 : memref<1x64x512xf32, #tpu.memory_space<vmem>> -> memref<64x512xf32, #tpu.memory_space<vmem>>
    tpu.wait_dma2 semaphore(%arg6 : memref<!tpu.dma_semaphore, #tpu.memory_space<semaphore_mem>>) src(%dma_wait3A_1222 : memref<64x512xf32, #tpu.memory_space<vmem>>) dst(%dma_wait3A_1218 : memref<64x512xf32, #tpu.memory_space<hbm>>)
    %dma_start3A_1223 = arith.constant 0 : i32
    %dma_start3A_1224 = arith.constant 0 : i32
    %dma_start3A_1225 = arith.constant 0 : i32
    %dma_start3A_1226 = arith.constant 0 : i32
    %dma_start3A_1227 = tpu.memref_slice %arg4[%dma_start3A_1224, %dma_start3A_1225, %dma_start3A_1226] : memref<3x64x512xf32, #tpu.memory_space<vmem>> -> memref<1x64x512xf32, #tpu.memory_space<vmem>>
    %dma_start3A_1228 = tpu.memref_squeeze %dma_start3A_1227 : memref<1x64x512xf32, #tpu.memory_space<vmem>> -> memref<64x512xf32, #tpu.memory_space<vmem>>
    %dma_start3A_1229 = arith.constant 128 : i32
    %dma_start3A_1230 = arith.constant 0 : i32
    %dma_start3A_1231 = tpu.memref_slice %arg2[%add3A, %dma_start3A_1223, %dma_start3A_1229, %dma_start3A_1230] : memref<32x3x512x512xf32, #tpu.memory_space<hbm>> -> memref<1x1x64x512xf32, #tpu.memory_space<hbm>>
    %dma_start3A_1232 = tpu.memref_squeeze %dma_start3A_1231 : memref<1x1x64x512xf32, #tpu.memory_space<hbm>> -> memref<64x512xf32, #tpu.memory_space<hbm>>
    %dma_start3A_1233 = arith.constant 0 : i32
    %dma_start3A_1234 = arith.constant 0 : i32
    %dma_start3A_1235 = tpu.memref_slice %arg4[%dma_start3A_1224, %dma_start3A_1233, %dma_start3A_1234] : memref<3x64x512xf32, #tpu.memory_space<vmem>> -> memref<1x64x512xf32, #tpu.memory_space<vmem>>
    %dma_start3A_1236 = tpu.memref_squeeze %dma_start3A_1235 : memref<1x64x512xf32, #tpu.memory_space<vmem>> -> memref<64x512xf32, #tpu.memory_space<vmem>>
    %dma_start3A_1237 = arith.constant 128 : i32
    %dma_start3A_1238 = arith.constant 0 : i32
    %dma_start3A_1239 = tpu.memref_slice %arg2[%add3A, %dma_start3A_1223, %dma_start3A_1237, %dma_start3A_1238] : memref<32x3x512x512xf32, #tpu.memory_space<hbm>> -> memref<1x1x64x512xf32, #tpu.memory_space<hbm>>
    %dma_start3A_1240 = tpu.memref_squeeze %dma_start3A_1239 : memref<1x1x64x512xf32, #tpu.memory_space<hbm>> -> memref<64x512xf32, #tpu.memory_space<hbm>>
    tpu.enqueue_dma source(%dma_start3A_1240 : memref<64x512xf32, #tpu.memory_space<hbm>>) target(%dma_start3A_1236 : memref<64x512xf32, #tpu.memory_space<vmem>>) target_semaphore(%arg5 : memref<!tpu.dma_semaphore, #tpu.memory_space<semaphore_mem>>)
    %dma_wait3A_1241 = arith.constant 0 : i32
    %dma_wait3A_1242 = arith.constant 2 : i32
    %dma_wait3A_1243 = arith.constant 0 : i32
    %dma_wait3A_1244 = arith.constant 0 : i32
    %dma_wait3A_1245 = tpu.memref_slice %arg4[%dma_wait3A_1242, %dma_wait3A_1243, %dma_wait3A_1244] : memref<3x64x512xf32, #tpu.memory_space<vmem>> -> memref<1x64x512xf32, #tpu.memory_space<vmem>>
    %dma_wait3A_1246 = tpu.memref_squeeze %dma_wait3A_1245 : memref<1x64x512xf32, #tpu.memory_space<vmem>> -> memref<64x512xf32, #tpu.memory_space<vmem>>
    %dma_wait3A_1247 = arith.constant 64 : i32
    %dma_wait3A_1248 = arith.constant 0 : i32
    %dma_wait3A_1249 = tpu.memref_slice %arg2[%add3A, %dma_wait3A_1241, %dma_wait3A_1247, %dma_wait3A_1248] : memref<32x3x512x512xf32, #tpu.memory_space<hbm>> -> memref<1x1x64x512xf32, #tpu.memory_space<hbm>>
    %dma_wait3A_1250 = tpu.memref_squeeze %dma_wait3A_1249 : memref<1x1x64x512xf32, #tpu.memory_space<hbm>> -> memref<64x512xf32, #tpu.memory_space<hbm>>
    %dma_wait3A_1251 = arith.constant 0 : i32
    %dma_wait3A_1252 = arith.constant 0 : i32
    %dma_wait3A_1253 = tpu.memref_slice %arg4[%dma_wait3A_1242, %dma_wait3A_1251, %dma_wait3A_1252] : memref<3x64x512xf32, #tpu.memory_space<vmem>> -> memref<1x64x512xf32, #tpu.memory_space<vmem>>
    %dma_wait3A_1254 = tpu.memref_squeeze %dma_wait3A_1253 : memref<1x64x512xf32, #tpu.memory_space<vmem>> -> memref<64x512xf32, #tpu.memory_space<vmem>>
    %dma_wait3A_1255 = arith.constant 64 : i32
    %dma_wait3A_1256 = arith.constant 0 : i32
    %dma_wait3A_1257 = tpu.memref_slice %arg2[%add3A, %dma_wait3A_1241, %dma_wait3A_1255, %dma_wait3A_1256] : memref<32x3x512x512xf32, #tpu.memory_space<hbm>> -> memref<1x1x64x512xf32, #tpu.memory_space<hbm>>
    %dma_wait3A_1258 = tpu.memref_squeeze %dma_wait3A_1257 : memref<1x1x64x512xf32, #tpu.memory_space<hbm>> -> memref<64x512xf32, #tpu.memory_space<hbm>>
    tpu.wait_dma2 semaphore(%arg5 : memref<!tpu.dma_semaphore, #tpu.memory_space<semaphore_mem>>) src(%dma_wait3A_1258 : memref<64x512xf32, #tpu.memory_space<hbm>>) dst(%dma_wait3A_1254 : memref<64x512xf32, #tpu.memory_space<vmem>>)
    %dma_start3A_1259 = arith.constant 2 : i32
    %dma_start3A_1260 = arith.constant 2 : i32
    %dma_start3A_1261 = arith.constant 0 : i32
    %dma_start3A_1262 = arith.constant 0 : i32
    %dma_start3A_1263 = tpu.memref_slice %arg4[%dma_start3A_1259, %dma_start3A_1261, %dma_start3A_1262] : memref<3x64x512xf32, #tpu.memory_space<vmem>> -> memref<1x64x512xf32, #tpu.memory_space<vmem>>
    %dma_start3A_1264 = tpu.memref_squeeze %dma_start3A_1263 : memref<1x64x512xf32, #tpu.memory_space<vmem>> -> memref<64x512xf32, #tpu.memory_space<vmem>>
    %dma_start3A_1265 = arith.constant 64 : i32
    %dma_start3A_1266 = arith.constant 0 : i32
    %dma_start3A_1267 = tpu.memref_slice %arg3[%add3A, %dma_start3A_1260, %dma_start3A_1265, %dma_start3A_1266] : memref<32x3x512x512xf32, #tpu.memory_space<hbm>> -> memref<1x1x64x512xf32, #tpu.memory_space<hbm>>
    %dma_start3A_1268 = tpu.memref_squeeze %dma_start3A_1267 : memref<1x1x64x512xf32, #tpu.memory_space<hbm>> -> memref<64x512xf32, #tpu.memory_space<hbm>>
    %dma_start3A_1269 = arith.constant 64 : i32
    %dma_start3A_1270 = arith.constant 0 : i32
    %dma_start3A_1271 = tpu.memref_slice %arg3[%add3A, %dma_start3A_1260, %dma_start3A_1269, %dma_start3A_1270] : memref<32x3x512x512xf32, #tpu.memory_space<hbm>> -> memref<1x1x64x512xf32, #tpu.memory_space<hbm>>
    %dma_start3A_1272 = tpu.memref_squeeze %dma_start3A_1271 : memref<1x1x64x512xf32, #tpu.memory_space<hbm>> -> memref<64x512xf32, #tpu.memory_space<hbm>>
    %dma_start3A_1273 = arith.constant 0 : i32
    %dma_start3A_1274 = arith.constant 0 : i32
    %dma_start3A_1275 = tpu.memref_slice %arg4[%dma_start3A_1259, %dma_start3A_1273, %dma_start3A_1274] : memref<3x64x512xf32, #tpu.memory_space<vmem>> -> memref<1x64x512xf32, #tpu.memory_space<vmem>>
    %dma_start3A_1276 = tpu.memref_squeeze %dma_start3A_1275 : memref<1x64x512xf32, #tpu.memory_space<vmem>> -> memref<64x512xf32, #tpu.memory_space<vmem>>
    tpu.enqueue_dma source(%dma_start3A_1276 : memref<64x512xf32, #tpu.memory_space<vmem>>) target(%dma_start3A_1272 : memref<64x512xf32, #tpu.memory_space<hbm>>) target_semaphore(%arg8 : memref<!tpu.dma_semaphore, #tpu.memory_space<semaphore_mem>>)
    %dma_wait3A_1277 = arith.constant 1 : i32
    %dma_wait3A_1278 = arith.constant 2 : i32
    %dma_wait3A_1279 = arith.constant 0 : i32
    %dma_wait3A_1280 = arith.constant 0 : i32
    %dma_wait3A_1281 = tpu.memref_slice %arg4[%dma_wait3A_1277, %dma_wait3A_1279, %dma_wait3A_1280] : memref<3x64x512xf32, #tpu.memory_space<vmem>> -> memref<1x64x512xf32, #tpu.memory_space<vmem>>
    %dma_wait3A_1282 = tpu.memref_squeeze %dma_wait3A_1281 : memref<1x64x512xf32, #tpu.memory_space<vmem>> -> memref<64x512xf32, #tpu.memory_space<vmem>>
    %dma_wait3A_1283 = arith.constant 0 : i32
    %dma_wait3A_1284 = arith.constant 0 : i32
    %dma_wait3A_1285 = tpu.memref_slice %arg3[%add3A, %dma_wait3A_1278, %dma_wait3A_1283, %dma_wait3A_1284] : memref<32x3x512x512xf32, #tpu.memory_space<hbm>> -> memref<1x1x64x512xf32, #tpu.memory_space<hbm>>
    %dma_wait3A_1286 = tpu.memref_squeeze %dma_wait3A_1285 : memref<1x1x64x512xf32, #tpu.memory_space<hbm>> -> memref<64x512xf32, #tpu.memory_space<hbm>>
    %dma_wait3A_1287 = arith.constant 0 : i32
    %dma_wait3A_1288 = arith.constant 0 : i32
    %dma_wait3A_1289 = tpu.memref_slice %arg3[%add3A, %dma_wait3A_1278, %dma_wait3A_1287, %dma_wait3A_1288] : memref<32x3x512x512xf32, #tpu.memory_space<hbm>> -> memref<1x1x64x512xf32, #tpu.memory_space<hbm>>
    %dma_wait3A_1290 = tpu.memref_squeeze %dma_wait3A_1289 : memref<1x1x64x512xf32, #tpu.memory_space<hbm>> -> memref<64x512xf32, #tpu.memory_space<hbm>>
    %dma_wait3A_1291 = arith.constant 0 : i32
    %dma_wait3A_1292 = arith.constant 0 : i32
    %dma_wait3A_1293 = tpu.memref_slice %arg4[%dma_wait3A_1277, %dma_wait3A_1291, %dma_wait3A_1292] : memref<3x64x512xf32, #tpu.memory_space<vmem>> -> memref<1x64x512xf32, #tpu.memory_space<vmem>>
    %dma_wait3A_1294 = tpu.memref_squeeze %dma_wait3A_1293 : memref<1x64x512xf32, #tpu.memory_space<vmem>> -> memref<64x512xf32, #tpu.memory_space<vmem>>
    tpu.wait_dma2 semaphore(%arg7 : memref<!tpu.dma_semaphore, #tpu.memory_space<semaphore_mem>>) src(%dma_wait3A_1294 : memref<64x512xf32, #tpu.memory_space<vmem>>) dst(%dma_wait3A_1290 : memref<64x512xf32, #tpu.memory_space<hbm>>)
    %dma_start3A_1295 = arith.constant 0 : i32
    %dma_start3A_1296 = arith.constant 1 : i32
    %dma_start3A_1297 = arith.constant 0 : i32
    %dma_start3A_1298 = arith.constant 0 : i32
    %dma_start3A_1299 = tpu.memref_slice %arg4[%dma_start3A_1296, %dma_start3A_1297, %dma_start3A_1298] : memref<3x64x512xf32, #tpu.memory_space<vmem>> -> memref<1x64x512xf32, #tpu.memory_space<vmem>>
    %dma_start3A_1300 = tpu.memref_squeeze %dma_start3A_1299 : memref<1x64x512xf32, #tpu.memory_space<vmem>> -> memref<64x512xf32, #tpu.memory_space<vmem>>
    %dma_start3A_1301 = arith.constant 192 : i32
    %dma_start3A_1302 = arith.constant 0 : i32
    %dma_start3A_1303 = tpu.memref_slice %arg2[%add3A, %dma_start3A_1295, %dma_start3A_1301, %dma_start3A_1302] : memref<32x3x512x512xf32, #tpu.memory_space<hbm>> -> memref<1x1x64x512xf32, #tpu.memory_space<hbm>>
    %dma_start3A_1304 = tpu.memref_squeeze %dma_start3A_1303 : memref<1x1x64x512xf32, #tpu.memory_space<hbm>> -> memref<64x512xf32, #tpu.memory_space<hbm>>
    %dma_start3A_1305 = arith.constant 0 : i32
    %dma_start3A_1306 = arith.constant 0 : i32
    %dma_start3A_1307 = tpu.memref_slice %arg4[%dma_start3A_1296, %dma_start3A_1305, %dma_start3A_1306] : memref<3x64x512xf32, #tpu.memory_space<vmem>> -> memref<1x64x512xf32, #tpu.memory_space<vmem>>
    %dma_start3A_1308 = tpu.memref_squeeze %dma_start3A_1307 : memref<1x64x512xf32, #tpu.memory_space<vmem>> -> memref<64x512xf32, #tpu.memory_space<vmem>>
    %dma_start3A_1309 = arith.constant 192 : i32
    %dma_start3A_1310 = arith.constant 0 : i32
    %dma_start3A_1311 = tpu.memref_slice %arg2[%add3A, %dma_start3A_1295, %dma_start3A_1309, %dma_start3A_1310] : memref<32x3x512x512xf32, #tpu.memory_space<hbm>> -> memref<1x1x64x512xf32, #tpu.memory_space<hbm>>
    %dma_start3A_1312 = tpu.memref_squeeze %dma_start3A_1311 : memref<1x1x64x512xf32, #tpu.memory_space<hbm>> -> memref<64x512xf32, #tpu.memory_space<hbm>>
    tpu.enqueue_dma source(%dma_start3A_1312 : memref<64x512xf32, #tpu.memory_space<hbm>>) target(%dma_start3A_1308 : memref<64x512xf32, #tpu.memory_space<vmem>>) target_semaphore(%arg5 : memref<!tpu.dma_semaphore, #tpu.memory_space<semaphore_mem>>)
    %dma_wait3A_1313 = arith.constant 0 : i32
    %dma_wait3A_1314 = arith.constant 0 : i32
    %dma_wait3A_1315 = arith.constant 0 : i32
    %dma_wait3A_1316 = arith.constant 0 : i32
    %dma_wait3A_1317 = tpu.memref_slice %arg4[%dma_wait3A_1314, %dma_wait3A_1315, %dma_wait3A_1316] : memref<3x64x512xf32, #tpu.memory_space<vmem>> -> memref<1x64x512xf32, #tpu.memory_space<vmem>>
    %dma_wait3A_1318 = tpu.memref_squeeze %dma_wait3A_1317 : memref<1x64x512xf32, #tpu.memory_space<vmem>> -> memref<64x512xf32, #tpu.memory_space<vmem>>
    %dma_wait3A_1319 = arith.constant 128 : i32
    %dma_wait3A_1320 = arith.constant 0 : i32
    %dma_wait3A_1321 = tpu.memref_slice %arg2[%add3A, %dma_wait3A_1313, %dma_wait3A_1319, %dma_wait3A_1320] : memref<32x3x512x512xf32, #tpu.memory_space<hbm>> -> memref<1x1x64x512xf32, #tpu.memory_space<hbm>>
    %dma_wait3A_1322 = tpu.memref_squeeze %dma_wait3A_1321 : memref<1x1x64x512xf32, #tpu.memory_space<hbm>> -> memref<64x512xf32, #tpu.memory_space<hbm>>
    %dma_wait3A_1323 = arith.constant 0 : i32
    %dma_wait3A_1324 = arith.constant 0 : i32
    %dma_wait3A_1325 = tpu.memref_slice %arg4[%dma_wait3A_1314, %dma_wait3A_1323, %dma_wait3A_1324] : memref<3x64x512xf32, #tpu.memory_space<vmem>> -> memref<1x64x512xf32, #tpu.memory_space<vmem>>
    %dma_wait3A_1326 = tpu.memref_squeeze %dma_wait3A_1325 : memref<1x64x512xf32, #tpu.memory_space<vmem>> -> memref<64x512xf32, #tpu.memory_space<vmem>>
    %dma_wait3A_1327 = arith.constant 128 : i32
    %dma_wait3A_1328 = arith.constant 0 : i32
    %dma_wait3A_1329 = tpu.memref_slice %arg2[%add3A, %dma_wait3A_1313, %dma_wait3A_1327, %dma_wait3A_1328] : memref<32x3x512x512xf32, #tpu.memory_space<hbm>> -> memref<1x1x64x512xf32, #tpu.memory_space<hbm>>
    %dma_wait3A_1330 = tpu.memref_squeeze %dma_wait3A_1329 : memref<1x1x64x512xf32, #tpu.memory_space<hbm>> -> memref<64x512xf32, #tpu.memory_space<hbm>>
    tpu.wait_dma2 semaphore(%arg5 : memref<!tpu.dma_semaphore, #tpu.memory_space<semaphore_mem>>) src(%dma_wait3A_1330 : memref<64x512xf32, #tpu.memory_space<hbm>>) dst(%dma_wait3A_1326 : memref<64x512xf32, #tpu.memory_space<vmem>>)
    %dma_start3A_1331 = arith.constant 0 : i32
    %dma_start3A_1332 = arith.constant 2 : i32
    %dma_start3A_1333 = arith.constant 0 : i32
    %dma_start3A_1334 = arith.constant 0 : i32
    %dma_start3A_1335 = tpu.memref_slice %arg4[%dma_start3A_1331, %dma_start3A_1333, %dma_start3A_1334] : memref<3x64x512xf32, #tpu.memory_space<vmem>> -> memref<1x64x512xf32, #tpu.memory_space<vmem>>
    %dma_start3A_1336 = tpu.memref_squeeze %dma_start3A_1335 : memref<1x64x512xf32, #tpu.memory_space<vmem>> -> memref<64x512xf32, #tpu.memory_space<vmem>>
    %dma_start3A_1337 = arith.constant 128 : i32
    %dma_start3A_1338 = arith.constant 0 : i32
    %dma_start3A_1339 = tpu.memref_slice %arg3[%add3A, %dma_start3A_1332, %dma_start3A_1337, %dma_start3A_1338] : memref<32x3x512x512xf32, #tpu.memory_space<hbm>> -> memref<1x1x64x512xf32, #tpu.memory_space<hbm>>
    %dma_start3A_1340 = tpu.memref_squeeze %dma_start3A_1339 : memref<1x1x64x512xf32, #tpu.memory_space<hbm>> -> memref<64x512xf32, #tpu.memory_space<hbm>>
    %dma_start3A_1341 = arith.constant 128 : i32
    %dma_start3A_1342 = arith.constant 0 : i32
    %dma_start3A_1343 = tpu.memref_slice %arg3[%add3A, %dma_start3A_1332, %dma_start3A_1341, %dma_start3A_1342] : memref<32x3x512x512xf32, #tpu.memory_space<hbm>> -> memref<1x1x64x512xf32, #tpu.memory_space<hbm>>
    %dma_start3A_1344 = tpu.memref_squeeze %dma_start3A_1343 : memref<1x1x64x512xf32, #tpu.memory_space<hbm>> -> memref<64x512xf32, #tpu.memory_space<hbm>>
    %dma_start3A_1345 = arith.constant 0 : i32
    %dma_start3A_1346 = arith.constant 0 : i32
    %dma_start3A_1347 = tpu.memref_slice %arg4[%dma_start3A_1331, %dma_start3A_1345, %dma_start3A_1346] : memref<3x64x512xf32, #tpu.memory_space<vmem>> -> memref<1x64x512xf32, #tpu.memory_space<vmem>>
    %dma_start3A_1348 = tpu.memref_squeeze %dma_start3A_1347 : memref<1x64x512xf32, #tpu.memory_space<vmem>> -> memref<64x512xf32, #tpu.memory_space<vmem>>
    tpu.enqueue_dma source(%dma_start3A_1348 : memref<64x512xf32, #tpu.memory_space<vmem>>) target(%dma_start3A_1344 : memref<64x512xf32, #tpu.memory_space<hbm>>) target_semaphore(%arg6 : memref<!tpu.dma_semaphore, #tpu.memory_space<semaphore_mem>>)
    %dma_wait3A_1349 = arith.constant 2 : i32
    %dma_wait3A_1350 = arith.constant 2 : i32
    %dma_wait3A_1351 = arith.constant 0 : i32
    %dma_wait3A_1352 = arith.constant 0 : i32
    %dma_wait3A_1353 = tpu.memref_slice %arg4[%dma_wait3A_1349, %dma_wait3A_1351, %dma_wait3A_1352] : memref<3x64x512xf32, #tpu.memory_space<vmem>> -> memref<1x64x512xf32, #tpu.memory_space<vmem>>
    %dma_wait3A_1354 = tpu.memref_squeeze %dma_wait3A_1353 : memref<1x64x512xf32, #tpu.memory_space<vmem>> -> memref<64x512xf32, #tpu.memory_space<vmem>>
    %dma_wait3A_1355 = arith.constant 64 : i32
    %dma_wait3A_1356 = arith.constant 0 : i32
    %dma_wait3A_1357 = tpu.memref_slice %arg3[%add3A, %dma_wait3A_1350, %dma_wait3A_1355, %dma_wait3A_1356] : memref<32x3x512x512xf32, #tpu.memory_space<hbm>> -> memref<1x1x64x512xf32, #tpu.memory_space<hbm>>
    %dma_wait3A_1358 = tpu.memref_squeeze %dma_wait3A_1357 : memref<1x1x64x512xf32, #tpu.memory_space<hbm>> -> memref<64x512xf32, #tpu.memory_space<hbm>>
    %dma_wait3A_1359 = arith.constant 64 : i32
    %dma_wait3A_1360 = arith.constant 0 : i32
    %dma_wait3A_1361 = tpu.memref_slice %arg3[%add3A, %dma_wait3A_1350, %dma_wait3A_1359, %dma_wait3A_1360] : memref<32x3x512x512xf32, #tpu.memory_space<hbm>> -> memref<1x1x64x512xf32, #tpu.memory_space<hbm>>
    %dma_wait3A_1362 = tpu.memref_squeeze %dma_wait3A_1361 : memref<1x1x64x512xf32, #tpu.memory_space<hbm>> -> memref<64x512xf32, #tpu.memory_space<hbm>>
    %dma_wait3A_1363 = arith.constant 0 : i32
    %dma_wait3A_1364 = arith.constant 0 : i32
    %dma_wait3A_1365 = tpu.memref_slice %arg4[%dma_wait3A_1349, %dma_wait3A_1363, %dma_wait3A_1364] : memref<3x64x512xf32, #tpu.memory_space<vmem>> -> memref<1x64x512xf32, #tpu.memory_space<vmem>>
    %dma_wait3A_1366 = tpu.memref_squeeze %dma_wait3A_1365 : memref<1x64x512xf32, #tpu.memory_space<vmem>> -> memref<64x512xf32, #tpu.memory_space<vmem>>
    tpu.wait_dma2 semaphore(%arg8 : memref<!tpu.dma_semaphore, #tpu.memory_space<semaphore_mem>>) src(%dma_wait3A_1366 : memref<64x512xf32, #tpu.memory_space<vmem>>) dst(%dma_wait3A_1362 : memref<64x512xf32, #tpu.memory_space<hbm>>)
    %dma_start3A_1367 = arith.constant 0 : i32
    %dma_start3A_1368 = arith.constant 2 : i32
    %dma_start3A_1369 = arith.constant 0 : i32
    %dma_start3A_1370 = arith.constant 0 : i32
    %dma_start3A_1371 = tpu.memref_slice %arg4[%dma_start3A_1368, %dma_start3A_1369, %dma_start3A_1370] : memref<3x64x512xf32, #tpu.memory_space<vmem>> -> memref<1x64x512xf32, #tpu.memory_space<vmem>>
    %dma_start3A_1372 = tpu.memref_squeeze %dma_start3A_1371 : memref<1x64x512xf32, #tpu.memory_space<vmem>> -> memref<64x512xf32, #tpu.memory_space<vmem>>
    %dma_start3A_1373 = arith.constant 256 : i32
    %dma_start3A_1374 = arith.constant 0 : i32
    %dma_start3A_1375 = tpu.memref_slice %arg2[%add3A, %dma_start3A_1367, %dma_start3A_1373, %dma_start3A_1374] : memref<32x3x512x512xf32, #tpu.memory_space<hbm>> -> memref<1x1x64x512xf32, #tpu.memory_space<hbm>>
    %dma_start3A_1376 = tpu.memref_squeeze %dma_start3A_1375 : memref<1x1x64x512xf32, #tpu.memory_space<hbm>> -> memref<64x512xf32, #tpu.memory_space<hbm>>
    %dma_start3A_1377 = arith.constant 0 : i32
    %dma_start3A_1378 = arith.constant 0 : i32
    %dma_start3A_1379 = tpu.memref_slice %arg4[%dma_start3A_1368, %dma_start3A_1377, %dma_start3A_1378] : memref<3x64x512xf32, #tpu.memory_space<vmem>> -> memref<1x64x512xf32, #tpu.memory_space<vmem>>
    %dma_start3A_1380 = tpu.memref_squeeze %dma_start3A_1379 : memref<1x64x512xf32, #tpu.memory_space<vmem>> -> memref<64x512xf32, #tpu.memory_space<vmem>>
    %dma_start3A_1381 = arith.constant 256 : i32
    %dma_start3A_1382 = arith.constant 0 : i32
    %dma_start3A_1383 = tpu.memref_slice %arg2[%add3A, %dma_start3A_1367, %dma_start3A_1381, %dma_start3A_1382] : memref<32x3x512x512xf32, #tpu.memory_space<hbm>> -> memref<1x1x64x512xf32, #tpu.memory_space<hbm>>
    %dma_start3A_1384 = tpu.memref_squeeze %dma_start3A_1383 : memref<1x1x64x512xf32, #tpu.memory_space<hbm>> -> memref<64x512xf32, #tpu.memory_space<hbm>>
    tpu.enqueue_dma source(%dma_start3A_1384 : memref<64x512xf32, #tpu.memory_space<hbm>>) target(%dma_start3A_1380 : memref<64x512xf32, #tpu.memory_space<vmem>>) target_semaphore(%arg5 : memref<!tpu.dma_semaphore, #tpu.memory_space<semaphore_mem>>)
    %dma_wait3A_1385 = arith.constant 0 : i32
    %dma_wait3A_1386 = arith.constant 1 : i32
    %dma_wait3A_1387 = arith.constant 0 : i32
    %dma_wait3A_1388 = arith.constant 0 : i32
    %dma_wait3A_1389 = tpu.memref_slice %arg4[%dma_wait3A_1386, %dma_wait3A_1387, %dma_wait3A_1388] : memref<3x64x512xf32, #tpu.memory_space<vmem>> -> memref<1x64x512xf32, #tpu.memory_space<vmem>>
    %dma_wait3A_1390 = tpu.memref_squeeze %dma_wait3A_1389 : memref<1x64x512xf32, #tpu.memory_space<vmem>> -> memref<64x512xf32, #tpu.memory_space<vmem>>
    %dma_wait3A_1391 = arith.constant 192 : i32
    %dma_wait3A_1392 = arith.constant 0 : i32
    %dma_wait3A_1393 = tpu.memref_slice %arg2[%add3A, %dma_wait3A_1385, %dma_wait3A_1391, %dma_wait3A_1392] : memref<32x3x512x512xf32, #tpu.memory_space<hbm>> -> memref<1x1x64x512xf32, #tpu.memory_space<hbm>>
    %dma_wait3A_1394 = tpu.memref_squeeze %dma_wait3A_1393 : memref<1x1x64x512xf32, #tpu.memory_space<hbm>> -> memref<64x512xf32, #tpu.memory_space<hbm>>
    %dma_wait3A_1395 = arith.constant 0 : i32
    %dma_wait3A_1396 = arith.constant 0 : i32
    %dma_wait3A_1397 = tpu.memref_slice %arg4[%dma_wait3A_1386, %dma_wait3A_1395, %dma_wait3A_1396] : memref<3x64x512xf32, #tpu.memory_space<vmem>> -> memref<1x64x512xf32, #tpu.memory_space<vmem>>
    %dma_wait3A_1398 = tpu.memref_squeeze %dma_wait3A_1397 : memref<1x64x512xf32, #tpu.memory_space<vmem>> -> memref<64x512xf32, #tpu.memory_space<vmem>>
    %dma_wait3A_1399 = arith.constant 192 : i32
    %dma_wait3A_1400 = arith.constant 0 : i32
    %dma_wait3A_1401 = tpu.memref_slice %arg2[%add3A, %dma_wait3A_1385, %dma_wait3A_1399, %dma_wait3A_1400] : memref<32x3x512x512xf32, #tpu.memory_space<hbm>> -> memref<1x1x64x512xf32, #tpu.memory_space<hbm>>
    %dma_wait3A_1402 = tpu.memref_squeeze %dma_wait3A_1401 : memref<1x1x64x512xf32, #tpu.memory_space<hbm>> -> memref<64x512xf32, #tpu.memory_space<hbm>>
    tpu.wait_dma2 semaphore(%arg5 : memref<!tpu.dma_semaphore, #tpu.memory_space<semaphore_mem>>) src(%dma_wait3A_1402 : memref<64x512xf32, #tpu.memory_space<hbm>>) dst(%dma_wait3A_1398 : memref<64x512xf32, #tpu.memory_space<vmem>>)
    %dma_start3A_1403 = arith.constant 1 : i32
    %dma_start3A_1404 = arith.constant 2 : i32
    %dma_start3A_1405 = arith.constant 0 : i32
    %dma_start3A_1406 = arith.constant 0 : i32
    %dma_start3A_1407 = tpu.memref_slice %arg4[%dma_start3A_1403, %dma_start3A_1405, %dma_start3A_1406] : memref<3x64x512xf32, #tpu.memory_space<vmem>> -> memref<1x64x512xf32, #tpu.memory_space<vmem>>
    %dma_start3A_1408 = tpu.memref_squeeze %dma_start3A_1407 : memref<1x64x512xf32, #tpu.memory_space<vmem>> -> memref<64x512xf32, #tpu.memory_space<vmem>>
    %dma_start3A_1409 = arith.constant 192 : i32
    %dma_start3A_1410 = arith.constant 0 : i32
    %dma_start3A_1411 = tpu.memref_slice %arg3[%add3A, %dma_start3A_1404, %dma_start3A_1409, %dma_start3A_1410] : memref<32x3x512x512xf32, #tpu.memory_space<hbm>> -> memref<1x1x64x512xf32, #tpu.memory_space<hbm>>
    %dma_start3A_1412 = tpu.memref_squeeze %dma_start3A_1411 : memref<1x1x64x512xf32, #tpu.memory_space<hbm>> -> memref<64x512xf32, #tpu.memory_space<hbm>>
    %dma_start3A_1413 = arith.constant 192 : i32
    %dma_start3A_1414 = arith.constant 0 : i32
    %dma_start3A_1415 = tpu.memref_slice %arg3[%add3A, %dma_start3A_1404, %dma_start3A_1413, %dma_start3A_1414] : memref<32x3x512x512xf32, #tpu.memory_space<hbm>> -> memref<1x1x64x512xf32, #tpu.memory_space<hbm>>
    %dma_start3A_1416 = tpu.memref_squeeze %dma_start3A_1415 : memref<1x1x64x512xf32, #tpu.memory_space<hbm>> -> memref<64x512xf32, #tpu.memory_space<hbm>>
    %dma_start3A_1417 = arith.constant 0 : i32
    %dma_start3A_1418 = arith.constant 0 : i32
    %dma_start3A_1419 = tpu.memref_slice %arg4[%dma_start3A_1403, %dma_start3A_1417, %dma_start3A_1418] : memref<3x64x512xf32, #tpu.memory_space<vmem>> -> memref<1x64x512xf32, #tpu.memory_space<vmem>>
    %dma_start3A_1420 = tpu.memref_squeeze %dma_start3A_1419 : memref<1x64x512xf32, #tpu.memory_space<vmem>> -> memref<64x512xf32, #tpu.memory_space<vmem>>
    tpu.enqueue_dma source(%dma_start3A_1420 : memref<64x512xf32, #tpu.memory_space<vmem>>) target(%dma_start3A_1416 : memref<64x512xf32, #tpu.memory_space<hbm>>) target_semaphore(%arg7 : memref<!tpu.dma_semaphore, #tpu.memory_space<semaphore_mem>>)
    %dma_wait3A_1421 = arith.constant 0 : i32
    %dma_wait3A_1422 = arith.constant 2 : i32
    %dma_wait3A_1423 = arith.constant 0 : i32
    %dma_wait3A_1424 = arith.constant 0 : i32
    %dma_wait3A_1425 = tpu.memref_slice %arg4[%dma_wait3A_1421, %dma_wait3A_1423, %dma_wait3A_1424] : memref<3x64x512xf32, #tpu.memory_space<vmem>> -> memref<1x64x512xf32, #tpu.memory_space<vmem>>
    %dma_wait3A_1426 = tpu.memref_squeeze %dma_wait3A_1425 : memref<1x64x512xf32, #tpu.memory_space<vmem>> -> memref<64x512xf32, #tpu.memory_space<vmem>>
    %dma_wait3A_1427 = arith.constant 128 : i32
    %dma_wait3A_1428 = arith.constant 0 : i32
    %dma_wait3A_1429 = tpu.memref_slice %arg3[%add3A, %dma_wait3A_1422, %dma_wait3A_1427, %dma_wait3A_1428] : memref<32x3x512x512xf32, #tpu.memory_space<hbm>> -> memref<1x1x64x512xf32, #tpu.memory_space<hbm>>
    %dma_wait3A_1430 = tpu.memref_squeeze %dma_wait3A_1429 : memref<1x1x64x512xf32, #tpu.memory_space<hbm>> -> memref<64x512xf32, #tpu.memory_space<hbm>>
    %dma_wait3A_1431 = arith.constant 128 : i32
    %dma_wait3A_1432 = arith.constant 0 : i32
    %dma_wait3A_1433 = tpu.memref_slice %arg3[%add3A, %dma_wait3A_1422, %dma_wait3A_1431, %dma_wait3A_1432] : memref<32x3x512x512xf32, #tpu.memory_space<hbm>> -> memref<1x1x64x512xf32, #tpu.memory_space<hbm>>
    %dma_wait3A_1434 = tpu.memref_squeeze %dma_wait3A_1433 : memref<1x1x64x512xf32, #tpu.memory_space<hbm>> -> memref<64x512xf32, #tpu.memory_space<hbm>>
    %dma_wait3A_1435 = arith.constant 0 : i32
    %dma_wait3A_1436 = arith.constant 0 : i32
    %dma_wait3A_1437 = tpu.memref_slice %arg4[%dma_wait3A_1421, %dma_wait3A_1435, %dma_wait3A_1436] : memref<3x64x512xf32, #tpu.memory_space<vmem>> -> memref<1x64x512xf32, #tpu.memory_space<vmem>>
    %dma_wait3A_1438 = tpu.memref_squeeze %dma_wait3A_1437 : memref<1x64x512xf32, #tpu.memory_space<vmem>> -> memref<64x512xf32, #tpu.memory_space<vmem>>
    tpu.wait_dma2 semaphore(%arg6 : memref<!tpu.dma_semaphore, #tpu.memory_space<semaphore_mem>>) src(%dma_wait3A_1438 : memref<64x512xf32, #tpu.memory_space<vmem>>) dst(%dma_wait3A_1434 : memref<64x512xf32, #tpu.memory_space<hbm>>)
    %dma_start3A_1439 = arith.constant 0 : i32
    %dma_start3A_1440 = arith.constant 0 : i32
    %dma_start3A_1441 = arith.constant 0 : i32
    %dma_start3A_1442 = arith.constant 0 : i32
    %dma_start3A_1443 = tpu.memref_slice %arg4[%dma_start3A_1440, %dma_start3A_1441, %dma_start3A_1442] : memref<3x64x512xf32, #tpu.memory_space<vmem>> -> memref<1x64x512xf32, #tpu.memory_space<vmem>>
    %dma_start3A_1444 = tpu.memref_squeeze %dma_start3A_1443 : memref<1x64x512xf32, #tpu.memory_space<vmem>> -> memref<64x512xf32, #tpu.memory_space<vmem>>
    %dma_start3A_1445 = arith.constant 320 : i32
    %dma_start3A_1446 = arith.constant 0 : i32
    %dma_start3A_1447 = tpu.memref_slice %arg2[%add3A, %dma_start3A_1439, %dma_start3A_1445, %dma_start3A_1446] : memref<32x3x512x512xf32, #tpu.memory_space<hbm>> -> memref<1x1x64x512xf32, #tpu.memory_space<hbm>>
    %dma_start3A_1448 = tpu.memref_squeeze %dma_start3A_1447 : memref<1x1x64x512xf32, #tpu.memory_space<hbm>> -> memref<64x512xf32, #tpu.memory_space<hbm>>
    %dma_start3A_1449 = arith.constant 0 : i32
    %dma_start3A_1450 = arith.constant 0 : i32
    %dma_start3A_1451 = tpu.memref_slice %arg4[%dma_start3A_1440, %dma_start3A_1449, %dma_start3A_1450] : memref<3x64x512xf32, #tpu.memory_space<vmem>> -> memref<1x64x512xf32, #tpu.memory_space<vmem>>
    %dma_start3A_1452 = tpu.memref_squeeze %dma_start3A_1451 : memref<1x64x512xf32, #tpu.memory_space<vmem>> -> memref<64x512xf32, #tpu.memory_space<vmem>>
    %dma_start3A_1453 = arith.constant 320 : i32
    %dma_start3A_1454 = arith.constant 0 : i32
    %dma_start3A_1455 = tpu.memref_slice %arg2[%add3A, %dma_start3A_1439, %dma_start3A_1453, %dma_start3A_1454] : memref<32x3x512x512xf32, #tpu.memory_space<hbm>> -> memref<1x1x64x512xf32, #tpu.memory_space<hbm>>
    %dma_start3A_1456 = tpu.memref_squeeze %dma_start3A_1455 : memref<1x1x64x512xf32, #tpu.memory_space<hbm>> -> memref<64x512xf32, #tpu.memory_space<hbm>>
    tpu.enqueue_dma source(%dma_start3A_1456 : memref<64x512xf32, #tpu.memory_space<hbm>>) target(%dma_start3A_1452 : memref<64x512xf32, #tpu.memory_space<vmem>>) target_semaphore(%arg5 : memref<!tpu.dma_semaphore, #tpu.memory_space<semaphore_mem>>)
    %dma_wait3A_1457 = arith.constant 0 : i32
    %dma_wait3A_1458 = arith.constant 2 : i32
    %dma_wait3A_1459 = arith.constant 0 : i32
    %dma_wait3A_1460 = arith.constant 0 : i32
    %dma_wait3A_1461 = tpu.memref_slice %arg4[%dma_wait3A_1458, %dma_wait3A_1459, %dma_wait3A_1460] : memref<3x64x512xf32, #tpu.memory_space<vmem>> -> memref<1x64x512xf32, #tpu.memory_space<vmem>>
    %dma_wait3A_1462 = tpu.memref_squeeze %dma_wait3A_1461 : memref<1x64x512xf32, #tpu.memory_space<vmem>> -> memref<64x512xf32, #tpu.memory_space<vmem>>
    %dma_wait3A_1463 = arith.constant 256 : i32
    %dma_wait3A_1464 = arith.constant 0 : i32
    %dma_wait3A_1465 = tpu.memref_slice %arg2[%add3A, %dma_wait3A_1457, %dma_wait3A_1463, %dma_wait3A_1464] : memref<32x3x512x512xf32, #tpu.memory_space<hbm>> -> memref<1x1x64x512xf32, #tpu.memory_space<hbm>>
    %dma_wait3A_1466 = tpu.memref_squeeze %dma_wait3A_1465 : memref<1x1x64x512xf32, #tpu.memory_space<hbm>> -> memref<64x512xf32, #tpu.memory_space<hbm>>
    %dma_wait3A_1467 = arith.constant 0 : i32
    %dma_wait3A_1468 = arith.constant 0 : i32
    %dma_wait3A_1469 = tpu.memref_slice %arg4[%dma_wait3A_1458, %dma_wait3A_1467, %dma_wait3A_1468] : memref<3x64x512xf32, #tpu.memory_space<vmem>> -> memref<1x64x512xf32, #tpu.memory_space<vmem>>
    %dma_wait3A_1470 = tpu.memref_squeeze %dma_wait3A_1469 : memref<1x64x512xf32, #tpu.memory_space<vmem>> -> memref<64x512xf32, #tpu.memory_space<vmem>>
    %dma_wait3A_1471 = arith.constant 256 : i32
    %dma_wait3A_1472 = arith.constant 0 : i32
    %dma_wait3A_1473 = tpu.memref_slice %arg2[%add3A, %dma_wait3A_1457, %dma_wait3A_1471, %dma_wait3A_1472] : memref<32x3x512x512xf32, #tpu.memory_space<hbm>> -> memref<1x1x64x512xf32, #tpu.memory_space<hbm>>
    %dma_wait3A_1474 = tpu.memref_squeeze %dma_wait3A_1473 : memref<1x1x64x512xf32, #tpu.memory_space<hbm>> -> memref<64x512xf32, #tpu.memory_space<hbm>>
    tpu.wait_dma2 semaphore(%arg5 : memref<!tpu.dma_semaphore, #tpu.memory_space<semaphore_mem>>) src(%dma_wait3A_1474 : memref<64x512xf32, #tpu.memory_space<hbm>>) dst(%dma_wait3A_1470 : memref<64x512xf32, #tpu.memory_space<vmem>>)
    %dma_start3A_1475 = arith.constant 2 : i32
    %dma_start3A_1476 = arith.constant 2 : i32
    %dma_start3A_1477 = arith.constant 0 : i32
    %dma_start3A_1478 = arith.constant 0 : i32
    %dma_start3A_1479 = tpu.memref_slice %arg4[%dma_start3A_1475, %dma_start3A_1477, %dma_start3A_1478] : memref<3x64x512xf32, #tpu.memory_space<vmem>> -> memref<1x64x512xf32, #tpu.memory_space<vmem>>
    %dma_start3A_1480 = tpu.memref_squeeze %dma_start3A_1479 : memref<1x64x512xf32, #tpu.memory_space<vmem>> -> memref<64x512xf32, #tpu.memory_space<vmem>>
    %dma_start3A_1481 = arith.constant 256 : i32
    %dma_start3A_1482 = arith.constant 0 : i32
    %dma_start3A_1483 = tpu.memref_slice %arg3[%add3A, %dma_start3A_1476, %dma_start3A_1481, %dma_start3A_1482] : memref<32x3x512x512xf32, #tpu.memory_space<hbm>> -> memref<1x1x64x512xf32, #tpu.memory_space<hbm>>
    %dma_start3A_1484 = tpu.memref_squeeze %dma_start3A_1483 : memref<1x1x64x512xf32, #tpu.memory_space<hbm>> -> memref<64x512xf32, #tpu.memory_space<hbm>>
    %dma_start3A_1485 = arith.constant 256 : i32
    %dma_start3A_1486 = arith.constant 0 : i32
    %dma_start3A_1487 = tpu.memref_slice %arg3[%add3A, %dma_start3A_1476, %dma_start3A_1485, %dma_start3A_1486] : memref<32x3x512x512xf32, #tpu.memory_space<hbm>> -> memref<1x1x64x512xf32, #tpu.memory_space<hbm>>
    %dma_start3A_1488 = tpu.memref_squeeze %dma_start3A_1487 : memref<1x1x64x512xf32, #tpu.memory_space<hbm>> -> memref<64x512xf32, #tpu.memory_space<hbm>>
    %dma_start3A_1489 = arith.constant 0 : i32
    %dma_start3A_1490 = arith.constant 0 : i32
    %dma_start3A_1491 = tpu.memref_slice %arg4[%dma_start3A_1475, %dma_start3A_1489, %dma_start3A_1490] : memref<3x64x512xf32, #tpu.memory_space<vmem>> -> memref<1x64x512xf32, #tpu.memory_space<vmem>>
    %dma_start3A_1492 = tpu.memref_squeeze %dma_start3A_1491 : memref<1x64x512xf32, #tpu.memory_space<vmem>> -> memref<64x512xf32, #tpu.memory_space<vmem>>
    tpu.enqueue_dma source(%dma_start3A_1492 : memref<64x512xf32, #tpu.memory_space<vmem>>) target(%dma_start3A_1488 : memref<64x512xf32, #tpu.memory_space<hbm>>) target_semaphore(%arg8 : memref<!tpu.dma_semaphore, #tpu.memory_space<semaphore_mem>>)
    %dma_wait3A_1493 = arith.constant 1 : i32
    %dma_wait3A_1494 = arith.constant 2 : i32
    %dma_wait3A_1495 = arith.constant 0 : i32
    %dma_wait3A_1496 = arith.constant 0 : i32
    %dma_wait3A_1497 = tpu.memref_slice %arg4[%dma_wait3A_1493, %dma_wait3A_1495, %dma_wait3A_1496] : memref<3x64x512xf32, #tpu.memory_space<vmem>> -> memref<1x64x512xf32, #tpu.memory_space<vmem>>
    %dma_wait3A_1498 = tpu.memref_squeeze %dma_wait3A_1497 : memref<1x64x512xf32, #tpu.memory_space<vmem>> -> memref<64x512xf32, #tpu.memory_space<vmem>>
    %dma_wait3A_1499 = arith.constant 192 : i32
    %dma_wait3A_1500 = arith.constant 0 : i32
    %dma_wait3A_1501 = tpu.memref_slice %arg3[%add3A, %dma_wait3A_1494, %dma_wait3A_1499, %dma_wait3A_1500] : memref<32x3x512x512xf32, #tpu.memory_space<hbm>> -> memref<1x1x64x512xf32, #tpu.memory_space<hbm>>
    %dma_wait3A_1502 = tpu.memref_squeeze %dma_wait3A_1501 : memref<1x1x64x512xf32, #tpu.memory_space<hbm>> -> memref<64x512xf32, #tpu.memory_space<hbm>>
    %dma_wait3A_1503 = arith.constant 192 : i32
    %dma_wait3A_1504 = arith.constant 0 : i32
    %dma_wait3A_1505 = tpu.memref_slice %arg3[%add3A, %dma_wait3A_1494, %dma_wait3A_1503, %dma_wait3A_1504] : memref<32x3x512x512xf32, #tpu.memory_space<hbm>> -> memref<1x1x64x512xf32, #tpu.memory_space<hbm>>
    %dma_wait3A_1506 = tpu.memref_squeeze %dma_wait3A_1505 : memref<1x1x64x512xf32, #tpu.memory_space<hbm>> -> memref<64x512xf32, #tpu.memory_space<hbm>>
    %dma_wait3A_1507 = arith.constant 0 : i32
    %dma_wait3A_1508 = arith.constant 0 : i32
    %dma_wait3A_1509 = tpu.memref_slice %arg4[%dma_wait3A_1493, %dma_wait3A_1507, %dma_wait3A_1508] : memref<3x64x512xf32, #tpu.memory_space<vmem>> -> memref<1x64x512xf32, #tpu.memory_space<vmem>>
    %dma_wait3A_1510 = tpu.memref_squeeze %dma_wait3A_1509 : memref<1x64x512xf32, #tpu.memory_space<vmem>> -> memref<64x512xf32, #tpu.memory_space<vmem>>
    tpu.wait_dma2 semaphore(%arg7 : memref<!tpu.dma_semaphore, #tpu.memory_space<semaphore_mem>>) src(%dma_wait3A_1510 : memref<64x512xf32, #tpu.memory_space<vmem>>) dst(%dma_wait3A_1506 : memref<64x512xf32, #tpu.memory_space<hbm>>)
    %dma_start3A_1511 = arith.constant 0 : i32
    %dma_start3A_1512 = arith.constant 1 : i32
    %dma_start3A_1513 = arith.constant 0 : i32
    %dma_start3A_1514 = arith.constant 0 : i32
    %dma_start3A_1515 = tpu.memref_slice %arg4[%dma_start3A_1512, %dma_start3A_1513, %dma_start3A_1514] : memref<3x64x512xf32, #tpu.memory_space<vmem>> -> memref<1x64x512xf32, #tpu.memory_space<vmem>>
    %dma_start3A_1516 = tpu.memref_squeeze %dma_start3A_1515 : memref<1x64x512xf32, #tpu.memory_space<vmem>> -> memref<64x512xf32, #tpu.memory_space<vmem>>
    %dma_start3A_1517 = arith.constant 384 : i32
    %dma_start3A_1518 = arith.constant 0 : i32
    %dma_start3A_1519 = tpu.memref_slice %arg2[%add3A, %dma_start3A_1511, %dma_start3A_1517, %dma_start3A_1518] : memref<32x3x512x512xf32, #tpu.memory_space<hbm>> -> memref<1x1x64x512xf32, #tpu.memory_space<hbm>>
    %dma_start3A_1520 = tpu.memref_squeeze %dma_start3A_1519 : memref<1x1x64x512xf32, #tpu.memory_space<hbm>> -> memref<64x512xf32, #tpu.memory_space<hbm>>
    %dma_start3A_1521 = arith.constant 0 : i32
    %dma_start3A_1522 = arith.constant 0 : i32
    %dma_start3A_1523 = tpu.memref_slice %arg4[%dma_start3A_1512, %dma_start3A_1521, %dma_start3A_1522] : memref<3x64x512xf32, #tpu.memory_space<vmem>> -> memref<1x64x512xf32, #tpu.memory_space<vmem>>
    %dma_start3A_1524 = tpu.memref_squeeze %dma_start3A_1523 : memref<1x64x512xf32, #tpu.memory_space<vmem>> -> memref<64x512xf32, #tpu.memory_space<vmem>>
    %dma_start3A_1525 = arith.constant 384 : i32
    %dma_start3A_1526 = arith.constant 0 : i32
    %dma_start3A_1527 = tpu.memref_slice %arg2[%add3A, %dma_start3A_1511, %dma_start3A_1525, %dma_start3A_1526] : memref<32x3x512x512xf32, #tpu.memory_space<hbm>> -> memref<1x1x64x512xf32, #tpu.memory_space<hbm>>
    %dma_start3A_1528 = tpu.memref_squeeze %dma_start3A_1527 : memref<1x1x64x512xf32, #tpu.memory_space<hbm>> -> memref<64x512xf32, #tpu.memory_space<hbm>>
    tpu.enqueue_dma source(%dma_start3A_1528 : memref<64x512xf32, #tpu.memory_space<hbm>>) target(%dma_start3A_1524 : memref<64x512xf32, #tpu.memory_space<vmem>>) target_semaphore(%arg5 : memref<!tpu.dma_semaphore, #tpu.memory_space<semaphore_mem>>)
    %dma_wait3A_1529 = arith.constant 0 : i32
    %dma_wait3A_1530 = arith.constant 0 : i32
    %dma_wait3A_1531 = arith.constant 0 : i32
    %dma_wait3A_1532 = arith.constant 0 : i32
    %dma_wait3A_1533 = tpu.memref_slice %arg4[%dma_wait3A_1530, %dma_wait3A_1531, %dma_wait3A_1532] : memref<3x64x512xf32, #tpu.memory_space<vmem>> -> memref<1x64x512xf32, #tpu.memory_space<vmem>>
    %dma_wait3A_1534 = tpu.memref_squeeze %dma_wait3A_1533 : memref<1x64x512xf32, #tpu.memory_space<vmem>> -> memref<64x512xf32, #tpu.memory_space<vmem>>
    %dma_wait3A_1535 = arith.constant 320 : i32
    %dma_wait3A_1536 = arith.constant 0 : i32
    %dma_wait3A_1537 = tpu.memref_slice %arg2[%add3A, %dma_wait3A_1529, %dma_wait3A_1535, %dma_wait3A_1536] : memref<32x3x512x512xf32, #tpu.memory_space<hbm>> -> memref<1x1x64x512xf32, #tpu.memory_space<hbm>>
    %dma_wait3A_1538 = tpu.memref_squeeze %dma_wait3A_1537 : memref<1x1x64x512xf32, #tpu.memory_space<hbm>> -> memref<64x512xf32, #tpu.memory_space<hbm>>
    %dma_wait3A_1539 = arith.constant 0 : i32
    %dma_wait3A_1540 = arith.constant 0 : i32
    %dma_wait3A_1541 = tpu.memref_slice %arg4[%dma_wait3A_1530, %dma_wait3A_1539, %dma_wait3A_1540] : memref<3x64x512xf32, #tpu.memory_space<vmem>> -> memref<1x64x512xf32, #tpu.memory_space<vmem>>
    %dma_wait3A_1542 = tpu.memref_squeeze %dma_wait3A_1541 : memref<1x64x512xf32, #tpu.memory_space<vmem>> -> memref<64x512xf32, #tpu.memory_space<vmem>>
    %dma_wait3A_1543 = arith.constant 320 : i32
    %dma_wait3A_1544 = arith.constant 0 : i32
    %dma_wait3A_1545 = tpu.memref_slice %arg2[%add3A, %dma_wait3A_1529, %dma_wait3A_1543, %dma_wait3A_1544] : memref<32x3x512x512xf32, #tpu.memory_space<hbm>> -> memref<1x1x64x512xf32, #tpu.memory_space<hbm>>
    %dma_wait3A_1546 = tpu.memref_squeeze %dma_wait3A_1545 : memref<1x1x64x512xf32, #tpu.memory_space<hbm>> -> memref<64x512xf32, #tpu.memory_space<hbm>>
    tpu.wait_dma2 semaphore(%arg5 : memref<!tpu.dma_semaphore, #tpu.memory_space<semaphore_mem>>) src(%dma_wait3A_1546 : memref<64x512xf32, #tpu.memory_space<hbm>>) dst(%dma_wait3A_1542 : memref<64x512xf32, #tpu.memory_space<vmem>>)
    %dma_start3A_1547 = arith.constant 0 : i32
    %dma_start3A_1548 = arith.constant 2 : i32
    %dma_start3A_1549 = arith.constant 0 : i32
    %dma_start3A_1550 = arith.constant 0 : i32
    %dma_start3A_1551 = tpu.memref_slice %arg4[%dma_start3A_1547, %dma_start3A_1549, %dma_start3A_1550] : memref<3x64x512xf32, #tpu.memory_space<vmem>> -> memref<1x64x512xf32, #tpu.memory_space<vmem>>
    %dma_start3A_1552 = tpu.memref_squeeze %dma_start3A_1551 : memref<1x64x512xf32, #tpu.memory_space<vmem>> -> memref<64x512xf32, #tpu.memory_space<vmem>>
    %dma_start3A_1553 = arith.constant 320 : i32
    %dma_start3A_1554 = arith.constant 0 : i32
    %dma_start3A_1555 = tpu.memref_slice %arg3[%add3A, %dma_start3A_1548, %dma_start3A_1553, %dma_start3A_1554] : memref<32x3x512x512xf32, #tpu.memory_space<hbm>> -> memref<1x1x64x512xf32, #tpu.memory_space<hbm>>
    %dma_start3A_1556 = tpu.memref_squeeze %dma_start3A_1555 : memref<1x1x64x512xf32, #tpu.memory_space<hbm>> -> memref<64x512xf32, #tpu.memory_space<hbm>>
    %dma_start3A_1557 = arith.constant 320 : i32
    %dma_start3A_1558 = arith.constant 0 : i32
    %dma_start3A_1559 = tpu.memref_slice %arg3[%add3A, %dma_start3A_1548, %dma_start3A_1557, %dma_start3A_1558] : memref<32x3x512x512xf32, #tpu.memory_space<hbm>> -> memref<1x1x64x512xf32, #tpu.memory_space<hbm>>
    %dma_start3A_1560 = tpu.memref_squeeze %dma_start3A_1559 : memref<1x1x64x512xf32, #tpu.memory_space<hbm>> -> memref<64x512xf32, #tpu.memory_space<hbm>>
    %dma_start3A_1561 = arith.constant 0 : i32
    %dma_start3A_1562 = arith.constant 0 : i32
    %dma_start3A_1563 = tpu.memref_slice %arg4[%dma_start3A_1547, %dma_start3A_1561, %dma_start3A_1562] : memref<3x64x512xf32, #tpu.memory_space<vmem>> -> memref<1x64x512xf32, #tpu.memory_space<vmem>>
    %dma_start3A_1564 = tpu.memref_squeeze %dma_start3A_1563 : memref<1x64x512xf32, #tpu.memory_space<vmem>> -> memref<64x512xf32, #tpu.memory_space<vmem>>
    tpu.enqueue_dma source(%dma_start3A_1564 : memref<64x512xf32, #tpu.memory_space<vmem>>) target(%dma_start3A_1560 : memref<64x512xf32, #tpu.memory_space<hbm>>) target_semaphore(%arg6 : memref<!tpu.dma_semaphore, #tpu.memory_space<semaphore_mem>>)
    %dma_wait3A_1565 = arith.constant 2 : i32
    %dma_wait3A_1566 = arith.constant 2 : i32
    %dma_wait3A_1567 = arith.constant 0 : i32
    %dma_wait3A_1568 = arith.constant 0 : i32
    %dma_wait3A_1569 = tpu.memref_slice %arg4[%dma_wait3A_1565, %dma_wait3A_1567, %dma_wait3A_1568] : memref<3x64x512xf32, #tpu.memory_space<vmem>> -> memref<1x64x512xf32, #tpu.memory_space<vmem>>
    %dma_wait3A_1570 = tpu.memref_squeeze %dma_wait3A_1569 : memref<1x64x512xf32, #tpu.memory_space<vmem>> -> memref<64x512xf32, #tpu.memory_space<vmem>>
    %dma_wait3A_1571 = arith.constant 256 : i32
    %dma_wait3A_1572 = arith.constant 0 : i32
    %dma_wait3A_1573 = tpu.memref_slice %arg3[%add3A, %dma_wait3A_1566, %dma_wait3A_1571, %dma_wait3A_1572] : memref<32x3x512x512xf32, #tpu.memory_space<hbm>> -> memref<1x1x64x512xf32, #tpu.memory_space<hbm>>
    %dma_wait3A_1574 = tpu.memref_squeeze %dma_wait3A_1573 : memref<1x1x64x512xf32, #tpu.memory_space<hbm>> -> memref<64x512xf32, #tpu.memory_space<hbm>>
    %dma_wait3A_1575 = arith.constant 256 : i32
    %dma_wait3A_1576 = arith.constant 0 : i32
    %dma_wait3A_1577 = tpu.memref_slice %arg3[%add3A, %dma_wait3A_1566, %dma_wait3A_1575, %dma_wait3A_1576] : memref<32x3x512x512xf32, #tpu.memory_space<hbm>> -> memref<1x1x64x512xf32, #tpu.memory_space<hbm>>
    %dma_wait3A_1578 = tpu.memref_squeeze %dma_wait3A_1577 : memref<1x1x64x512xf32, #tpu.memory_space<hbm>> -> memref<64x512xf32, #tpu.memory_space<hbm>>
    %dma_wait3A_1579 = arith.constant 0 : i32
    %dma_wait3A_1580 = arith.constant 0 : i32
    %dma_wait3A_1581 = tpu.memref_slice %arg4[%dma_wait3A_1565, %dma_wait3A_1579, %dma_wait3A_1580] : memref<3x64x512xf32, #tpu.memory_space<vmem>> -> memref<1x64x512xf32, #tpu.memory_space<vmem>>
    %dma_wait3A_1582 = tpu.memref_squeeze %dma_wait3A_1581 : memref<1x64x512xf32, #tpu.memory_space<vmem>> -> memref<64x512xf32, #tpu.memory_space<vmem>>
    tpu.wait_dma2 semaphore(%arg8 : memref<!tpu.dma_semaphore, #tpu.memory_space<semaphore_mem>>) src(%dma_wait3A_1582 : memref<64x512xf32, #tpu.memory_space<vmem>>) dst(%dma_wait3A_1578 : memref<64x512xf32, #tpu.memory_space<hbm>>)
    %dma_start3A_1583 = arith.constant 0 : i32
    %dma_start3A_1584 = arith.constant 2 : i32
    %dma_start3A_1585 = arith.constant 0 : i32
    %dma_start3A_1586 = arith.constant 0 : i32
    %dma_start3A_1587 = tpu.memref_slice %arg4[%dma_start3A_1584, %dma_start3A_1585, %dma_start3A_1586] : memref<3x64x512xf32, #tpu.memory_space<vmem>> -> memref<1x64x512xf32, #tpu.memory_space<vmem>>
    %dma_start3A_1588 = tpu.memref_squeeze %dma_start3A_1587 : memref<1x64x512xf32, #tpu.memory_space<vmem>> -> memref<64x512xf32, #tpu.memory_space<vmem>>
    %dma_start3A_1589 = arith.constant 448 : i32
    %dma_start3A_1590 = arith.constant 0 : i32
    %dma_start3A_1591 = tpu.memref_slice %arg2[%add3A, %dma_start3A_1583, %dma_start3A_1589, %dma_start3A_1590] : memref<32x3x512x512xf32, #tpu.memory_space<hbm>> -> memref<1x1x64x512xf32, #tpu.memory_space<hbm>>
    %dma_start3A_1592 = tpu.memref_squeeze %dma_start3A_1591 : memref<1x1x64x512xf32, #tpu.memory_space<hbm>> -> memref<64x512xf32, #tpu.memory_space<hbm>>
    %dma_start3A_1593 = arith.constant 0 : i32
    %dma_start3A_1594 = arith.constant 0 : i32
    %dma_start3A_1595 = tpu.memref_slice %arg4[%dma_start3A_1584, %dma_start3A_1593, %dma_start3A_1594] : memref<3x64x512xf32, #tpu.memory_space<vmem>> -> memref<1x64x512xf32, #tpu.memory_space<vmem>>
    %dma_start3A_1596 = tpu.memref_squeeze %dma_start3A_1595 : memref<1x64x512xf32, #tpu.memory_space<vmem>> -> memref<64x512xf32, #tpu.memory_space<vmem>>
    %dma_start3A_1597 = arith.constant 448 : i32
    %dma_start3A_1598 = arith.constant 0 : i32
    %dma_start3A_1599 = tpu.memref_slice %arg2[%add3A, %dma_start3A_1583, %dma_start3A_1597, %dma_start3A_1598] : memref<32x3x512x512xf32, #tpu.memory_space<hbm>> -> memref<1x1x64x512xf32, #tpu.memory_space<hbm>>
    %dma_start3A_1600 = tpu.memref_squeeze %dma_start3A_1599 : memref<1x1x64x512xf32, #tpu.memory_space<hbm>> -> memref<64x512xf32, #tpu.memory_space<hbm>>
    tpu.enqueue_dma source(%dma_start3A_1600 : memref<64x512xf32, #tpu.memory_space<hbm>>) target(%dma_start3A_1596 : memref<64x512xf32, #tpu.memory_space<vmem>>) target_semaphore(%arg5 : memref<!tpu.dma_semaphore, #tpu.memory_space<semaphore_mem>>)
    %dma_wait3A_1601 = arith.constant 0 : i32
    %dma_wait3A_1602 = arith.constant 1 : i32
    %dma_wait3A_1603 = arith.constant 0 : i32
    %dma_wait3A_1604 = arith.constant 0 : i32
    %dma_wait3A_1605 = tpu.memref_slice %arg4[%dma_wait3A_1602, %dma_wait3A_1603, %dma_wait3A_1604] : memref<3x64x512xf32, #tpu.memory_space<vmem>> -> memref<1x64x512xf32, #tpu.memory_space<vmem>>
    %dma_wait3A_1606 = tpu.memref_squeeze %dma_wait3A_1605 : memref<1x64x512xf32, #tpu.memory_space<vmem>> -> memref<64x512xf32, #tpu.memory_space<vmem>>
    %dma_wait3A_1607 = arith.constant 384 : i32
    %dma_wait3A_1608 = arith.constant 0 : i32
    %dma_wait3A_1609 = tpu.memref_slice %arg2[%add3A, %dma_wait3A_1601, %dma_wait3A_1607, %dma_wait3A_1608] : memref<32x3x512x512xf32, #tpu.memory_space<hbm>> -> memref<1x1x64x512xf32, #tpu.memory_space<hbm>>
    %dma_wait3A_1610 = tpu.memref_squeeze %dma_wait3A_1609 : memref<1x1x64x512xf32, #tpu.memory_space<hbm>> -> memref<64x512xf32, #tpu.memory_space<hbm>>
    %dma_wait3A_1611 = arith.constant 0 : i32
    %dma_wait3A_1612 = arith.constant 0 : i32
    %dma_wait3A_1613 = tpu.memref_slice %arg4[%dma_wait3A_1602, %dma_wait3A_1611, %dma_wait3A_1612] : memref<3x64x512xf32, #tpu.memory_space<vmem>> -> memref<1x64x512xf32, #tpu.memory_space<vmem>>
    %dma_wait3A_1614 = tpu.memref_squeeze %dma_wait3A_1613 : memref<1x64x512xf32, #tpu.memory_space<vmem>> -> memref<64x512xf32, #tpu.memory_space<vmem>>
    %dma_wait3A_1615 = arith.constant 384 : i32
    %dma_wait3A_1616 = arith.constant 0 : i32
    %dma_wait3A_1617 = tpu.memref_slice %arg2[%add3A, %dma_wait3A_1601, %dma_wait3A_1615, %dma_wait3A_1616] : memref<32x3x512x512xf32, #tpu.memory_space<hbm>> -> memref<1x1x64x512xf32, #tpu.memory_space<hbm>>
    %dma_wait3A_1618 = tpu.memref_squeeze %dma_wait3A_1617 : memref<1x1x64x512xf32, #tpu.memory_space<hbm>> -> memref<64x512xf32, #tpu.memory_space<hbm>>
    tpu.wait_dma2 semaphore(%arg5 : memref<!tpu.dma_semaphore, #tpu.memory_space<semaphore_mem>>) src(%dma_wait3A_1618 : memref<64x512xf32, #tpu.memory_space<hbm>>) dst(%dma_wait3A_1614 : memref<64x512xf32, #tpu.memory_space<vmem>>)
    %dma_start3A_1619 = arith.constant 1 : i32
    %dma_start3A_1620 = arith.constant 2 : i32
    %dma_start3A_1621 = arith.constant 0 : i32
    %dma_start3A_1622 = arith.constant 0 : i32
    %dma_start3A_1623 = tpu.memref_slice %arg4[%dma_start3A_1619, %dma_start3A_1621, %dma_start3A_1622] : memref<3x64x512xf32, #tpu.memory_space<vmem>> -> memref<1x64x512xf32, #tpu.memory_space<vmem>>
    %dma_start3A_1624 = tpu.memref_squeeze %dma_start3A_1623 : memref<1x64x512xf32, #tpu.memory_space<vmem>> -> memref<64x512xf32, #tpu.memory_space<vmem>>
    %dma_start3A_1625 = arith.constant 384 : i32
    %dma_start3A_1626 = arith.constant 0 : i32
    %dma_start3A_1627 = tpu.memref_slice %arg3[%add3A, %dma_start3A_1620, %dma_start3A_1625, %dma_start3A_1626] : memref<32x3x512x512xf32, #tpu.memory_space<hbm>> -> memref<1x1x64x512xf32, #tpu.memory_space<hbm>>
    %dma_start3A_1628 = tpu.memref_squeeze %dma_start3A_1627 : memref<1x1x64x512xf32, #tpu.memory_space<hbm>> -> memref<64x512xf32, #tpu.memory_space<hbm>>
    %dma_start3A_1629 = arith.constant 384 : i32
    %dma_start3A_1630 = arith.constant 0 : i32
    %dma_start3A_1631 = tpu.memref_slice %arg3[%add3A, %dma_start3A_1620, %dma_start3A_1629, %dma_start3A_1630] : memref<32x3x512x512xf32, #tpu.memory_space<hbm>> -> memref<1x1x64x512xf32, #tpu.memory_space<hbm>>
    %dma_start3A_1632 = tpu.memref_squeeze %dma_start3A_1631 : memref<1x1x64x512xf32, #tpu.memory_space<hbm>> -> memref<64x512xf32, #tpu.memory_space<hbm>>
    %dma_start3A_1633 = arith.constant 0 : i32
    %dma_start3A_1634 = arith.constant 0 : i32
    %dma_start3A_1635 = tpu.memref_slice %arg4[%dma_start3A_1619, %dma_start3A_1633, %dma_start3A_1634] : memref<3x64x512xf32, #tpu.memory_space<vmem>> -> memref<1x64x512xf32, #tpu.memory_space<vmem>>
    %dma_start3A_1636 = tpu.memref_squeeze %dma_start3A_1635 : memref<1x64x512xf32, #tpu.memory_space<vmem>> -> memref<64x512xf32, #tpu.memory_space<vmem>>
    tpu.enqueue_dma source(%dma_start3A_1636 : memref<64x512xf32, #tpu.memory_space<vmem>>) target(%dma_start3A_1632 : memref<64x512xf32, #tpu.memory_space<hbm>>) target_semaphore(%arg7 : memref<!tpu.dma_semaphore, #tpu.memory_space<semaphore_mem>>)
    %dma_wait3A_1637 = arith.constant 0 : i32
    %dma_wait3A_1638 = arith.constant 2 : i32
    %dma_wait3A_1639 = arith.constant 0 : i32
    %dma_wait3A_1640 = arith.constant 0 : i32
    %dma_wait3A_1641 = tpu.memref_slice %arg4[%dma_wait3A_1638, %dma_wait3A_1639, %dma_wait3A_1640] : memref<3x64x512xf32, #tpu.memory_space<vmem>> -> memref<1x64x512xf32, #tpu.memory_space<vmem>>
    %dma_wait3A_1642 = tpu.memref_squeeze %dma_wait3A_1641 : memref<1x64x512xf32, #tpu.memory_space<vmem>> -> memref<64x512xf32, #tpu.memory_space<vmem>>
    %dma_wait3A_1643 = arith.constant 448 : i32
    %dma_wait3A_1644 = arith.constant 0 : i32
    %dma_wait3A_1645 = tpu.memref_slice %arg2[%add3A, %dma_wait3A_1637, %dma_wait3A_1643, %dma_wait3A_1644] : memref<32x3x512x512xf32, #tpu.memory_space<hbm>> -> memref<1x1x64x512xf32, #tpu.memory_space<hbm>>
    %dma_wait3A_1646 = tpu.memref_squeeze %dma_wait3A_1645 : memref<1x1x64x512xf32, #tpu.memory_space<hbm>> -> memref<64x512xf32, #tpu.memory_space<hbm>>
    %dma_wait3A_1647 = arith.constant 0 : i32
    %dma_wait3A_1648 = arith.constant 0 : i32
    %dma_wait3A_1649 = tpu.memref_slice %arg4[%dma_wait3A_1638, %dma_wait3A_1647, %dma_wait3A_1648] : memref<3x64x512xf32, #tpu.memory_space<vmem>> -> memref<1x64x512xf32, #tpu.memory_space<vmem>>
    %dma_wait3A_1650 = tpu.memref_squeeze %dma_wait3A_1649 : memref<1x64x512xf32, #tpu.memory_space<vmem>> -> memref<64x512xf32, #tpu.memory_space<vmem>>
    %dma_wait3A_1651 = arith.constant 448 : i32
    %dma_wait3A_1652 = arith.constant 0 : i32
    %dma_wait3A_1653 = tpu.memref_slice %arg2[%add3A, %dma_wait3A_1637, %dma_wait3A_1651, %dma_wait3A_1652] : memref<32x3x512x512xf32, #tpu.memory_space<hbm>> -> memref<1x1x64x512xf32, #tpu.memory_space<hbm>>
    %dma_wait3A_1654 = tpu.memref_squeeze %dma_wait3A_1653 : memref<1x1x64x512xf32, #tpu.memory_space<hbm>> -> memref<64x512xf32, #tpu.memory_space<hbm>>
    tpu.wait_dma2 semaphore(%arg5 : memref<!tpu.dma_semaphore, #tpu.memory_space<semaphore_mem>>) src(%dma_wait3A_1654 : memref<64x512xf32, #tpu.memory_space<hbm>>) dst(%dma_wait3A_1650 : memref<64x512xf32, #tpu.memory_space<vmem>>)
    %dma_start3A_1655 = arith.constant 2 : i32
    %dma_start3A_1656 = arith.constant 2 : i32
    %dma_start3A_1657 = arith.constant 0 : i32
    %dma_start3A_1658 = arith.constant 0 : i32
    %dma_start3A_1659 = tpu.memref_slice %arg4[%dma_start3A_1655, %dma_start3A_1657, %dma_start3A_1658] : memref<3x64x512xf32, #tpu.memory_space<vmem>> -> memref<1x64x512xf32, #tpu.memory_space<vmem>>
    %dma_start3A_1660 = tpu.memref_squeeze %dma_start3A_1659 : memref<1x64x512xf32, #tpu.memory_space<vmem>> -> memref<64x512xf32, #tpu.memory_space<vmem>>
    %dma_start3A_1661 = arith.constant 448 : i32
    %dma_start3A_1662 = arith.constant 0 : i32
    %dma_start3A_1663 = tpu.memref_slice %arg3[%add3A, %dma_start3A_1656, %dma_start3A_1661, %dma_start3A_1662] : memref<32x3x512x512xf32, #tpu.memory_space<hbm>> -> memref<1x1x64x512xf32, #tpu.memory_space<hbm>>
    %dma_start3A_1664 = tpu.memref_squeeze %dma_start3A_1663 : memref<1x1x64x512xf32, #tpu.memory_space<hbm>> -> memref<64x512xf32, #tpu.memory_space<hbm>>
    %dma_start3A_1665 = arith.constant 448 : i32
    %dma_start3A_1666 = arith.constant 0 : i32
    %dma_start3A_1667 = tpu.memref_slice %arg3[%add3A, %dma_start3A_1656, %dma_start3A_1665, %dma_start3A_1666] : memref<32x3x512x512xf32, #tpu.memory_space<hbm>> -> memref<1x1x64x512xf32, #tpu.memory_space<hbm>>
    %dma_start3A_1668 = tpu.memref_squeeze %dma_start3A_1667 : memref<1x1x64x512xf32, #tpu.memory_space<hbm>> -> memref<64x512xf32, #tpu.memory_space<hbm>>
    %dma_start3A_1669 = arith.constant 0 : i32
    %dma_start3A_1670 = arith.constant 0 : i32
    %dma_start3A_1671 = tpu.memref_slice %arg4[%dma_start3A_1655, %dma_start3A_1669, %dma_start3A_1670] : memref<3x64x512xf32, #tpu.memory_space<vmem>> -> memref<1x64x512xf32, #tpu.memory_space<vmem>>
    %dma_start3A_1672 = tpu.memref_squeeze %dma_start3A_1671 : memref<1x64x512xf32, #tpu.memory_space<vmem>> -> memref<64x512xf32, #tpu.memory_space<vmem>>
    tpu.enqueue_dma source(%dma_start3A_1672 : memref<64x512xf32, #tpu.memory_space<vmem>>) target(%dma_start3A_1668 : memref<64x512xf32, #tpu.memory_space<hbm>>) target_semaphore(%arg8 : memref<!tpu.dma_semaphore, #tpu.memory_space<semaphore_mem>>)
    %dma_wait3A_1673 = arith.constant 0 : i32
    %dma_wait3A_1674 = arith.constant 2 : i32
    %dma_wait3A_1675 = arith.constant 0 : i32
    %dma_wait3A_1676 = arith.constant 0 : i32
    %dma_wait3A_1677 = tpu.memref_slice %arg4[%dma_wait3A_1673, %dma_wait3A_1675, %dma_wait3A_1676] : memref<3x64x512xf32, #tpu.memory_space<vmem>> -> memref<1x64x512xf32, #tpu.memory_space<vmem>>
    %dma_wait3A_1678 = tpu.memref_squeeze %dma_wait3A_1677 : memref<1x64x512xf32, #tpu.memory_space<vmem>> -> memref<64x512xf32, #tpu.memory_space<vmem>>
    %dma_wait3A_1679 = arith.constant 320 : i32
    %dma_wait3A_1680 = arith.constant 0 : i32
    %dma_wait3A_1681 = tpu.memref_slice %arg3[%add3A, %dma_wait3A_1674, %dma_wait3A_1679, %dma_wait3A_1680] : memref<32x3x512x512xf32, #tpu.memory_space<hbm>> -> memref<1x1x64x512xf32, #tpu.memory_space<hbm>>
    %dma_wait3A_1682 = tpu.memref_squeeze %dma_wait3A_1681 : memref<1x1x64x512xf32, #tpu.memory_space<hbm>> -> memref<64x512xf32, #tpu.memory_space<hbm>>
    %dma_wait3A_1683 = arith.constant 320 : i32
    %dma_wait3A_1684 = arith.constant 0 : i32
    %dma_wait3A_1685 = tpu.memref_slice %arg3[%add3A, %dma_wait3A_1674, %dma_wait3A_1683, %dma_wait3A_1684] : memref<32x3x512x512xf32, #tpu.memory_space<hbm>> -> memref<1x1x64x512xf32, #tpu.memory_space<hbm>>
    %dma_wait3A_1686 = tpu.memref_squeeze %dma_wait3A_1685 : memref<1x1x64x512xf32, #tpu.memory_space<hbm>> -> memref<64x512xf32, #tpu.memory_space<hbm>>
    %dma_wait3A_1687 = arith.constant 0 : i32
    %dma_wait3A_1688 = arith.constant 0 : i32
    %dma_wait3A_1689 = tpu.memref_slice %arg4[%dma_wait3A_1673, %dma_wait3A_1687, %dma_wait3A_1688] : memref<3x64x512xf32, #tpu.memory_space<vmem>> -> memref<1x64x512xf32, #tpu.memory_space<vmem>>
    %dma_wait3A_1690 = tpu.memref_squeeze %dma_wait3A_1689 : memref<1x64x512xf32, #tpu.memory_space<vmem>> -> memref<64x512xf32, #tpu.memory_space<vmem>>
    tpu.wait_dma2 semaphore(%arg6 : memref<!tpu.dma_semaphore, #tpu.memory_space<semaphore_mem>>) src(%dma_wait3A_1690 : memref<64x512xf32, #tpu.memory_space<vmem>>) dst(%dma_wait3A_1686 : memref<64x512xf32, #tpu.memory_space<hbm>>)
    %dma_wait3A_1691 = arith.constant 1 : i32
    %dma_wait3A_1692 = arith.constant 2 : i32
    %dma_wait3A_1693 = arith.constant 0 : i32
    %dma_wait3A_1694 = arith.constant 0 : i32
    %dma_wait3A_1695 = tpu.memref_slice %arg4[%dma_wait3A_1691, %dma_wait3A_1693, %dma_wait3A_1694] : memref<3x64x512xf32, #tpu.memory_space<vmem>> -> memref<1x64x512xf32, #tpu.memory_space<vmem>>
    %dma_wait3A_1696 = tpu.memref_squeeze %dma_wait3A_1695 : memref<1x64x512xf32, #tpu.memory_space<vmem>> -> memref<64x512xf32, #tpu.memory_space<vmem>>
    %dma_wait3A_1697 = arith.constant 384 : i32
    %dma_wait3A_1698 = arith.constant 0 : i32
    %dma_wait3A_1699 = tpu.memref_slice %arg3[%add3A, %dma_wait3A_1692, %dma_wait3A_1697, %dma_wait3A_1698] : memref<32x3x512x512xf32, #tpu.memory_space<hbm>> -> memref<1x1x64x512xf32, #tpu.memory_space<hbm>>
    %dma_wait3A_1700 = tpu.memref_squeeze %dma_wait3A_1699 : memref<1x1x64x512xf32, #tpu.memory_space<hbm>> -> memref<64x512xf32, #tpu.memory_space<hbm>>
    %dma_wait3A_1701 = arith.constant 384 : i32
    %dma_wait3A_1702 = arith.constant 0 : i32
    %dma_wait3A_1703 = tpu.memref_slice %arg3[%add3A, %dma_wait3A_1692, %dma_wait3A_1701, %dma_wait3A_1702] : memref<32x3x512x512xf32, #tpu.memory_space<hbm>> -> memref<1x1x64x512xf32, #tpu.memory_space<hbm>>
    %dma_wait3A_1704 = tpu.memref_squeeze %dma_wait3A_1703 : memref<1x1x64x512xf32, #tpu.memory_space<hbm>> -> memref<64x512xf32, #tpu.memory_space<hbm>>
    %dma_wait3A_1705 = arith.constant 0 : i32
    %dma_wait3A_1706 = arith.constant 0 : i32
    %dma_wait3A_1707 = tpu.memref_slice %arg4[%dma_wait3A_1691, %dma_wait3A_1705, %dma_wait3A_1706] : memref<3x64x512xf32, #tpu.memory_space<vmem>> -> memref<1x64x512xf32, #tpu.memory_space<vmem>>
    %dma_wait3A_1708 = tpu.memref_squeeze %dma_wait3A_1707 : memref<1x64x512xf32, #tpu.memory_space<vmem>> -> memref<64x512xf32, #tpu.memory_space<vmem>>
    tpu.wait_dma2 semaphore(%arg7 : memref<!tpu.dma_semaphore, #tpu.memory_space<semaphore_mem>>) src(%dma_wait3A_1708 : memref<64x512xf32, #tpu.memory_space<vmem>>) dst(%dma_wait3A_1704 : memref<64x512xf32, #tpu.memory_space<hbm>>)
    %dma_wait3A_1709 = arith.constant 2 : i32
    %dma_wait3A_1710 = arith.constant 2 : i32
    %dma_wait3A_1711 = arith.constant 0 : i32
    %dma_wait3A_1712 = arith.constant 0 : i32
    %dma_wait3A_1713 = tpu.memref_slice %arg4[%dma_wait3A_1709, %dma_wait3A_1711, %dma_wait3A_1712] : memref<3x64x512xf32, #tpu.memory_space<vmem>> -> memref<1x64x512xf32, #tpu.memory_space<vmem>>
    %dma_wait3A_1714 = tpu.memref_squeeze %dma_wait3A_1713 : memref<1x64x512xf32, #tpu.memory_space<vmem>> -> memref<64x512xf32, #tpu.memory_space<vmem>>
    %dma_wait3A_1715 = arith.constant 448 : i32
    %dma_wait3A_1716 = arith.constant 0 : i32
    %dma_wait3A_1717 = tpu.memref_slice %arg3[%add3A, %dma_wait3A_1710, %dma_wait3A_1715, %dma_wait3A_1716] : memref<32x3x512x512xf32, #tpu.memory_space<hbm>> -> memref<1x1x64x512xf32, #tpu.memory_space<hbm>>
    %dma_wait3A_1718 = tpu.memref_squeeze %dma_wait3A_1717 : memref<1x1x64x512xf32, #tpu.memory_space<hbm>> -> memref<64x512xf32, #tpu.memory_space<hbm>>
    %dma_wait3A_1719 = arith.constant 448 : i32
    %dma_wait3A_1720 = arith.constant 0 : i32
    %dma_wait3A_1721 = tpu.memref_slice %arg3[%add3A, %dma_wait3A_1710, %dma_wait3A_1719, %dma_wait3A_1720] : memref<32x3x512x512xf32, #tpu.memory_space<hbm>> -> memref<1x1x64x512xf32, #tpu.memory_space<hbm>>
    %dma_wait3A_1722 = tpu.memref_squeeze %dma_wait3A_1721 : memref<1x1x64x512xf32, #tpu.memory_space<hbm>> -> memref<64x512xf32, #tpu.memory_space<hbm>>
    %dma_wait3A_1723 = arith.constant 0 : i32
    %dma_wait3A_1724 = arith.constant 0 : i32
    %dma_wait3A_1725 = tpu.memref_slice %arg4[%dma_wait3A_1709, %dma_wait3A_1723, %dma_wait3A_1724] : memref<3x64x512xf32, #tpu.memory_space<vmem>> -> memref<1x64x512xf32, #tpu.memory_space<vmem>>
    %dma_wait3A_1726 = tpu.memref_squeeze %dma_wait3A_1725 : memref<1x64x512xf32, #tpu.memory_space<vmem>> -> memref<64x512xf32, #tpu.memory_space<vmem>>
    tpu.wait_dma2 semaphore(%arg8 : memref<!tpu.dma_semaphore, #tpu.memory_space<semaphore_mem>>) src(%dma_wait3A_1726 : memref<64x512xf32, #tpu.memory_space<vmem>>) dst(%dma_wait3A_1722 : memref<64x512xf32, #tpu.memory_space<hbm>>)
    return
  }
}

</mosaic_0001>

<sc_bundles>
// kernel: kernel.3.cloned.1.call-start
scs
__scs_entry_jumppad:
0x0: {  	(pc) =	sbr.rel $0x88, $3  }
0x1: {  	(tag) =	ssettag $0x0;
	lr =	simm.s32 $0x1  }
0x2: {  	[smem:$0x3FA0] =	sst lr;
	_ =	strace $0xD0000000  }
0x3: {  	_ = 	snop  }
0x4: {  	_ = 	snop  }
0x5: {  	_ = 	snop  }
0x6: {  	_ = 	snop  }
0x7: {  	_ = 	snop  }
__scs_overlays_trampoline_lowered:
0x8: {  	[smem:$0x3FAF] =	sst s0  }
0x9: {  	[smem:$0x3FB0] =	sst s1  }
0xa: {  	[smem:$0x3FB1] =	sst s2  }
0xb: {  	[smem:$0x3FB2] =	sst s3  }
0xc: {  	[smem:$0x3FB3] =	sst s4  }
0xd: {  	[smem:$0x3FB4] =	sst s5  }
0xe: {  	[smem:$0x3FB5] =	sst s6  }
0xf: {  	[smem:$0x3FB6] =	sst s7  }
0x10: {  	[smem:$0x3FB7] =	sst s8  }
0x11: {  	[smem:$0x3FB8] =	sst s9;
	s0 =	simm.s32 @!p0 $0x0  }
0x12: {  	s1 =	sld [smem:$0x3F9E];
	s0 =	simm.s32 @p0 $0x1  }
0x13: {  	[smem:$0x3FB9] =	sst s0;
	s0 =	simm.s32 @!p1 $0x0  }
0x14: {  	s2 =	sld [smem:$0x3F9D];
	s0 =	simm.s32 @p1 $0x1  }
0x15: {  	[smem:$0x3FBA] =	sst s0;
	s0 =	simm.s32 @!p2 $0x0  }
0x16: {  	s3 =	sld [smem:$0x3FDB];
	s0 =	simm.s32 @p2 $0x1  }
0x17: {  	s4 =	simm.s32 $0x1BF5;
	[smem:$0x3FBC] =	sst s0  }
0x18: {  	s0 =	sld [smem:$0x3F9F];
	_ =	swait.ge [sflag:s4], $0x0  }
0x19: {  	s7 =	sld [smem:$0x3FA0]  }
0x1a: {  	s8 =	sadd.s32 $0xFFFFE003, lr  }
0x1b: {  	s9 =	sadd.s32 $0xFFFFFEF7, lr;
	s5 =	simm.s32 $0xFFFFFFFF;
	p2 =	slt.u32 s8, $0xFFFFF086  }
0x1c: {  	p1 =	slt.u32 s9, $0xF7A;
	s5 =	simm.s32 @!p2 $0x0  }
0x1d: {  	s5 =	simm.s32 @p1 $0x1;
	p0 =	seq.s32 s7, s2  }
0x1e: {  	s7 =	smul.u32 @!p0 $0xF7A, s2;
	p2 =	seq.s32 @!p0 s5, $0x0  }
0x1f: {  	s9 =	smul.u32 $0xF7A, s1;
	s8 =	simm.s32 @!p0 $0x1BF5;
	p2 =	por !p2, p0  }
0x20: {  	[sflag:s8] =	ssyncset.s32 @!p0 $0xFFFFF086;
	s6 =	sadd.s32 @!p0 s3, s7;
	s7 =	simm.s32 @!p0 $0x108  }
0x21: {  	s3 =	sadd.s32 s3, s9;
	s6 =	sadd.s32 @!p0 $0x88, s6;
	s7 =	simm.s32 @p2 $0x1082  }
0x22: {  	[simem:s7], [sflag:s8] =	dma.local @!p0 [hbm:s6], $0xF7A  }
0x23: {  	s9 =	sor.u32 $0xD0000000, s2;
	s6 =	simm.s32 $0x108;
	_ =	swait.ge @!p0 [sflag:s8], $0x0  }
0x24: {  	s3 =	sadd.s32 $0x88, s3;
	s6 =	simm.s32 @!p1 $0x1082;
	[sflag:s4] =	ssyncset.s32 $0xFFFFF086  }
0x25: {  	[simem:s6], [sflag:s4] =	dma.local [hbm:s3], $0xF7A  }
0x26: {  	[smem:$0x3FA0] =	sst s1;
	(tag) =	ssettag s2;
	_ =	strace s9  }
0x27: {  	s1 =	sld [smem:$0x3FB0]  }
0x28: {  	s2 =	sld [smem:$0x3FB1]  }
0x29: {  	s4 =	sld [smem:$0x3FB3]  }
0x2a: {  	p0 =	seq.s32 s5, $0x0;
	s5 =	sld [smem:$0x3FB4]  }
0x2b: {  	s6 =	sld [smem:$0x3FB5]  }
0x2c: {  	s7 =	sld [smem:$0x3FB6]  }
0x2d: {  	s3 =	simm.s32 $0x108;
	s8 =	sld [smem:$0x3FB7]  }
0x2e: {  	s3 =	simm.s32 @!p0 $0x1082;
	s9 =	sld [smem:$0x3FB8]  }
0x2f: {  	lr =	sadd.s32 s0, s3;
	s0 =	sld [smem:$0x3FAF]  }
0x30: {  	s3 =	sld [smem:$0x3FB2]  }
0x31: {  	[smem:$0x3FBB] =	sst s10  }
0x32: {  	s10 =	sld [smem:$0x3FB9];
	_ =	sdelay $0x3  }
0x33: {  	p0 =	seq.s32 s10, $0x1;
	s10 =	sld [smem:$0x3FBB];
	_ =	sdelay $0x3  }
0x34: {  	[smem:$0x3FBB] =	sst s10  }
0x35: {  	s10 =	sld [smem:$0x3FBA];
	_ =	sdelay $0x3  }
0x36: {  	p1 =	seq.s32 s10, $0x1;
	s10 =	sld [smem:$0x3FBB];
	_ =	sdelay $0x3  }
0x37: {  	[smem:$0x3FBB] =	sst s10  }
0x38: {  	s10 =	sld [smem:$0x3FBC]  }
0x39: {  	_ = 	snop;
	(pc) =	sbr.ind lr, $3  }
0x3a: {  	_ = 	snop  }
0x3b: {  	_ = 	snop  }
0x3c: {  	p2 =	seq.s32 s10, $0x1;
	s10 =	sld [smem:$0x3FBB]  }
0x3d: {  	_ =	shalt  }
0x3e: {  	_ =	shalt  }
0x3f: {  	_ =	shalt  }
0x40: {  	_ =	shalt  }
0x41: {  	_ =	shalt  }
0x42: {  	_ =	shalt  }
0x43: {  	_ =	shalt  }
0x44: {  	_ =	shalt  }
0x45: {  	_ =	shalt  }
0x46: {  	_ =	shalt  }
0x47: {  	_ =	shalt  }
0x48: {  	_ =	shalt  }
0x49: {  	_ =	shalt  }
0x4a: {  	_ =	shalt  }
0x4b: {  	_ =	shalt  }
0x4c: {  	_ =	shalt  }
0x4d: {  	_ =	shalt  }
0x4e: {  	_ =	shalt  }
0x4f: {  	_ =	shalt  }
0x50: {  	_ =	shalt  }
0x51: {  	_ =	shalt  }
0x52: {  	_ =	shalt  }
0x53: {  	_ =	shalt  }
0x54: {  	_ =	shalt  }
0x55: {  	_ =	shalt  }
0x56: {  	_ =	shalt  }
0x57: {  	_ =	shalt  }
0x58: {  	_ =	shalt  }
0x59: {  	_ =	shalt  }
0x5a: {  	_ =	shalt  }
0x5b: {  	_ =	shalt  }
0x5c: {  	_ =	shalt  }
0x5d: {  	_ =	shalt  }
0x5e: {  	_ =	shalt  }
0x5f: {  	_ =	shalt  }
0x60: {  	_ =	shalt  }
0x61: {  	_ =	shalt  }
0x62: {  	_ =	shalt  }
0x63: {  	_ =	shalt  }
0x64: {  	_ =	shalt  }
0x65: {  	_ =	shalt  }
0x66: {  	_ =	shalt  }
0x67: {  	_ =	shalt  }
0x68: {  	_ =	shalt  }
0x69: {  	_ =	shalt  }
0x6a: {  	_ =	shalt  }
0x6b: {  	_ =	shalt  }
0x6c: {  	_ =	shalt  }
0x6d: {  	_ =	shalt  }
0x6e: {  	_ =	shalt  }
0x6f: {  	_ =	shalt  }
0x70: {  	_ =	shalt  }
0x71: {  	_ =	shalt  }
0x72: {  	_ =	shalt  }
0x73: {  	_ =	shalt  }
0x74: {  	_ =	shalt  }
0x75: {  	_ =	shalt  }
0x76: {  	_ =	shalt  }
0x77: {  	_ =	shalt  }
0x78: {  	_ =	shalt  }
0x79: {  	_ =	shalt  }
0x7a: {  	_ =	shalt  }
0x7b: {  	_ =	shalt  }
0x7c: {  	_ =	shalt  }
0x7d: {  	_ =	shalt  }
0x7e: {  	_ =	shalt  }
0x7f: {  	_ =	shalt  }
0x80: {  	_ =	shalt  }
0x81: {  	_ =	shalt  }
0x82: {  	_ =	shalt  }
0x83: {  	_ =	shalt  }
0x84: {  	_ =	shalt  }
0x85: {  	_ =	shalt  }
0x86: {  	_ =	shalt  }
0x87: {  	_ =	shalt  }
.Lfunc_end0:
.L_simem_size_0:
called_computation_lowered:
.L_overlay_start_0:
0x88: {  	s2 =	sld [smem:$0x3FD9]  }
0x89: {  	s3 =	sld [smem:$0x3FFE];
	_ =	sdelay $0x1  }
0x8a: {  	s1 =	srdreg.scid  }
0x8b: {  	s0 =	sand.u32 $0x1, s1  }
0x8c: {  	s18 =	sshll.u32 s0, $0xA;
	s2 =	sadd.s32 s3, s2  }
0x8d: {  	s2 =	sadd.s32 s2, s18  }
0x8e: {  	[smem:$0x3FC7] =	sst s2  }
0x8f: {  	_ = 	snop  }
0x90: {  	s2 =	sld [smem:$0x3FC9]  }
0x91: {  	s19 =	sld [smem:$0x3FD0];
	(tm) =	ssettm $0x1  }
0x92: {  	s4 =	sld [smem:$0x3FFB];
	_ =	sdelay $0x3  }
0x93: {  	_ =	strace s4  }
0x94: {  	s4 =	sld [smem:$0x3FFC];
	_ =	sdelay $0x3  }
0x95: {  	_ =	strace s4  }
0x96: {  	s4 =	sld [smem:$0x3FFD];
	_ =	sdelay $0x3  }
0x97: {  	_ =	strace s4  }
0x98: {  	_ =	strace $0x8FFFFFFF  }
0x99: {  	s20 =	sld [smem:$0x3FDB];
	_ =	sdelay $0x1  }
0x9a: {  	s5 =	simm.s32 $_scs_section_size  }
0x9b: {  	s6 =	simm.s32 $_size__tile_overlayer_lowered;
	s7 =	simm.s32 $_tile_overlayer_lowered  }
0x9c: {  	s23 =	simm.s32 $0x1BFF;
	s22 =	sshll.u32 s7, $0x1;
	s4 =	sadd.s32 s5, s20  }
0x9d: {  	s8 =	simm.s32 $0x0;
	s21 =	sshll.u32 s6, $0x1;
	s6 =	sadd.s32 s22, s4  }
0x9e: {  	[timem:s8], [sflag:s23] =	dma.local [hbm:s6], s21  }
0x9f: {  	_ =	swait.ge [sflag:s23], s21  }
0xa0: {  	s5 =	ssub.s32 $0x0, s21;
	[sflag:s23] =	ssyncset.done $0x0  }
0xa1: {  	[sflag:s23] =	ssyncadd.s32 s5;
	_ =	sdelay $0x1  }
0xa2: {  	s24 =	simm.s32 $0x1B8B  }
0xa3: {  	_ =	swait.ge [sflag:s24], $0x1  }
0xa4: {  	[sflag:s24] =	ssyncset.done $0x0  }
0xa5: {  	s25 =	simm.s32 $0x1B8E;
	[sflag:s24] =	ssyncadd.s32 $0xFFFFFFFF  }
0xa6: {  	s26 =	simm.s32 $execute0_lowered;
	[smem:$0x3FD2] =	sst s25  }
0xa7: {  	s5 =	sshll.u32 s26, $0x1;
	_ =	strace $0x80000046;
	[dreg:$0x1] =	wrdreg $0xFFFFFFFF  }
0xa8: {  	s28 =	simm.s32 $_size_execute0_lowered;
	s4 =	sadd.s32 s4, s5;
	[dreg:$0x0] =	wrdreg $0x0  }
0xa9: {  	s5 =	sshll.u32 s28, $0x1;
	[dreg:$0x2] =	wrdreg s4  }
0xaa: {  	[dreg:$0x3] =	wrdreg s5  }
0xab: {  	[dreg:$0x4] =	wrdreg $0xC0  }
0xac: {  	_ =	task [dreg:s8], $0x5FFFF  }
0xad: {  	[dreg:$0x1] =	wrdreg $0xFFFFFFFF  }
0xae: {  	[dreg:$0x0] =	wrdreg $0x60  }
0xaf: {  	[dreg:$0x2] =	wrdreg s2  }
0xb0: {  	[dreg:$0x3] =	wrdreg s19  }
0xb1: {  	[dreg:$0x4] =	wrdreg $0x9  }
0xb2: {  	_ =	task.clear_ibuf [dreg:s8], $0x5FFFF;
	_ =	strace $0x90000046  }
0xb3: {  	s29 =	simm.s32 $0x9;
	_ =	strace $0x80000048  }
0xb4: {  	_ =	swait.ge [sflag:s29], $0x1  }
0xb5: {  	[sflag:s29] =	ssyncadd.s32 $0xFFFFFFFF  }
0xb6: {  	_ =	strace $0x90000048  }
0xb7: {  	_ =	sfence  }
0xb8: {  	s30 =	sld [smem:$0x0];
	_ =	sdelay $0x2  }
0xb9: {  	s31 =	sshll.u32 s1, $0xD;
	s1 =	sshrl.u32 s1, $0x2  }
0xba: {  	s3 =	sand.u32 $0x4000, s31;
	s1 =	sadd.s32 s1, s30  }
0xbb: {  	s0 =	sor.u32 s3, s0;
	s1 =	sshll.u32 s1, $0x11  }
0xbc: {  	s0 =	sor.u32 s1, s0  }
0xbd: {  	s0 =	sadd.s32 $0x8F2B, s0  }
0xbe: {  	[sflag:s0] =	ssyncadd.remote.s32 $0x1  }
0xbf: {  	_ =	sfence.sel $0xFFFF  }
0xc0: {  	[dreg:$0x0] =	wrdreg $0xFFFFFFFF;
	(pc) =	sbr.abs _section_cstart, $3  }
0xc1: {  	[dreg:$0x1] =	wrdreg $0xFFFFFFFF  }
0xc2: {  	_ =	task.clear_ibuf [dreg:s8], $0x2FFFF;
	_ =	strace $0x9FFFFFFF  }
0xc3: {  	(tm) =	ssettm $0x7FFFFFFF  }
tec
execute0_lowered:
.L_overlay_start_1:
0x0: {  	(tag) =	ssettag $0x1  }
0x1: {  	s0 =	srdreg.scid;
	s1 =	stileid.u32  }
0x2: {  	s6 =	sand.u32 $0x1, s0;
	s8 =	sshll.u32 s1, $0x1  }
0x3: {  	s0 =	sor.u32 s6, s8  }
0x4: {  	s4 =	rddreg [dreg:$0x0];
	s2 =	simm.s32 $0x0;
	s0 =	smul.u32 $0xC0000, s0  }
0x5: {  	p0 =	por $0x0, $0x0;
	[smem:$0x7FF] =	sst s2  }
0x6: {  	s1 =	rddreg [dreg:$0x1];
	_ =	strace $0x80000047;
	s3 =	sshrl.u32 s0, $0x3  }
0x7: {  	s6 =	ssub.s32 $0x2, s6;
	s14 =	sadd.s32 $0x10000, s3;
	s7 =	sadd.s32 $0x11000, s3  }
0x8: {  	s11 =	sadd.s32 s1, s3;
	s8 =	sadd.s32 $0x12000, s3;
	s28 =	sor.u32 $0x1000, s3  }
0x9: {  	s0 =	sadd.s32 $0x16000, s3;
	s9 =	sadd.s32 s4, s14;
	[dreg:$0x5] =	wrdreg s11  }
0xa: {  	s10 =	sadd.s32 s4, s7;
	s12 =	sadd.s32 s4, s8;
	[dreg:$0x3] =	wrdreg s9  }
0xb: {  	s13 =	sadd.s32 s1, s28;
	s11 =	sadd.s32 $0x15000, s3;
	[dreg:$0x4] =	wrdreg s10  }
0xc: {  	s20 =	sadd.s32 s4, s0;
	[dreg:$0x6] =	wrdreg s12;
	s9 =	sadd.s32 $0x13000, s3  }
0xd: {  	[dreg:$0x7] =	wrdreg s13;
	s13 =	sor.u32 $0x2000, s3;
	s10 =	sadd.s32 $0x14000, s3  }
0xe: {  	s19 =	sadd.s32 s4, s11;
	[dreg:$0xe] =	wrdreg s20;
	s20 =	sor.u32 $0x6000, s3  }
0xf: {  	s12 =	sadd.s32 $0xA000, s3;
	s15 =	sadd.s32 s4, s9;
	[dreg:$0xc] =	wrdreg s19  }
0x10: {  	s16 =	sadd.s32 s1, s13;
	s17 =	sadd.s32 s4, s10;
	[dreg:$0x8] =	wrdreg s15  }
0x11: {  	s22 =	sadd.s32 s1, s20;
	s19 =	sadd.s32 $0x8000, s3;
	[dreg:$0x9] =	wrdreg s16  }
0x12: {  	s15 =	sor.u32 $0x3000, s3;
	[dreg:$0xa] =	wrdreg s17;
	s16 =	sor.u32 $0x4000, s3  }
0x13: {  	[dreg:$0x11] =	wrdreg s22;
	s23 =	sadd.s32 s4, s19;
	s22 =	sor.u32 $0x7000, s3  }
0x14: {  	s26 =	sadd.s32 s1, s19;
	s19 =	sadd.s32 s4, s13;
	[dreg:$0x12] =	wrdreg s23  }
0x15: {  	s18 =	sadd.s32 s1, s15;
	s5 =	sadd.s32 s1, s16;
	[dreg:$0x15] =	wrdreg s26  }
0x16: {  	s24 =	sadd.s32 s1, s22;
	s26 =	sadd.s32 $0xB000, s3;
	[dreg:$0xb] =	wrdreg s18  }
0x17: {  	[dreg:$0xd] =	wrdreg s5;
	s18 =	sor.u32 $0x5000, s3;
	s5 =	sadd.s32 $0x17000, s3  }
0x18: {  	[dreg:$0x13] =	wrdreg s24;
	s24 =	sadd.s32 s4, s12;
	s23 =	sadd.s32 s4, s26  }
0x19: {  	s17 =	sadd.s32 s1, s18;
	s21 =	sadd.s32 s4, s5;
	[dreg:$0x16] =	wrdreg s24  }
0x1a: {  	[dreg:$0x18] =	wrdreg s23;
	s24 =	sadd.s32 s1, s12;
	s23 =	sshrl.u32 s6, $0x1  }
0x1b: {  	s13 =	sadd.s32 s4, s18;
	s18 =	sadd.s32 s1, s9;
	[dreg:$0xf] =	wrdreg s17  }
0x1c: {  	s9 =	simm.s32 $0x2;
	[dreg:$0x10] =	wrdreg s21;
	s21 =	sadd.s32 $0x9000, s3  }
0x1d: {  	[dreg:$0x19] =	wrdreg s24;
	s24 =	sadd.s32 $0xD000, s3;
	s25 =	sadd.s32 s4, s21  }
0x1e: {  	s17 =	sadd.s32 s4, s15;
	[dreg:$0x14] =	wrdreg s25;
	s25 =	sadd.s32 s1, s21  }
0x1f: {  	s15 =	sadd.s32 s4, s16;
	s21 =	sadd.s32 s1, s26;
	[dreg:$0x17] =	wrdreg s25  }
0x20: {  	s16 =	sadd.s32 s1, s10;
	s26 =	sadd.s32 s4, s24;
	[dreg:$0x1b] =	wrdreg s21  }
0x21: {  	s10 =	simm.s32 $0x1;
	s25 =	sadd.s32 $0xC000, s3;
	[dreg:$0x1c] =	wrdreg s26  }
0x22: {  	s26 =	sadd.s32 s1, s24;
	s24 =	sadd.s32 $0xF000, s3;
	s21 =	sadd.s32 s4, s28  }
0x23: {  	s12 =	sadd.s32 s4, s25;
	s29 =	sadd.s32 s1, s25;
	s25 =	sadd.s32 $0xE000, s3  }
0x24: {  	s30 =	sadd.s32 s4, s24;
	[dreg:$0x1a] =	wrdreg s12;
	s12 =	ssub.s32 s6, s23  }
0x25: {  	s23 =	sadd.s32 s4, s3;
	s6 =	sadd.s32 s4, s20;
	s12 =	smax.u32 s12, $0x1  }
0x26: {  	s3 =	sadd.s32 s4, s22;
	s31 =	sadd.s32 s4, s25;
	p1 =	sne.s32 s12, $0x1  }
.Ltmp0:
0x27: {  	s28 =	sadd.s32 s1, s25;
	s25 =	sadd.s32 s1, s24;
	(pc) =	sbr.rel @!p1 .LBB2_3-.Ltmp0, $4  }
0x28: {  	s24 =	sadd.s32 s1, s14;
	s22 =	sadd.s32 s1, s7;
	s20 =	sadd.s32 s1, s8  }
0x29: {  	s14 =	sadd.s32 s1, s11;
	s8 =	sadd.s32 s1, s0;
	s4 =	sadd.s32 s1, s5  }
0x2a: {  	s11 =	simm.s32 $0x10000;
	s7 =	simm.s32 $0x3;
	s5 =	simm.s32 $0x4  }
0x2b: {  	s0 =	rddreg [dreg:$0x3];
	s1 =	sadd.s32 $0xFFFFFFFF, s12;
	s12 =	simm.s32 $0x8000  }
0x2c: {  	[dreg:$0x1d] =	wrdreg s1  }
0x2d: {  	[tilespmem:s2], [sflag:$0x1] =	stream.linear.gather [hbm4b:s0+s2], $0x8000, $0x38;
	[tilespmem:$0x18000] =	vst v63  }
0x2e: {  	s1 =	rddreg [dreg:$0x4]  }
0x2f: {  	[tilespmem:s12], [sflag:$0x1] =	stream.linear.gather [hbm4b:s1+s2], $0x8000, $0x38;
	[tilespmem:$0x18000] =	vst v63  }
0x30: {  	_ =	swait.ge [sflag:s10], $0x8000  }
0x31: {  	[sflag:s10] =	ssyncset.done $0x0  }
0x32: {  	s0 =	rddreg [dreg:$0x5];
	[sflag:s10] =	ssyncadd.s32 $0xFFFF8000  }
0x33: {  	[hbm4b:s0+s2] =	stream.linear.scatter [tilespmem:s2], [sflag:$0x2], $0x8000, $0x38;
	[tilespmem:$0x18000] =	vst v63  }
0x34: {  	s1 =	rddreg [dreg:$0x6]  }
0x35: {  	[tilespmem:s11], [sflag:$0x1] =	stream.linear.gather [hbm4b:s1+s2], $0x8000, $0x38;
	[tilespmem:$0x18000] =	vst v63  }
0x36: {  	_ =	swait.ge [sflag:s10], $0x8000  }
0x37: {  	[sflag:s10] =	ssyncset.done $0x0  }
0x38: {  	s1 =	rddreg [dreg:$0x7];
	[sflag:s10] =	ssyncadd.s32 $0xFFFF8000  }
0x39: {  	[hbm4b:s1+s2] =	stream.linear.scatter [tilespmem:s12], [sflag:$0x3], $0x8000, $0x38;
	[tilespmem:$0x18000] =	vst v63  }
0x3a: {  	_ =	swait.ge [sflag:s9], $0x8000  }
0x3b: {  	[sflag:s9] =	ssyncset.done $0x0  }
0x3c: {  	s1 =	rddreg [dreg:$0x8];
	[sflag:s9] =	ssyncadd.s32 $0xFFFF8000  }
0x3d: {  	[tilespmem:s2], [sflag:$0x1] =	stream.linear.gather [hbm4b:s1+s2], $0x8000, $0x38;
	[tilespmem:$0x18000] =	vst v63  }
0x3e: {  	_ =	swait.ge [sflag:s10], $0x8000  }
0x3f: {  	[sflag:s10] =	ssyncset.done $0x0  }
0x40: {  	s1 =	rddreg [dreg:$0x9];
	[sflag:s10] =	ssyncadd.s32 $0xFFFF8000  }
0x41: {  	[hbm4b:s1+s2] =	stream.linear.scatter [tilespmem:s11], [sflag:$0x4], $0x8000, $0x38;
	[tilespmem:$0x18000] =	vst v63  }
0x42: {  	_ =	swait.ge [sflag:s7], $0x8000  }
0x43: {  	[sflag:s7] =	ssyncset.done $0x0  }
0x44: {  	s1 =	rddreg [dreg:$0xa];
	[sflag:s7] =	ssyncadd.s32 $0xFFFF8000  }
0x45: {  	[tilespmem:s12], [sflag:$0x1] =	stream.linear.gather [hbm4b:s1+s2], $0x8000, $0x38;
	[tilespmem:$0x18000] =	vst v63  }
0x46: {  	_ =	swait.ge [sflag:s10], $0x8000  }
0x47: {  	[sflag:s10] =	ssyncset.done $0x0  }
0x48: {  	s1 =	rddreg [dreg:$0xb];
	[sflag:s10] =	ssyncadd.s32 $0xFFFF8000  }
0x49: {  	[hbm4b:s1+s2] =	stream.linear.scatter [tilespmem:s2], [sflag:$0x2], $0x8000, $0x38;
	[tilespmem:$0x18000] =	vst v63  }
0x4a: {  	_ =	swait.ge [sflag:s5], $0x8000  }
0x4b: {  	[sflag:s5] =	ssyncset.done $0x0  }
0x4c: {  	s1 =	rddreg [dreg:$0xc];
	[sflag:s5] =	ssyncadd.s32 $0xFFFF8000  }
0x4d: {  	[tilespmem:s11], [sflag:$0x1] =	stream.linear.gather [hbm4b:s1+s2], $0x8000, $0x38;
	[tilespmem:$0x18000] =	vst v63  }
0x4e: {  	_ =	swait.ge [sflag:s10], $0x8000  }
0x4f: {  	[sflag:s10] =	ssyncset.done $0x0  }
0x50: {  	s1 =	rddreg [dreg:$0xd];
	[sflag:s10] =	ssyncadd.s32 $0xFFFF8000  }
0x51: {  	[hbm4b:s1+s2] =	stream.linear.scatter [tilespmem:s12], [sflag:$0x3], $0x8000, $0x38;
	[tilespmem:$0x18000] =	vst v63  }
0x52: {  	_ =	swait.ge [sflag:s9], $0x8000  }
0x53: {  	[sflag:s9] =	ssyncset.done $0x0  }
0x54: {  	s1 =	rddreg [dreg:$0xe];
	[sflag:s9] =	ssyncadd.s32 $0xFFFF8000  }
0x55: {  	[tilespmem:s2], [sflag:$0x1] =	stream.linear.gather [hbm4b:s1+s2], $0x8000, $0x38;
	[tilespmem:$0x18000] =	vst v63  }
0x56: {  	_ =	swait.ge [sflag:s10], $0x8000  }
0x57: {  	[sflag:s10] =	ssyncset.done $0x0  }
0x58: {  	s1 =	rddreg [dreg:$0xf];
	[sflag:s10] =	ssyncadd.s32 $0xFFFF8000  }
0x59: {  	[hbm4b:s1+s2] =	stream.linear.scatter [tilespmem:s11], [sflag:$0x4], $0x8000, $0x38;
	[tilespmem:$0x18000] =	vst v63  }
0x5a: {  	_ =	swait.ge [sflag:s7], $0x8000  }
0x5b: {  	[sflag:s7] =	ssyncset.done $0x0  }
0x5c: {  	s1 =	rddreg [dreg:$0x10];
	[sflag:s7] =	ssyncadd.s32 $0xFFFF8000  }
0x5d: {  	[tilespmem:s12], [sflag:$0x1] =	stream.linear.gather [hbm4b:s1+s2], $0x8000, $0x38;
	[tilespmem:$0x18000] =	vst v63  }
0x5e: {  	_ =	swait.ge [sflag:s10], $0x8000  }
0x5f: {  	[sflag:s10] =	ssyncset.done $0x0  }
0x60: {  	s1 =	rddreg [dreg:$0x11];
	[sflag:s10] =	ssyncadd.s32 $0xFFFF8000  }
0x61: {  	[hbm4b:s1+s2] =	stream.linear.scatter [tilespmem:s2], [sflag:$0x2], $0x8000, $0x38;
	[tilespmem:$0x18000] =	vst v63  }
0x62: {  	_ =	swait.ge [sflag:s5], $0x8000  }
0x63: {  	[sflag:s5] =	ssyncset.done $0x0  }
0x64: {  	s1 =	rddreg [dreg:$0x12];
	[sflag:s5] =	ssyncadd.s32 $0xFFFF8000  }
0x65: {  	[tilespmem:s11], [sflag:$0x1] =	stream.linear.gather [hbm4b:s1+s2], $0x8000, $0x38;
	[tilespmem:$0x18000] =	vst v63  }
0x66: {  	_ =	swait.ge [sflag:s10], $0x8000  }
0x67: {  	[sflag:s10] =	ssyncset.done $0x0  }
0x68: {  	s1 =	rddreg [dreg:$0x13];
	[sflag:s10] =	ssyncadd.s32 $0xFFFF8000  }
0x69: {  	[hbm4b:s1+s2] =	stream.linear.scatter [tilespmem:s12], [sflag:$0x3], $0x8000, $0x38;
	[tilespmem:$0x18000] =	vst v63  }
0x6a: {  	_ =	swait.ge [sflag:s9], $0x8000  }
0x6b: {  	[sflag:s9] =	ssyncset.done $0x0  }
0x6c: {  	s1 =	rddreg [dreg:$0x14];
	[sflag:s9] =	ssyncadd.s32 $0xFFFF8000  }
0x6d: {  	[tilespmem:s2], [sflag:$0x1] =	stream.linear.gather [hbm4b:s1+s2], $0x8000, $0x38;
	[tilespmem:$0x18000] =	vst v63  }
0x6e: {  	_ =	swait.ge [sflag:s10], $0x8000  }
0x6f: {  	[sflag:s10] =	ssyncset.done $0x0  }
0x70: {  	s1 =	rddreg [dreg:$0x15];
	[sflag:s10] =	ssyncadd.s32 $0xFFFF8000  }
0x71: {  	[hbm4b:s1+s2] =	stream.linear.scatter [tilespmem:s11], [sflag:$0x4], $0x8000, $0x38;
	[tilespmem:$0x18000] =	vst v63  }
0x72: {  	_ =	swait.ge [sflag:s7], $0x8000  }
0x73: {  	[sflag:s7] =	ssyncset.done $0x0  }
0x74: {  	s1 =	rddreg [dreg:$0x16];
	[sflag:s7] =	ssyncadd.s32 $0xFFFF8000  }
0x75: {  	[tilespmem:s12], [sflag:$0x1] =	stream.linear.gather [hbm4b:s1+s2], $0x8000, $0x38;
	[tilespmem:$0x18000] =	vst v63  }
0x76: {  	_ =	swait.ge [sflag:s10], $0x8000  }
0x77: {  	[sflag:s10] =	ssyncset.done $0x0  }
0x78: {  	s1 =	rddreg [dreg:$0x17];
	[sflag:s10] =	ssyncadd.s32 $0xFFFF8000  }
0x79: {  	[hbm4b:s1+s2] =	stream.linear.scatter [tilespmem:s2], [sflag:$0x2], $0x8000, $0x38;
	[tilespmem:$0x18000] =	vst v63  }
0x7a: {  	_ =	swait.ge [sflag:s5], $0x8000  }
0x7b: {  	[sflag:s5] =	ssyncset.done $0x0  }
0x7c: {  	s1 =	rddreg [dreg:$0x18];
	[sflag:s5] =	ssyncadd.s32 $0xFFFF8000  }
0x7d: {  	[tilespmem:s11], [sflag:$0x1] =	stream.linear.gather [hbm4b:s1+s2], $0x8000, $0x38;
	[tilespmem:$0x18000] =	vst v63  }
0x7e: {  	_ =	swait.ge [sflag:s10], $0x8000  }
0x7f: {  	[sflag:s10] =	ssyncset.done $0x0  }
0x80: {  	s1 =	rddreg [dreg:$0x19];
	[sflag:s10] =	ssyncadd.s32 $0xFFFF8000  }
0x81: {  	[hbm4b:s1+s2] =	stream.linear.scatter [tilespmem:s12], [sflag:$0x3], $0x8000, $0x38;
	[tilespmem:$0x18000] =	vst v63  }
0x82: {  	_ =	swait.ge [sflag:s9], $0x8000  }
0x83: {  	[sflag:s9] =	ssyncset.done $0x0  }
0x84: {  	s1 =	rddreg [dreg:$0x1a];
	[sflag:s9] =	ssyncadd.s32 $0xFFFF8000  }
0x85: {  	[tilespmem:s2], [sflag:$0x1] =	stream.linear.gather [hbm4b:s1+s2], $0x8000, $0x38;
	[tilespmem:$0x18000] =	vst v63  }
0x86: {  	_ =	swait.ge [sflag:s10], $0x8000  }
0x87: {  	[sflag:s10] =	ssyncset.done $0x0  }
0x88: {  	s1 =	rddreg [dreg:$0x1b];
	[sflag:s10] =	ssyncadd.s32 $0xFFFF8000  }
0x89: {  	[hbm4b:s1+s2] =	stream.linear.scatter [tilespmem:s11], [sflag:$0x4], $0x8000, $0x38;
	[tilespmem:$0x18000] =	vst v63  }
0x8a: {  	_ =	swait.ge [sflag:s7], $0x8000  }
0x8b: {  	[sflag:s7] =	ssyncset.done $0x0  }
0x8c: {  	s1 =	rddreg [dreg:$0x1c];
	[sflag:s7] =	ssyncadd.s32 $0xFFFF8000  }
0x8d: {  	[tilespmem:s12], [sflag:$0x1] =	stream.linear.gather [hbm4b:s1+s2], $0x8000, $0x38;
	[tilespmem:$0x18000] =	vst v63  }
0x8e: {  	_ =	swait.ge [sflag:s10], $0x8000  }
0x8f: {  	[sflag:s10] =	ssyncset.done $0x0  }
0x90: {  	[sflag:s10] =	ssyncadd.s32 $0xFFFF8000  }
0x91: {  	[hbm4b:s29+s2] =	stream.linear.scatter [tilespmem:s2], [sflag:$0x2], $0x8000, $0x38;
	[tilespmem:$0x18000] =	vst v63  }
0x92: {  	_ =	swait.ge [sflag:s5], $0x8000  }
0x93: {  	[sflag:s5] =	ssyncset.done $0x0  }
0x94: {  	[sflag:s5] =	ssyncadd.s32 $0xFFFF8000  }
0x95: {  	[tilespmem:s11], [sflag:$0x1] =	stream.linear.gather [hbm4b:s31+s2], $0x8000, $0x38;
	[tilespmem:$0x18000] =	vst v63  }
0x96: {  	_ =	swait.ge [sflag:s10], $0x8000  }
0x97: {  	[sflag:s10] =	ssyncset.done $0x0  }
0x98: {  	[sflag:s10] =	ssyncadd.s32 $0xFFFF8000  }
0x99: {  	[hbm4b:s26+s2] =	stream.linear.scatter [tilespmem:s12], [sflag:$0x3], $0x8000, $0x38;
	[tilespmem:$0x18000] =	vst v63  }
0x9a: {  	_ =	swait.ge [sflag:s9], $0x8000  }
0x9b: {  	[sflag:s9] =	ssyncset.done $0x0  }
0x9c: {  	[sflag:s9] =	ssyncadd.s32 $0xFFFF8000  }
0x9d: {  	[tilespmem:s2], [sflag:$0x1] =	stream.linear.gather [hbm4b:s30+s2], $0x8000, $0x38;
	[tilespmem:$0x18000] =	vst v63  }
0x9e: {  	_ =	swait.ge [sflag:s10], $0x8000  }
0x9f: {  	[sflag:s10] =	ssyncset.done $0x0  }
0xa0: {  	[sflag:s10] =	ssyncadd.s32 $0xFFFF8000  }
0xa1: {  	[hbm4b:s28+s2] =	stream.linear.scatter [tilespmem:s11], [sflag:$0x4], $0x8000, $0x38;
	[tilespmem:$0x18000] =	vst v63  }
0xa2: {  	_ =	swait.ge [sflag:s7], $0x8000  }
0xa3: {  	[sflag:s7] =	ssyncset.done $0x0  }
0xa4: {  	[sflag:s7] =	ssyncadd.s32 $0xFFFF8000  }
0xa5: {  	[tilespmem:s12], [sflag:$0x1] =	stream.linear.gather [hbm4b:s23+s2], $0x8000, $0x38;
	[tilespmem:$0x18000] =	vst v63  }
0xa6: {  	_ =	swait.ge [sflag:s10], $0x8000  }
0xa7: {  	[sflag:s10] =	ssyncset.done $0x0  }
0xa8: {  	[sflag:s10] =	ssyncadd.s32 $0xFFFF8000  }
0xa9: {  	[hbm4b:s25+s2] =	stream.linear.scatter [tilespmem:s2], [sflag:$0x2], $0x8000, $0x38;
	[tilespmem:$0x18000] =	vst v63  }
0xaa: {  	_ =	swait.ge [sflag:s5], $0x8000  }
0xab: {  	[sflag:s5] =	ssyncset.done $0x0  }
0xac: {  	[sflag:s5] =	ssyncadd.s32 $0xFFFF8000  }
0xad: {  	[tilespmem:s11], [sflag:$0x1] =	stream.linear.gather [hbm4b:s21+s2], $0x8000, $0x38;
	[tilespmem:$0x18000] =	vst v63  }
0xae: {  	_ =	swait.ge [sflag:s10], $0x8000  }
0xaf: {  	[sflag:s10] =	ssyncset.done $0x0  }
0xb0: {  	[sflag:s10] =	ssyncadd.s32 $0xFFFF8000  }
0xb1: {  	[hbm4b:s24+s2] =	stream.linear.scatter [tilespmem:s12], [sflag:$0x3], $0x8000, $0x38;
	[tilespmem:$0x18000] =	vst v63  }
0xb2: {  	_ =	swait.ge [sflag:s9], $0x8000  }
0xb3: {  	[sflag:s9] =	ssyncset.done $0x0  }
0xb4: {  	[sflag:s9] =	ssyncadd.s32 $0xFFFF8000  }
0xb5: {  	[tilespmem:s2], [sflag:$0x1] =	stream.linear.gather [hbm4b:s19+s2], $0x8000, $0x38;
	[tilespmem:$0x18000] =	vst v63  }
0xb6: {  	_ =	swait.ge [sflag:s10], $0x8000  }
0xb7: {  	[sflag:s10] =	ssyncset.done $0x0  }
0xb8: {  	[sflag:s10] =	ssyncadd.s32 $0xFFFF8000  }
0xb9: {  	[hbm4b:s22+s2] =	stream.linear.scatter [tilespmem:s11], [sflag:$0x4], $0x8000, $0x38;
	[tilespmem:$0x18000] =	vst v63  }
0xba: {  	_ =	swait.ge [sflag:s7], $0x8000  }
0xbb: {  	[sflag:s7] =	ssyncset.done $0x0  }
0xbc: {  	[sflag:s7] =	ssyncadd.s32 $0xFFFF8000  }
0xbd: {  	[tilespmem:s12], [sflag:$0x1] =	stream.linear.gather [hbm4b:s17+s2], $0x8000, $0x38;
	[tilespmem:$0x18000] =	vst v63  }
0xbe: {  	_ =	swait.ge [sflag:s10], $0x8000  }
0xbf: {  	[sflag:s10] =	ssyncset.done $0x0  }
0xc0: {  	[sflag:s10] =	ssyncadd.s32 $0xFFFF8000  }
0xc1: {  	[hbm4b:s20+s2] =	stream.linear.scatter [tilespmem:s2], [sflag:$0x2], $0x8000, $0x38;
	[tilespmem:$0x18000] =	vst v63  }
0xc2: {  	_ =	swait.ge [sflag:s5], $0x8000  }
0xc3: {  	[sflag:s5] =	ssyncset.done $0x0  }
0xc4: {  	[sflag:s5] =	ssyncadd.s32 $0xFFFF8000  }
0xc5: {  	[tilespmem:s11], [sflag:$0x1] =	stream.linear.gather [hbm4b:s15+s2], $0x8000, $0x38;
	[tilespmem:$0x18000] =	vst v63  }
0xc6: {  	_ =	swait.ge [sflag:s10], $0x8000  }
0xc7: {  	[sflag:s10] =	ssyncset.done $0x0  }
0xc8: {  	[sflag:s10] =	ssyncadd.s32 $0xFFFF8000  }
0xc9: {  	[hbm4b:s18+s2] =	stream.linear.scatter [tilespmem:s12], [sflag:$0x3], $0x8000, $0x38;
	[tilespmem:$0x18000] =	vst v63  }
0xca: {  	_ =	swait.ge [sflag:s9], $0x8000  }
0xcb: {  	[sflag:s9] =	ssyncset.done $0x0  }
0xcc: {  	[sflag:s9] =	ssyncadd.s32 $0xFFFF8000  }
0xcd: {  	[tilespmem:s2], [sflag:$0x1] =	stream.linear.gather [hbm4b:s13+s2], $0x8000, $0x38;
	[tilespmem:$0x18000] =	vst v63  }
0xce: {  	_ =	swait.ge [sflag:s10], $0x8000  }
0xcf: {  	[sflag:s10] =	ssyncset.done $0x0  }
0xd0: {  	[sflag:s10] =	ssyncadd.s32 $0xFFFF8000  }
0xd1: {  	[hbm4b:s16+s2] =	stream.linear.scatter [tilespmem:s11], [sflag:$0x4], $0x8000, $0x38;
	[tilespmem:$0x18000] =	vst v63  }
0xd2: {  	_ =	swait.ge [sflag:s7], $0x8000  }
0xd3: {  	[sflag:s7] =	ssyncset.done $0x0  }
0xd4: {  	[sflag:s7] =	ssyncadd.s32 $0xFFFF8000  }
0xd5: {  	[tilespmem:s12], [sflag:$0x1] =	stream.linear.gather [hbm4b:s6+s2], $0x8000, $0x38;
	[tilespmem:$0x18000] =	vst v63  }
0xd6: {  	_ =	swait.ge [sflag:s10], $0x8000  }
0xd7: {  	[sflag:s10] =	ssyncset.done $0x0  }
0xd8: {  	[sflag:s10] =	ssyncadd.s32 $0xFFFF8000  }
0xd9: {  	[hbm4b:s14+s2] =	stream.linear.scatter [tilespmem:s2], [sflag:$0x2], $0x8000, $0x38;
	[tilespmem:$0x18000] =	vst v63  }
0xda: {  	_ =	swait.ge [sflag:s5], $0x8000  }
0xdb: {  	[sflag:s5] =	ssyncset.done $0x0  }
0xdc: {  	[sflag:s5] =	ssyncadd.s32 $0xFFFF8000  }
0xdd: {  	[tilespmem:s11], [sflag:$0x1] =	stream.linear.gather [hbm4b:s3+s2], $0x8000, $0x38;
	[tilespmem:$0x18000] =	vst v63  }
0xde: {  	_ =	swait.ge [sflag:s10], $0x8000  }
0xdf: {  	[sflag:s10] =	ssyncset.done $0x0  }
0xe0: {  	[sflag:s10] =	ssyncadd.s32 $0xFFFF8000  }
0xe1: {  	[hbm4b:s8+s2] =	stream.linear.scatter [tilespmem:s12], [sflag:$0x3], $0x8000, $0x38;
	[tilespmem:$0x18000] =	vst v63  }
0xe2: {  	_ =	swait.ge [sflag:s10], $0x8000  }
0xe3: {  	[sflag:s10] =	ssyncset.done $0x0  }
0xe4: {  	[sflag:s10] =	ssyncadd.s32 $0xFFFF8000  }
0xe5: {  	[hbm4b:s4+s2] =	stream.linear.scatter [tilespmem:s11], [sflag:$0x4], $0x8000, $0x38;
	[tilespmem:$0x18000] =	vst v63  }
0xe6: {  	_ =	swait.ge [sflag:s9], $0x8000  }
0xe7: {  	[sflag:s9] =	ssyncset.done $0x0  }
0xe8: {  	[sflag:s9] =	ssyncadd.s32 $0xFFFF8000  }
0xe9: {  	_ =	swait.ge [sflag:s7], $0x8000  }
0xea: {  	s1 =	rddreg [dreg:$0x1d]  }
0xeb: {  	p1 =	sne.s32 s1, $0x1  }
.Ltmp1:
0xec: {  	_ = 	snop;
	(pc) =	sbr.rel @!p1 .LBB2_3-.Ltmp1, $4  }
0xed: {  	[sflag:s7] =	ssyncset.done $0x0  }
0xee: {  	[sflag:s7] =	ssyncadd.s32 $0xFFFF8000  }
0xef: {  	p0 =	por $0x1, $0x1;
	_ =	swait.ge [sflag:s5], $0x8000  }
0xf0: {  	s1 =	sadd.s32 $0xFFFFFFFF, s1;
	s0 =	rddreg [dreg:$0x3];
	[sflag:s5] =	ssyncset.done $0x0  }
.LBB2_2:
0xf1: {  	[sflag:s5] =	ssyncadd.s32 $0xFFFF8000  }
0xf2: {  	s5 =	simm.s32 $0x8000;
	s11 =	smov.u32 s31;
	s31 =	smov.u32 s30  }
0xf3: {  	s30 =	smov.u32 s29;
	s29 =	smov.u32 s28;
	s28 =	smov.u32 s26  }
0xf4: {  	s26 =	smov.u32 s25;
	s25 =	smov.u32 s24;
	s24 =	smov.u32 s23  }
0xf5: {  	s23 =	smov.u32 s22;
	s22 =	smov.u32 s21;
	s21 =	smov.u32 s20  }
0xf6: {  	s20 =	smov.u32 s19;
	s19 =	smov.u32 s18;
	s18 =	smov.u32 s17  }
0xf7: {  	s17 =	smov.u32 s16;
	s16 =	smov.u32 s15;
	s15 =	smov.u32 s14  }
0xf8: {  	s14 =	smov.u32 s13;
	s13 =	smov.u32 s8;
	s8 =	smov.u32 s6  }
0xf9: {  	[tilespmem:s2], [sflag:$0x1] =	stream.linear.gather [hbm4b:s0+s2], $0x8000, $0x38;
	[tilespmem:$0x18000] =	vst v63  }
0xfa: {  	s6 =	smov.u32 s4;
	s4 =	smov.u32 s3;
	s3 =	rddreg [dreg:$0x4]  }
0xfb: {  	[tilespmem:s5], [sflag:$0x1] =	stream.linear.gather [hbm4b:s3+s2], $0x8000, $0x38;
	[tilespmem:$0x18000] =	vst v63  }
0xfc: {  	_ =	swait.ge [sflag:s10], $0x8000  }
0xfd: {  	[sflag:s10] =	ssyncset.done $0x0  }
0xfe: {  	s0 =	rddreg [dreg:$0x5];
	[sflag:s10] =	ssyncadd.s32 $0xFFFF8000  }
0xff: {  	[hbm4b:s0+s2] =	stream.linear.scatter [tilespmem:s2], [sflag:$0x2], $0x8000, $0x38;
	[tilespmem:$0x18000] =	vst v63  }
0x100: {  	s12 =	simm.s32 $0x10000;
	s3 =	rddreg [dreg:$0x6]  }
0x101: {  	[tilespmem:s12], [sflag:$0x1] =	stream.linear.gather [hbm4b:s3+s2], $0x8000, $0x38;
	[tilespmem:$0x18000] =	vst v63  }
0x102: {  	s12 =	simm.s32 $0x8000;
	s3 =	smov.u32 s4;
	s4 =	smov.u32 s6  }
0x103: {  	s6 =	smov.u32 s8;
	s8 =	smov.u32 s13;
	s13 =	smov.u32 s14  }
0x104: {  	s14 =	smov.u32 s15;
	s15 =	smov.u32 s16;
	s16 =	smov.u32 s17  }
0x105: {  	s17 =	smov.u32 s18;
	s18 =	smov.u32 s19;
	_ =	swait.ge [sflag:s10], $0x8000  }
0x106: {  	s19 =	smov.u32 s20;
	s20 =	smov.u32 s21;
	[sflag:s10] =	ssyncset.done $0x0  }
0x107: {  	s21 =	smov.u32 s22;
	s0 =	rddreg [dreg:$0x7];
	[sflag:s10] =	ssyncadd.s32 $0xFFFF8000  }
0x108: {  	[hbm4b:s0+s2] =	stream.linear.scatter [tilespmem:s12], [sflag:$0x3], $0x8000, $0x38;
	[tilespmem:$0x18000] =	vst v63  }
0x109: {  	s22 =	smov.u32 s23;
	s23 =	smov.u32 s24;
	_ =	swait.ge [sflag:s9], $0x8000  }
0x10a: {  	s24 =	smov.u32 s25;
	s25 =	smov.u32 s26;
	[sflag:s9] =	ssyncset.done $0x0  }
0x10b: {  	s26 =	smov.u32 s28;
	s0 =	rddreg [dreg:$0x8];
	[sflag:s9] =	ssyncadd.s32 $0xFFFF8000  }
0x10c: {  	[tilespmem:s2], [sflag:$0x1] =	stream.linear.gather [hbm4b:s0+s2], $0x8000, $0x38;
	[tilespmem:$0x18000] =	vst v63  }
0x10d: {  	s28 =	smov.u32 s29;
	s29 =	smov.u32 s30;
	_ =	swait.ge [sflag:s10], $0x8000  }
0x10e: {  	s30 =	smov.u32 s31;
	s31 =	smov.u32 s11;
	[sflag:s10] =	ssyncset.done $0x0  }
0x10f: {  	s11 =	simm.s32 $0x10000;
	s0 =	rddreg [dreg:$0x9];
	[sflag:s10] =	ssyncadd.s32 $0xFFFF8000  }
0x110: {  	[hbm4b:s0+s2] =	stream.linear.scatter [tilespmem:s11], [sflag:$0x4], $0x8000, $0x38;
	[tilespmem:$0x18000] =	vst v63  }
0x111: {  	_ =	swait.ge [sflag:s7], $0x8000  }
0x112: {  	[sflag:s7] =	ssyncset.done $0x0  }
0x113: {  	s0 =	rddreg [dreg:$0xa];
	[sflag:s7] =	ssyncadd.s32 $0xFFFF8000  }
0x114: {  	[tilespmem:s12], [sflag:$0x1] =	stream.linear.gather [hbm4b:s0+s2], $0x8000, $0x38;
	[tilespmem:$0x18000] =	vst v63  }
0x115: {  	_ =	swait.ge [sflag:s10], $0x8000  }
0x116: {  	[sflag:s10] =	ssyncset.done $0x0  }
0x117: {  	s5 =	simm.s32 $0x4;
	s0 =	rddreg [dreg:$0xb];
	[sflag:s10] =	ssyncadd.s32 $0xFFFF8000  }
0x118: {  	[hbm4b:s0+s2] =	stream.linear.scatter [tilespmem:s2], [sflag:$0x2], $0x8000, $0x38;
	[tilespmem:$0x18000] =	vst v63  }
0x119: {  	_ =	swait.ge [sflag:s5], $0x8000  }
0x11a: {  	[sflag:s5] =	ssyncset.done $0x0  }
0x11b: {  	s0 =	rddreg [dreg:$0xc];
	[sflag:s5] =	ssyncadd.s32 $0xFFFF8000  }
0x11c: {  	[tilespmem:s11], [sflag:$0x1] =	stream.linear.gather [hbm4b:s0+s2], $0x8000, $0x38;
	[tilespmem:$0x18000] =	vst v63  }
0x11d: {  	_ =	swait.ge [sflag:s10], $0x8000  }
0x11e: {  	[sflag:s10] =	ssyncset.done $0x0  }
0x11f: {  	s0 =	rddreg [dreg:$0xd];
	[sflag:s10] =	ssyncadd.s32 $0xFFFF8000  }
0x120: {  	[hbm4b:s0+s2] =	stream.linear.scatter [tilespmem:s12], [sflag:$0x3], $0x8000, $0x38;
	[tilespmem:$0x18000] =	vst v63  }
0x121: {  	_ =	swait.ge [sflag:s9], $0x8000  }
0x122: {  	[sflag:s9] =	ssyncset.done $0x0  }
0x123: {  	s0 =	rddreg [dreg:$0xe];
	[sflag:s9] =	ssyncadd.s32 $0xFFFF8000  }
0x124: {  	[tilespmem:s2], [sflag:$0x1] =	stream.linear.gather [hbm4b:s0+s2], $0x8000, $0x38;
	[tilespmem:$0x18000] =	vst v63  }
0x125: {  	_ =	swait.ge [sflag:s10], $0x8000  }
0x126: {  	[sflag:s10] =	ssyncset.done $0x0  }
0x127: {  	s0 =	rddreg [dreg:$0xf];
	[sflag:s10] =	ssyncadd.s32 $0xFFFF8000  }
0x128: {  	[hbm4b:s0+s2] =	stream.linear.scatter [tilespmem:s11], [sflag:$0x4], $0x8000, $0x38;
	[tilespmem:$0x18000] =	vst v63  }
0x129: {  	_ =	swait.ge [sflag:s7], $0x8000  }
0x12a: {  	[sflag:s7] =	ssyncset.done $0x0  }
0x12b: {  	s0 =	rddreg [dreg:$0x10];
	[sflag:s7] =	ssyncadd.s32 $0xFFFF8000  }
0x12c: {  	[tilespmem:s12], [sflag:$0x1] =	stream.linear.gather [hbm4b:s0+s2], $0x8000, $0x38;
	[tilespmem:$0x18000] =	vst v63  }
0x12d: {  	_ =	swait.ge [sflag:s10], $0x8000  }
0x12e: {  	[sflag:s10] =	ssyncset.done $0x0  }
0x12f: {  	s0 =	rddreg [dreg:$0x11];
	[sflag:s10] =	ssyncadd.s32 $0xFFFF8000  }
0x130: {  	[hbm4b:s0+s2] =	stream.linear.scatter [tilespmem:s2], [sflag:$0x2], $0x8000, $0x38;
	[tilespmem:$0x18000] =	vst v63  }
0x131: {  	_ =	swait.ge [sflag:s5], $0x8000  }
0x132: {  	[sflag:s5] =	ssyncset.done $0x0  }
0x133: {  	s0 =	rddreg [dreg:$0x12];
	[sflag:s5] =	ssyncadd.s32 $0xFFFF8000  }
0x134: {  	[tilespmem:s11], [sflag:$0x1] =	stream.linear.gather [hbm4b:s0+s2], $0x8000, $0x38;
	[tilespmem:$0x18000] =	vst v63  }
0x135: {  	_ =	swait.ge [sflag:s10], $0x8000  }
0x136: {  	[sflag:s10] =	ssyncset.done $0x0  }
0x137: {  	s0 =	rddreg [dreg:$0x13];
	[sflag:s10] =	ssyncadd.s32 $0xFFFF8000  }
0x138: {  	[hbm4b:s0+s2] =	stream.linear.scatter [tilespmem:s12], [sflag:$0x3], $0x8000, $0x38;
	[tilespmem:$0x18000] =	vst v63  }
0x139: {  	_ =	swait.ge [sflag:s9], $0x8000  }
0x13a: {  	[sflag:s9] =	ssyncset.done $0x0  }
0x13b: {  	s0 =	rddreg [dreg:$0x14];
	[sflag:s9] =	ssyncadd.s32 $0xFFFF8000  }
0x13c: {  	[tilespmem:s2], [sflag:$0x1] =	stream.linear.gather [hbm4b:s0+s2], $0x8000, $0x38;
	[tilespmem:$0x18000] =	vst v63  }
0x13d: {  	_ =	swait.ge [sflag:s10], $0x8000  }
0x13e: {  	[sflag:s10] =	ssyncset.done $0x0  }
0x13f: {  	s0 =	rddreg [dreg:$0x15];
	[sflag:s10] =	ssyncadd.s32 $0xFFFF8000  }
0x140: {  	[hbm4b:s0+s2] =	stream.linear.scatter [tilespmem:s11], [sflag:$0x4], $0x8000, $0x38;
	[tilespmem:$0x18000] =	vst v63  }
0x141: {  	_ =	swait.ge [sflag:s7], $0x8000  }
0x142: {  	[sflag:s7] =	ssyncset.done $0x0  }
0x143: {  	s0 =	rddreg [dreg:$0x16];
	[sflag:s7] =	ssyncadd.s32 $0xFFFF8000  }
0x144: {  	[tilespmem:s12], [sflag:$0x1] =	stream.linear.gather [hbm4b:s0+s2], $0x8000, $0x38;
	[tilespmem:$0x18000] =	vst v63  }
0x145: {  	_ =	swait.ge [sflag:s10], $0x8000  }
0x146: {  	[sflag:s10] =	ssyncset.done $0x0  }
0x147: {  	s0 =	rddreg [dreg:$0x17];
	[sflag:s10] =	ssyncadd.s32 $0xFFFF8000  }
0x148: {  	[hbm4b:s0+s2] =	stream.linear.scatter [tilespmem:s2], [sflag:$0x2], $0x8000, $0x38;
	[tilespmem:$0x18000] =	vst v63  }
0x149: {  	_ =	swait.ge [sflag:s5], $0x8000  }
0x14a: {  	[sflag:s5] =	ssyncset.done $0x0  }
0x14b: {  	s0 =	rddreg [dreg:$0x18];
	[sflag:s5] =	ssyncadd.s32 $0xFFFF8000  }
0x14c: {  	[tilespmem:s11], [sflag:$0x1] =	stream.linear.gather [hbm4b:s0+s2], $0x8000, $0x38;
	[tilespmem:$0x18000] =	vst v63  }
0x14d: {  	_ =	swait.ge [sflag:s10], $0x8000  }
0x14e: {  	[sflag:s10] =	ssyncset.done $0x0  }
0x14f: {  	s0 =	rddreg [dreg:$0x19];
	[sflag:s10] =	ssyncadd.s32 $0xFFFF8000  }
0x150: {  	[hbm4b:s0+s2] =	stream.linear.scatter [tilespmem:s12], [sflag:$0x3], $0x8000, $0x38;
	[tilespmem:$0x18000] =	vst v63  }
0x151: {  	_ =	swait.ge [sflag:s9], $0x8000  }
0x152: {  	[sflag:s9] =	ssyncset.done $0x0  }
0x153: {  	s0 =	rddreg [dreg:$0x1a];
	[sflag:s9] =	ssyncadd.s32 $0xFFFF8000  }
0x154: {  	[tilespmem:s2], [sflag:$0x1] =	stream.linear.gather [hbm4b:s0+s2], $0x8000, $0x38;
	[tilespmem:$0x18000] =	vst v63  }
0x155: {  	_ =	swait.ge [sflag:s10], $0x8000  }
0x156: {  	[sflag:s10] =	ssyncset.done $0x0  }
0x157: {  	s0 =	rddreg [dreg:$0x1b];
	[sflag:s10] =	ssyncadd.s32 $0xFFFF8000  }
0x158: {  	[hbm4b:s0+s2] =	stream.linear.scatter [tilespmem:s11], [sflag:$0x4], $0x8000, $0x38;
	[tilespmem:$0x18000] =	vst v63  }
0x159: {  	_ =	swait.ge [sflag:s7], $0x8000  }
0x15a: {  	[sflag:s7] =	ssyncset.done $0x0  }
0x15b: {  	s0 =	rddreg [dreg:$0x1c];
	[sflag:s7] =	ssyncadd.s32 $0xFFFF8000  }
0x15c: {  	[tilespmem:s12], [sflag:$0x1] =	stream.linear.gather [hbm4b:s0+s2], $0x8000, $0x38;
	[tilespmem:$0x18000] =	vst v63  }
0x15d: {  	_ =	swait.ge [sflag:s10], $0x8000  }
0x15e: {  	[sflag:s10] =	ssyncset.done $0x0  }
0x15f: {  	[sflag:s10] =	ssyncadd.s32 $0xFFFF8000  }
0x160: {  	[hbm4b:s29+s2] =	stream.linear.scatter [tilespmem:s2], [sflag:$0x2], $0x8000, $0x38;
	[tilespmem:$0x18000] =	vst v63  }
0x161: {  	_ =	swait.ge [sflag:s5], $0x8000  }
0x162: {  	[sflag:s5] =	ssyncset.done $0x0  }
0x163: {  	[sflag:s5] =	ssyncadd.s32 $0xFFFF8000  }
0x164: {  	[tilespmem:s11], [sflag:$0x1] =	stream.linear.gather [hbm4b:s31+s2], $0x8000, $0x38;
	[tilespmem:$0x18000] =	vst v63  }
0x165: {  	_ =	swait.ge [sflag:s10], $0x8000  }
0x166: {  	[sflag:s10] =	ssyncset.done $0x0  }
0x167: {  	[sflag:s10] =	ssyncadd.s32 $0xFFFF8000  }
0x168: {  	[hbm4b:s26+s2] =	stream.linear.scatter [tilespmem:s12], [sflag:$0x3], $0x8000, $0x38;
	[tilespmem:$0x18000] =	vst v63  }
0x169: {  	_ =	swait.ge [sflag:s9], $0x8000  }
0x16a: {  	[sflag:s9] =	ssyncset.done $0x0  }
0x16b: {  	[sflag:s9] =	ssyncadd.s32 $0xFFFF8000  }
0x16c: {  	[tilespmem:s2], [sflag:$0x1] =	stream.linear.gather [hbm4b:s30+s2], $0x8000, $0x38;
	[tilespmem:$0x18000] =	vst v63  }
0x16d: {  	_ =	swait.ge [sflag:s10], $0x8000  }
0x16e: {  	[sflag:s10] =	ssyncset.done $0x0  }
0x16f: {  	[sflag:s10] =	ssyncadd.s32 $0xFFFF8000  }
0x170: {  	[hbm4b:s28+s2] =	stream.linear.scatter [tilespmem:s11], [sflag:$0x4], $0x8000, $0x38;
	[tilespmem:$0x18000] =	vst v63  }
0x171: {  	_ =	swait.ge [sflag:s7], $0x8000  }
0x172: {  	[sflag:s7] =	ssyncset.done $0x0  }
0x173: {  	[sflag:s7] =	ssyncadd.s32 $0xFFFF8000  }
0x174: {  	[tilespmem:s12], [sflag:$0x1] =	stream.linear.gather [hbm4b:s23+s2], $0x8000, $0x38;
	[tilespmem:$0x18000] =	vst v63  }
0x175: {  	_ =	swait.ge [sflag:s10], $0x8000  }
0x176: {  	[sflag:s10] =	ssyncset.done $0x0  }
0x177: {  	[sflag:s10] =	ssyncadd.s32 $0xFFFF8000  }
0x178: {  	[hbm4b:s25+s2] =	stream.linear.scatter [tilespmem:s2], [sflag:$0x2], $0x8000, $0x38;
	[tilespmem:$0x18000] =	vst v63  }
0x179: {  	_ =	swait.ge [sflag:s5], $0x8000  }
0x17a: {  	[sflag:s5] =	ssyncset.done $0x0  }
0x17b: {  	[sflag:s5] =	ssyncadd.s32 $0xFFFF8000  }
0x17c: {  	[tilespmem:s11], [sflag:$0x1] =	stream.linear.gather [hbm4b:s21+s2], $0x8000, $0x38;
	[tilespmem:$0x18000] =	vst v63  }
0x17d: {  	_ =	swait.ge [sflag:s10], $0x8000  }
0x17e: {  	[sflag:s10] =	ssyncset.done $0x0  }
0x17f: {  	[sflag:s10] =	ssyncadd.s32 $0xFFFF8000  }
0x180: {  	[hbm4b:s24+s2] =	stream.linear.scatter [tilespmem:s12], [sflag:$0x3], $0x8000, $0x38;
	[tilespmem:$0x18000] =	vst v63  }
0x181: {  	_ =	swait.ge [sflag:s9], $0x8000  }
0x182: {  	[sflag:s9] =	ssyncset.done $0x0  }
0x183: {  	[sflag:s9] =	ssyncadd.s32 $0xFFFF8000  }
0x184: {  	[tilespmem:s2], [sflag:$0x1] =	stream.linear.gather [hbm4b:s19+s2], $0x8000, $0x38;
	[tilespmem:$0x18000] =	vst v63  }
0x185: {  	_ =	swait.ge [sflag:s10], $0x8000  }
0x186: {  	[sflag:s10] =	ssyncset.done $0x0  }
0x187: {  	[sflag:s10] =	ssyncadd.s32 $0xFFFF8000  }
0x188: {  	[hbm4b:s22+s2] =	stream.linear.scatter [tilespmem:s11], [sflag:$0x4], $0x8000, $0x38;
	[tilespmem:$0x18000] =	vst v63  }
0x189: {  	_ =	swait.ge [sflag:s7], $0x8000  }
0x18a: {  	[sflag:s7] =	ssyncset.done $0x0  }
0x18b: {  	[sflag:s7] =	ssyncadd.s32 $0xFFFF8000  }
0x18c: {  	[tilespmem:s12], [sflag:$0x1] =	stream.linear.gather [hbm4b:s17+s2], $0x8000, $0x38;
	[tilespmem:$0x18000] =	vst v63  }
0x18d: {  	_ =	swait.ge [sflag:s10], $0x8000  }
0x18e: {  	[sflag:s10] =	ssyncset.done $0x0  }
0x18f: {  	[sflag:s10] =	ssyncadd.s32 $0xFFFF8000  }
0x190: {  	[hbm4b:s20+s2] =	stream.linear.scatter [tilespmem:s2], [sflag:$0x2], $0x8000, $0x38;
	[tilespmem:$0x18000] =	vst v63  }
0x191: {  	_ =	swait.ge [sflag:s5], $0x8000  }
0x192: {  	[sflag:s5] =	ssyncset.done $0x0  }
0x193: {  	[sflag:s5] =	ssyncadd.s32 $0xFFFF8000  }
0x194: {  	[tilespmem:s11], [sflag:$0x1] =	stream.linear.gather [hbm4b:s15+s2], $0x8000, $0x38;
	[tilespmem:$0x18000] =	vst v63  }
0x195: {  	_ =	swait.ge [sflag:s10], $0x8000  }
0x196: {  	[sflag:s10] =	ssyncset.done $0x0  }
0x197: {  	[sflag:s10] =	ssyncadd.s32 $0xFFFF8000  }
0x198: {  	[hbm4b:s18+s2] =	stream.linear.scatter [tilespmem:s12], [sflag:$0x3], $0x8000, $0x38;
	[tilespmem:$0x18000] =	vst v63  }
0x199: {  	_ =	swait.ge [sflag:s9], $0x8000  }
0x19a: {  	[sflag:s9] =	ssyncset.done $0x0  }
0x19b: {  	[sflag:s9] =	ssyncadd.s32 $0xFFFF8000  }
0x19c: {  	[tilespmem:s2], [sflag:$0x1] =	stream.linear.gather [hbm4b:s13+s2], $0x8000, $0x38;
	[tilespmem:$0x18000] =	vst v63  }
0x19d: {  	_ =	swait.ge [sflag:s10], $0x8000  }
0x19e: {  	[sflag:s10] =	ssyncset.done $0x0  }
0x19f: {  	[sflag:s10] =	ssyncadd.s32 $0xFFFF8000  }
0x1a0: {  	[hbm4b:s16+s2] =	stream.linear.scatter [tilespmem:s11], [sflag:$0x4], $0x8000, $0x38;
	[tilespmem:$0x18000] =	vst v63  }
0x1a1: {  	_ =	swait.ge [sflag:s7], $0x8000  }
0x1a2: {  	[sflag:s7] =	ssyncset.done $0x0  }
0x1a3: {  	[sflag:s7] =	ssyncadd.s32 $0xFFFF8000  }
0x1a4: {  	[tilespmem:s12], [sflag:$0x1] =	stream.linear.gather [hbm4b:s6+s2], $0x8000, $0x38;
	[tilespmem:$0x18000] =	vst v63  }
0x1a5: {  	_ =	swait.ge [sflag:s10], $0x8000  }
0x1a6: {  	[sflag:s10] =	ssyncset.done $0x0  }
0x1a7: {  	[sflag:s10] =	ssyncadd.s32 $0xFFFF8000  }
0x1a8: {  	[hbm4b:s14+s2] =	stream.linear.scatter [tilespmem:s2], [sflag:$0x2], $0x8000, $0x38;
	[tilespmem:$0x18000] =	vst v63  }
0x1a9: {  	_ =	swait.ge [sflag:s5], $0x8000  }
0x1aa: {  	[sflag:s5] =	ssyncset.done $0x0  }
0x1ab: {  	[sflag:s5] =	ssyncadd.s32 $0xFFFF8000  }
0x1ac: {  	[tilespmem:s11], [sflag:$0x1] =	stream.linear.gather [hbm4b:s3+s2], $0x8000, $0x38;
	[tilespmem:$0x18000] =	vst v63  }
0x1ad: {  	_ =	swait.ge [sflag:s10], $0x8000  }
0x1ae: {  	[sflag:s10] =	ssyncset.done $0x0  }
0x1af: {  	[sflag:s10] =	ssyncadd.s32 $0xFFFF8000  }
0x1b0: {  	[hbm4b:s8+s2] =	stream.linear.scatter [tilespmem:s12], [sflag:$0x3], $0x8000, $0x38;
	[tilespmem:$0x18000] =	vst v63  }
0x1b1: {  	_ =	swait.ge [sflag:s10], $0x8000  }
0x1b2: {  	[sflag:s10] =	ssyncset.done $0x0  }
0x1b3: {  	[sflag:s10] =	ssyncadd.s32 $0xFFFF8000  }
0x1b4: {  	[hbm4b:s4+s2] =	stream.linear.scatter [tilespmem:s11], [sflag:$0x4], $0x8000, $0x38;
	[tilespmem:$0x18000] =	vst v63  }
0x1b5: {  	_ =	swait.ge [sflag:s9], $0x8000  }
0x1b6: {  	[sflag:s9] =	ssyncset.done $0x0  }
0x1b7: {  	p1 =	sne.s32 s1, $0x1;
	[sflag:s9] =	ssyncadd.s32 $0xFFFF8000  }
.Ltmp2:
0x1b8: {  	_ =	swait.ge [sflag:s7], $0x8000;
	(pc) =	sbr.rel @p1 .LBB2_2-.Ltmp2, $4  }
0x1b9: {  	[sflag:s7] =	ssyncset.done $0x0  }
0x1ba: {  	[sflag:s7] =	ssyncadd.s32 $0xFFFF8000  }
0x1bb: {  	_ =	swait.ge [sflag:s5], $0x8000  }
0x1bc: {  	s1 =	sadd.s32 $0xFFFFFFFF, s1;
	s0 =	rddreg [dreg:$0x3];
	[sflag:s5] =	ssyncset.done $0x0  }
.LBB2_3:
0x1bd: {  	[sflag:s5] =	ssyncadd.s32 @p0 $0xFFFF8000  }
0x1be: {  	[tilespmem:s2], [sflag:$0x1] =	stream.linear.gather [hbm4b:s0+s2], $0x8000, $0x38;
	[tilespmem:$0x18000] =	vst v63  }
0x1bf: {  	s1 =	rddreg [dreg:$0x4]  }
0x1c0: {  	[tilespmem:s12], [sflag:$0x1] =	stream.linear.gather [hbm4b:s1+s2], $0x8000, $0x38;
	[tilespmem:$0x18000] =	vst v63  }
0x1c1: {  	_ =	swait.ge [sflag:s10], $0x8000  }
0x1c2: {  	[sflag:s10] =	ssyncset.done $0x0  }
0x1c3: {  	s0 =	rddreg [dreg:$0x5];
	[sflag:s10] =	ssyncadd.s32 $0xFFFF8000  }
0x1c4: {  	[hbm4b:s0+s2] =	stream.linear.scatter [tilespmem:s2], [sflag:$0x2], $0x8000, $0x38;
	[tilespmem:$0x18000] =	vst v63  }
0x1c5: {  	s1 =	rddreg [dreg:$0x6]  }
0x1c6: {  	[tilespmem:s11], [sflag:$0x1] =	stream.linear.gather [hbm4b:s1+s2], $0x8000, $0x38;
	[tilespmem:$0x18000] =	vst v63  }
0x1c7: {  	_ =	swait.ge [sflag:s10], $0x8000  }
0x1c8: {  	[sflag:s10] =	ssyncset.done $0x0  }
0x1c9: {  	s1 =	rddreg [dreg:$0x7];
	[sflag:s10] =	ssyncadd.s32 $0xFFFF8000  }
0x1ca: {  	[hbm4b:s1+s2] =	stream.linear.scatter [tilespmem:s12], [sflag:$0x3], $0x8000, $0x38;
	[tilespmem:$0x18000] =	vst v63  }
0x1cb: {  	_ =	swait.ge [sflag:s9], $0x8000  }
0x1cc: {  	[sflag:s9] =	ssyncset.done $0x0  }
0x1cd: {  	s1 =	rddreg [dreg:$0x8];
	[sflag:s9] =	ssyncadd.s32 $0xFFFF8000  }
0x1ce: {  	[tilespmem:s2], [sflag:$0x1] =	stream.linear.gather [hbm4b:s1+s2], $0x8000, $0x38;
	[tilespmem:$0x18000] =	vst v63  }
0x1cf: {  	_ =	swait.ge [sflag:s10], $0x8000  }
0x1d0: {  	[sflag:s10] =	ssyncset.done $0x0  }
0x1d1: {  	s1 =	rddreg [dreg:$0x9];
	[sflag:s10] =	ssyncadd.s32 $0xFFFF8000  }
0x1d2: {  	[hbm4b:s1+s2] =	stream.linear.scatter [tilespmem:s11], [sflag:$0x4], $0x8000, $0x38;
	[tilespmem:$0x18000] =	vst v63  }
0x1d3: {  	_ =	swait.ge [sflag:s7], $0x8000  }
0x1d4: {  	[sflag:s7] =	ssyncset.done $0x0  }
0x1d5: {  	s1 =	rddreg [dreg:$0xa];
	[sflag:s7] =	ssyncadd.s32 $0xFFFF8000  }
0x1d6: {  	[tilespmem:s12], [sflag:$0x1] =	stream.linear.gather [hbm4b:s1+s2], $0x8000, $0x38;
	[tilespmem:$0x18000] =	vst v63  }
0x1d7: {  	_ =	swait.ge [sflag:s10], $0x8000  }
0x1d8: {  	[sflag:s10] =	ssyncset.done $0x0  }
0x1d9: {  	s1 =	rddreg [dreg:$0xb];
	[sflag:s10] =	ssyncadd.s32 $0xFFFF8000  }
0x1da: {  	[hbm4b:s1+s2] =	stream.linear.scatter [tilespmem:s2], [sflag:$0x2], $0x8000, $0x38;
	[tilespmem:$0x18000] =	vst v63  }
0x1db: {  	_ =	swait.ge [sflag:s5], $0x8000  }
0x1dc: {  	[sflag:s5] =	ssyncset.done $0x0  }
0x1dd: {  	s1 =	rddreg [dreg:$0xc];
	[sflag:s5] =	ssyncadd.s32 $0xFFFF8000  }
0x1de: {  	[tilespmem:s11], [sflag:$0x1] =	stream.linear.gather [hbm4b:s1+s2], $0x8000, $0x38;
	[tilespmem:$0x18000] =	vst v63  }
0x1df: {  	_ =	swait.ge [sflag:s10], $0x8000  }
0x1e0: {  	[sflag:s10] =	ssyncset.done $0x0  }
0x1e1: {  	s1 =	rddreg [dreg:$0xd];
	[sflag:s10] =	ssyncadd.s32 $0xFFFF8000  }
0x1e2: {  	[hbm4b:s1+s2] =	stream.linear.scatter [tilespmem:s12], [sflag:$0x3], $0x8000, $0x38;
	[tilespmem:$0x18000] =	vst v63  }
0x1e3: {  	_ =	swait.ge [sflag:s9], $0x8000  }
0x1e4: {  	[sflag:s9] =	ssyncset.done $0x0  }
0x1e5: {  	s1 =	rddreg [dreg:$0xe];
	[sflag:s9] =	ssyncadd.s32 $0xFFFF8000  }
0x1e6: {  	[tilespmem:s2], [sflag:$0x1] =	stream.linear.gather [hbm4b:s1+s2], $0x8000, $0x38;
	[tilespmem:$0x18000] =	vst v63  }
0x1e7: {  	_ =	swait.ge [sflag:s10], $0x8000  }
0x1e8: {  	[sflag:s10] =	ssyncset.done $0x0  }
0x1e9: {  	s1 =	rddreg [dreg:$0xf];
	[sflag:s10] =	ssyncadd.s32 $0xFFFF8000  }
0x1ea: {  	[hbm4b:s1+s2] =	stream.linear.scatter [tilespmem:s11], [sflag:$0x4], $0x8000, $0x38;
	[tilespmem:$0x18000] =	vst v63  }
0x1eb: {  	_ =	swait.ge [sflag:s7], $0x8000  }
0x1ec: {  	[sflag:s7] =	ssyncset.done $0x0  }
0x1ed: {  	s1 =	rddreg [dreg:$0x10];
	[sflag:s7] =	ssyncadd.s32 $0xFFFF8000  }
0x1ee: {  	[tilespmem:s12], [sflag:$0x1] =	stream.linear.gather [hbm4b:s1+s2], $0x8000, $0x38;
	[tilespmem:$0x18000] =	vst v63  }
0x1ef: {  	_ =	swait.ge [sflag:s10], $0x8000  }
0x1f0: {  	[sflag:s10] =	ssyncset.done $0x0  }
0x1f1: {  	s1 =	rddreg [dreg:$0x11];
	[sflag:s10] =	ssyncadd.s32 $0xFFFF8000  }
0x1f2: {  	[hbm4b:s1+s2] =	stream.linear.scatter [tilespmem:s2], [sflag:$0x2], $0x8000, $0x38;
	[tilespmem:$0x18000] =	vst v63  }
0x1f3: {  	_ =	swait.ge [sflag:s5], $0x8000  }
0x1f4: {  	[sflag:s5] =	ssyncset.done $0x0  }
0x1f5: {  	s1 =	rddreg [dreg:$0x12];
	[sflag:s5] =	ssyncadd.s32 $0xFFFF8000  }
0x1f6: {  	[tilespmem:s11], [sflag:$0x1] =	stream.linear.gather [hbm4b:s1+s2], $0x8000, $0x38;
	[tilespmem:$0x18000] =	vst v63  }
0x1f7: {  	_ =	swait.ge [sflag:s10], $0x8000  }
0x1f8: {  	[sflag:s10] =	ssyncset.done $0x0  }
0x1f9: {  	s1 =	rddreg [dreg:$0x13];
	[sflag:s10] =	ssyncadd.s32 $0xFFFF8000  }
0x1fa: {  	[hbm4b:s1+s2] =	stream.linear.scatter [tilespmem:s12], [sflag:$0x3], $0x8000, $0x38;
	[tilespmem:$0x18000] =	vst v63  }
0x1fb: {  	_ =	swait.ge [sflag:s9], $0x8000  }
0x1fc: {  	[sflag:s9] =	ssyncset.done $0x0  }
0x1fd: {  	s1 =	rddreg [dreg:$0x14];
	[sflag:s9] =	ssyncadd.s32 $0xFFFF8000  }
0x1fe: {  	[tilespmem:s2], [sflag:$0x1] =	stream.linear.gather [hbm4b:s1+s2], $0x8000, $0x38;
	[tilespmem:$0x18000] =	vst v63  }
0x1ff: {  	_ =	swait.ge [sflag:s10], $0x8000  }
0x200: {  	[sflag:s10] =	ssyncset.done $0x0  }
0x201: {  	s1 =	rddreg [dreg:$0x15];
	[sflag:s10] =	ssyncadd.s32 $0xFFFF8000  }
0x202: {  	[hbm4b:s1+s2] =	stream.linear.scatter [tilespmem:s11], [sflag:$0x4], $0x8000, $0x38;
	[tilespmem:$0x18000] =	vst v63  }
0x203: {  	_ =	swait.ge [sflag:s7], $0x8000  }
0x204: {  	[sflag:s7] =	ssyncset.done $0x0  }
0x205: {  	s1 =	rddreg [dreg:$0x16];
	[sflag:s7] =	ssyncadd.s32 $0xFFFF8000  }
0x206: {  	[tilespmem:s12], [sflag:$0x1] =	stream.linear.gather [hbm4b:s1+s2], $0x8000, $0x38;
	[tilespmem:$0x18000] =	vst v63  }
0x207: {  	_ =	swait.ge [sflag:s10], $0x8000  }
0x208: {  	[sflag:s10] =	ssyncset.done $0x0  }
0x209: {  	s1 =	rddreg [dreg:$0x17];
	[sflag:s10] =	ssyncadd.s32 $0xFFFF8000  }
0x20a: {  	[hbm4b:s1+s2] =	stream.linear.scatter [tilespmem:s2], [sflag:$0x2], $0x8000, $0x38;
	[tilespmem:$0x18000] =	vst v63  }
0x20b: {  	_ =	swait.ge [sflag:s5], $0x8000  }
0x20c: {  	[sflag:s5] =	ssyncset.done $0x0  }
0x20d: {  	s1 =	rddreg [dreg:$0x18];
	[sflag:s5] =	ssyncadd.s32 $0xFFFF8000  }
0x20e: {  	[tilespmem:s11], [sflag:$0x1] =	stream.linear.gather [hbm4b:s1+s2], $0x8000, $0x38;
	[tilespmem:$0x18000] =	vst v63  }
0x20f: {  	_ =	swait.ge [sflag:s10], $0x8000  }
0x210: {  	[sflag:s10] =	ssyncset.done $0x0  }
0x211: {  	s1 =	rddreg [dreg:$0x19];
	[sflag:s10] =	ssyncadd.s32 $0xFFFF8000  }
0x212: {  	[hbm4b:s1+s2] =	stream.linear.scatter [tilespmem:s12], [sflag:$0x3], $0x8000, $0x38;
	[tilespmem:$0x18000] =	vst v63  }
0x213: {  	_ =	swait.ge [sflag:s9], $0x8000  }
0x214: {  	[sflag:s9] =	ssyncset.done $0x0  }
0x215: {  	s1 =	rddreg [dreg:$0x1a];
	[sflag:s9] =	ssyncadd.s32 $0xFFFF8000  }
0x216: {  	[tilespmem:s2], [sflag:$0x1] =	stream.linear.gather [hbm4b:s1+s2], $0x8000, $0x38;
	[tilespmem:$0x18000] =	vst v63  }
0x217: {  	_ =	swait.ge [sflag:s10], $0x8000  }
0x218: {  	[sflag:s10] =	ssyncset.done $0x0  }
0x219: {  	s1 =	rddreg [dreg:$0x1b];
	[sflag:s10] =	ssyncadd.s32 $0xFFFF8000  }
0x21a: {  	[hbm4b:s1+s2] =	stream.linear.scatter [tilespmem:s11], [sflag:$0x4], $0x8000, $0x38;
	[tilespmem:$0x18000] =	vst v63  }
0x21b: {  	_ =	swait.ge [sflag:s7], $0x8000  }
0x21c: {  	[sflag:s7] =	ssyncset.done $0x0  }
0x21d: {  	s1 =	rddreg [dreg:$0x1c];
	[sflag:s7] =	ssyncadd.s32 $0xFFFF8000  }
0x21e: {  	[tilespmem:s12], [sflag:$0x1] =	stream.linear.gather [hbm4b:s1+s2], $0x8000, $0x38;
	[tilespmem:$0x18000] =	vst v63  }
0x21f: {  	_ =	swait.ge [sflag:s10], $0x8000  }
0x220: {  	[sflag:s10] =	ssyncset.done $0x0  }
0x221: {  	[sflag:s10] =	ssyncadd.s32 $0xFFFF8000  }
0x222: {  	[hbm4b:s29+s2] =	stream.linear.scatter [tilespmem:s2], [sflag:$0x2], $0x8000, $0x38;
	[tilespmem:$0x18000] =	vst v63  }
0x223: {  	_ =	swait.ge [sflag:s5], $0x8000  }
0x224: {  	[sflag:s5] =	ssyncset.done $0x0  }
0x225: {  	[sflag:s5] =	ssyncadd.s32 $0xFFFF8000  }
0x226: {  	[tilespmem:s11], [sflag:$0x1] =	stream.linear.gather [hbm4b:s31+s2], $0x8000, $0x38;
	[tilespmem:$0x18000] =	vst v63  }
0x227: {  	_ =	swait.ge [sflag:s10], $0x8000  }
0x228: {  	[sflag:s10] =	ssyncset.done $0x0  }
0x229: {  	[sflag:s10] =	ssyncadd.s32 $0xFFFF8000  }
0x22a: {  	[hbm4b:s26+s2] =	stream.linear.scatter [tilespmem:s12], [sflag:$0x3], $0x8000, $0x38;
	[tilespmem:$0x18000] =	vst v63  }
0x22b: {  	_ =	swait.ge [sflag:s9], $0x8000  }
0x22c: {  	[sflag:s9] =	ssyncset.done $0x0  }
0x22d: {  	[sflag:s9] =	ssyncadd.s32 $0xFFFF8000  }
0x22e: {  	[tilespmem:s2], [sflag:$0x1] =	stream.linear.gather [hbm4b:s30+s2], $0x8000, $0x38;
	[tilespmem:$0x18000] =	vst v63  }
0x22f: {  	_ =	swait.ge [sflag:s10], $0x8000  }
0x230: {  	[sflag:s10] =	ssyncset.done $0x0  }
0x231: {  	[sflag:s10] =	ssyncadd.s32 $0xFFFF8000  }
0x232: {  	[hbm4b:s28+s2] =	stream.linear.scatter [tilespmem:s11], [sflag:$0x4], $0x8000, $0x38;
	[tilespmem:$0x18000] =	vst v63  }
0x233: {  	_ =	swait.ge [sflag:s7], $0x8000  }
0x234: {  	[sflag:s7] =	ssyncset.done $0x0  }
0x235: {  	[sflag:s7] =	ssyncadd.s32 $0xFFFF8000  }
0x236: {  	[tilespmem:s12], [sflag:$0x1] =	stream.linear.gather [hbm4b:s23+s2], $0x8000, $0x38;
	[tilespmem:$0x18000] =	vst v63  }
0x237: {  	_ =	swait.ge [sflag:s10], $0x8000  }
0x238: {  	[sflag:s10] =	ssyncset.done $0x0  }
0x239: {  	[sflag:s10] =	ssyncadd.s32 $0xFFFF8000  }
0x23a: {  	[hbm4b:s25+s2] =	stream.linear.scatter [tilespmem:s2], [sflag:$0x2], $0x8000, $0x38;
	[tilespmem:$0x18000] =	vst v63  }
0x23b: {  	_ =	swait.ge [sflag:s5], $0x8000  }
0x23c: {  	[sflag:s5] =	ssyncset.done $0x0  }
0x23d: {  	[sflag:s5] =	ssyncadd.s32 $0xFFFF8000  }
0x23e: {  	[tilespmem:s11], [sflag:$0x1] =	stream.linear.gather [hbm4b:s21+s2], $0x8000, $0x38;
	[tilespmem:$0x18000] =	vst v63  }
0x23f: {  	_ =	swait.ge [sflag:s10], $0x8000  }
0x240: {  	[sflag:s10] =	ssyncset.done $0x0  }
0x241: {  	[sflag:s10] =	ssyncadd.s32 $0xFFFF8000  }
0x242: {  	[hbm4b:s24+s2] =	stream.linear.scatter [tilespmem:s12], [sflag:$0x3], $0x8000, $0x38;
	[tilespmem:$0x18000] =	vst v63  }
0x243: {  	_ =	swait.ge [sflag:s9], $0x8000  }
0x244: {  	[sflag:s9] =	ssyncset.done $0x0  }
0x245: {  	[sflag:s9] =	ssyncadd.s32 $0xFFFF8000  }
0x246: {  	[tilespmem:s2], [sflag:$0x1] =	stream.linear.gather [hbm4b:s19+s2], $0x8000, $0x38;
	[tilespmem:$0x18000] =	vst v63  }
0x247: {  	_ =	swait.ge [sflag:s10], $0x8000  }
0x248: {  	[sflag:s10] =	ssyncset.done $0x0  }
0x249: {  	[sflag:s10] =	ssyncadd.s32 $0xFFFF8000  }
0x24a: {  	[hbm4b:s22+s2] =	stream.linear.scatter [tilespmem:s11], [sflag:$0x4], $0x8000, $0x38;
	[tilespmem:$0x18000] =	vst v63  }
0x24b: {  	_ =	swait.ge [sflag:s7], $0x8000  }
0x24c: {  	[sflag:s7] =	ssyncset.done $0x0  }
0x24d: {  	[sflag:s7] =	ssyncadd.s32 $0xFFFF8000  }
0x24e: {  	[tilespmem:s12], [sflag:$0x1] =	stream.linear.gather [hbm4b:s17+s2], $0x8000, $0x38;
	[tilespmem:$0x18000] =	vst v63  }
0x24f: {  	_ =	swait.ge [sflag:s10], $0x8000  }
0x250: {  	[sflag:s10] =	ssyncset.done $0x0  }
0x251: {  	[sflag:s10] =	ssyncadd.s32 $0xFFFF8000  }
0x252: {  	[hbm4b:s20+s2] =	stream.linear.scatter [tilespmem:s2], [sflag:$0x2], $0x8000, $0x38;
	[tilespmem:$0x18000] =	vst v63  }
0x253: {  	_ =	swait.ge [sflag:s5], $0x8000  }
0x254: {  	[sflag:s5] =	ssyncset.done $0x0  }
0x255: {  	[sflag:s5] =	ssyncadd.s32 $0xFFFF8000  }
0x256: {  	[tilespmem:s11], [sflag:$0x1] =	stream.linear.gather [hbm4b:s15+s2], $0x8000, $0x38;
	[tilespmem:$0x18000] =	vst v63  }
0x257: {  	_ =	swait.ge [sflag:s10], $0x8000  }
0x258: {  	[sflag:s10] =	ssyncset.done $0x0  }
0x259: {  	[sflag:s10] =	ssyncadd.s32 $0xFFFF8000  }
0x25a: {  	[hbm4b:s18+s2] =	stream.linear.scatter [tilespmem:s12], [sflag:$0x3], $0x8000, $0x38;
	[tilespmem:$0x18000] =	vst v63  }
0x25b: {  	_ =	swait.ge [sflag:s9], $0x8000  }
0x25c: {  	[sflag:s9] =	ssyncset.done $0x0  }
0x25d: {  	[sflag:s9] =	ssyncadd.s32 $0xFFFF8000  }
0x25e: {  	[tilespmem:s2], [sflag:$0x1] =	stream.linear.gather [hbm4b:s13+s2], $0x8000, $0x38;
	[tilespmem:$0x18000] =	vst v63  }
0x25f: {  	_ =	swait.ge [sflag:s10], $0x8000  }
0x260: {  	[sflag:s10] =	ssyncset.done $0x0  }
0x261: {  	[sflag:s10] =	ssyncadd.s32 $0xFFFF8000  }
0x262: {  	[hbm4b:s16+s2] =	stream.linear.scatter [tilespmem:s11], [sflag:$0x4], $0x8000, $0x38;
	[tilespmem:$0x18000] =	vst v63  }
0x263: {  	_ =	swait.ge [sflag:s7], $0x8000  }
0x264: {  	[sflag:s7] =	ssyncset.done $0x0  }
0x265: {  	[sflag:s7] =	ssyncadd.s32 $0xFFFF8000  }
0x266: {  	[tilespmem:s12], [sflag:$0x1] =	stream.linear.gather [hbm4b:s6+s2], $0x8000, $0x38;
	[tilespmem:$0x18000] =	vst v63  }
0x267: {  	_ =	swait.ge [sflag:s10], $0x8000  }
0x268: {  	[sflag:s10] =	ssyncset.done $0x0  }
0x269: {  	[sflag:s10] =	ssyncadd.s32 $0xFFFF8000  }
0x26a: {  	[hbm4b:s14+s2] =	stream.linear.scatter [tilespmem:s2], [sflag:$0x2], $0x8000, $0x38;
	[tilespmem:$0x18000] =	vst v63  }
0x26b: {  	_ =	swait.ge [sflag:s5], $0x8000  }
0x26c: {  	[sflag:s5] =	ssyncset.done $0x0  }
0x26d: {  	[sflag:s5] =	ssyncadd.s32 $0xFFFF8000  }
0x26e: {  	[tilespmem:s11], [sflag:$0x1] =	stream.linear.gather [hbm4b:s3+s2], $0x8000, $0x38;
	[tilespmem:$0x18000] =	vst v63  }
0x26f: {  	_ =	swait.ge [sflag:s10], $0x8000  }
0x270: {  	[sflag:s10] =	ssyncset.done $0x0  }
0x271: {  	[sflag:s10] =	ssyncadd.s32 $0xFFFF8000  }
0x272: {  	[hbm4b:s8+s2] =	stream.linear.scatter [tilespmem:s12], [sflag:$0x3], $0x8000, $0x38;
	[tilespmem:$0x18000] =	vst v63  }
0x273: {  	_ =	swait.ge [sflag:s10], $0x8000  }
0x274: {  	[sflag:s10] =	ssyncset.done $0x0  }
0x275: {  	[sflag:s10] =	ssyncadd.s32 $0xFFFF8000  }
0x276: {  	[hbm4b:s4+s2] =	stream.linear.scatter [tilespmem:s11], [sflag:$0x4], $0x8000, $0x38;
	[tilespmem:$0x18000] =	vst v63  }
0x277: {  	_ =	swait.ge [sflag:s9], $0x8000  }
0x278: {  	[sflag:s9] =	ssyncset.done $0x0  }
0x279: {  	[sflag:s9] =	ssyncadd.s32 $0xFFFF8000  }
0x27a: {  	_ =	swait.ge [sflag:s7], $0x8000  }
0x27b: {  	[sflag:s7] =	ssyncset.done $0x0  }
0x27c: {  	[sflag:s7] =	ssyncadd.s32 $0xFFFF8000  }
0x27d: {  	_ =	swait.ge [sflag:s5], $0x8000  }
0x27e: {  	[sflag:s5] =	ssyncset.done $0x0  }
0x27f: {  	[sflag:s5] =	ssyncadd.s32 $0xFFFF8000  }
0x280: {  	_ =	sfence.sel $0x180000  }
0x281: {  	[bflag:$0x0] =	sbarrier.arrive $0xFFFF  }
0x282: {  	_ =	strace $0x90000047  }
0x283: {  	s31 =	stileid.u32;
	[bflag:$0x2] =	sbarrier.arrive $0xFFFF  }
0x284: {  	p0 =	sne.s32 s31, $0x0;
	s0 =	rddreg [dreg:$0x2]  }
0x285: {  	s0 =	sadd.s32 @!p0 $0x100000, s0  }
0x286: {  	[sflag:s0] =	ssyncadd.tile.s32 @!p0 $0x1;
	_ =	shalt  }
.Lfunc_end2:
_tile_overlayer_lowered:
.L_overlay_start_2:
0x287: {  	(tag) =	ssettag $0x2  }
0x288: {  	s0 =	rddreg [dreg:$0x0];
	s2 =	stileid.u32  }
0x289: {  	s1 =	rddreg [dreg:$0x1];
	p0 =	sne.s32 s2, $0x0  }
0x28a: {  	s3 =	rddreg [dreg:$0x2];
	[bflag:$0x3] =	sbarrier.arrive $0xFFFF;
	s2 =	simm.s32 @!p0 $0x1C05  }
0x28b: {  	[timem:s3], [sflag:s2] =	dma.local @!p0 [hbm:s0], s1  }
0x28c: {  	s0 =	simm.s32 @!p0 $0x5  }
0x28d: {  	_ =	swait.ge @!p0 [sflag:s0], s1  }
0x28e: {  	s1 =	ssub.s32 @!p0 $0x0, s1;
	[sflag:s0] =	ssyncset.done @!p0 $0x0  }
0x28f: {  	[sflag:s0] =	ssyncadd.s32 @!p0 s1  }
0x290: {  	[bflag:$0x3] =	sbarrier.arrive $0xFFFF  }
0x291: {  	_ =	shalt  }

</sc_bundles>
